<compile_context>
chip_gen: v7x
topology: tpu7x:2x2x1
jax: 0.10.2.dev20260603
libtpu: 0.0.44.dev20260713+nightly
codegen_flags: <defaults>
</compile_context>

<pallas_src>
import functools

import jax
import jax.numpy as jnp
from jax import lax
from jax.experimental import pallas as pl
from jax.experimental.pallas import tpu as pltpu
from jax.experimental.pallas import tpu_sc as plsc

_N = 10000
_E = 320000
_DEG = _E // _N
_DL = 32
_LANES = 16
_W = 32
_C = 32
_ECH = _C * _DEG
_GSUB = 512
_NPW = 320
_NCHUNK = _NPW // _C

_PERM = list(range(0, _DL, 2)) + list(range(1, _DL, 2))


def _sigmoid(x):
    return 1.0 / (1.0 + jnp.exp(-x))


def _eluplus(x):
    return jnp.where(x > 0, x + 1.0, jnp.exp(x))



def _tables_body(x_ref, wql_ref, wkl_ref, qk_ref, xsum_ref):
    xb = x_ref[...]
    inv_d = 1.0 / 128.0
    wq = _sigmoid(wql_ref[...])
    wq = wq / jnp.sum(wq)
    qk_ref[0] = (jnp.dot(xb, wq.T, preferred_element_type=jnp.float32)
                 * inv_d).astype(jnp.bfloat16)
    qk_ref[1] = (jnp.dot(xb, _eluplus(wkl_ref[...]).T,
                         preferred_element_type=jnp.float32)
                 * inv_d).astype(jnp.bfloat16)

    @pl.when(pl.program_id(0) == 0)
    def _():
        xsum_ref[...] = jnp.zeros_like(xsum_ref)

    xsum_ref[...] += jnp.sum(xb, axis=0, keepdims=True)


def _tables(x, w_q_local, w_k_local):
    n, d = x.shape
    blk = 2000
    full = lambda i: (0, 0)
    row = lambda i: (i, 0)
    return pl.pallas_call(
        _tables_body,
        grid=(n // blk,),
        in_specs=[
            pl.BlockSpec((blk, d), row),
            pl.BlockSpec(w_q_local.shape, full),
            pl.BlockSpec(w_k_local.shape, full),
        ],
        out_specs=[
            pl.BlockSpec((2, blk, _DL), lambda i: (0, i, 0)),
            pl.BlockSpec((1, d), full),
        ],
        out_shape=[
            jax.ShapeDtypeStruct((2, n, _DL), jnp.bfloat16),
            jax.ShapeDtypeStruct((1, d), jnp.float32),
        ],
    )(x, w_q_local, w_k_local)



def _split_bf16_row(row):
    bits = plsc.bitcast(row, jnp.int32)
    even = plsc.bitcast(jnp.left_shift(bits, 16), jnp.float32)
    odd = plsc.bitcast(bits, jnp.float32)
    return even, odd


def _sc_local_body(adj, qk, out_hbm,
                   idxk_all, idxq_all, qrows, krows, outv, qsh, ksh, gsem, osem):
    cid = lax.axis_index("c")
    sid = lax.axis_index("s")
    wid = sid * 2 + cid
    rows_per_tile = _N // 16
    seg = pl.ds(sid * rows_per_tile, rows_per_tile)
    pltpu.sync_copy(qk.at[0, seg], qsh.at[seg])
    pltpu.sync_copy(qk.at[1, seg], ksh.at[seg])
    plsc.subcore_barrier()
    nodes_w = jnp.where(wid < 2, _NPW, 312)
    base = wid * 312 + 8 * jnp.minimum(wid, 2)
    last_start = base + nodes_w - _C
    astart = jnp.minimum(base, _N - _NPW)
    pltpu.sync_copy(adj.at[0, pl.ds(astart * _DEG, _NPW * _DEG)], idxk_all)
    pltpu.sync_copy(adj.at[1, pl.ds(astart * _DEG, _NPW * _DEG)], idxq_all)

    def fire(jj, p):
        cs = pl.multiple_of(jnp.minimum(base + jj * _C, last_start), 8)
        boff = (cs - astart) * _DEG
        for k in range(_ECH // _GSUB):
            src = pl.ds(boff + k * _GSUB, _GSUB)
            dst = pl.ds(k * _GSUB, _GSUB)
            pltpu.async_copy(qsh.at[idxq_all.at[src]], qrows.at[p, dst], gsem.at[p])
            pltpu.async_copy(ksh.at[idxk_all.at[src]], krows.at[p, dst], gsem.at[p])

    def drain(p):
        for _ in range(2 * (_ECH // _GSUB)):
            pltpu.make_async_copy(
                qk.at[0, pl.ds(0, _GSUB)], qrows.at[p, pl.ds(0, _GSUB)],
                gsem.at[p]).wait()

    def compute(jj, p):
        cs = pl.multiple_of(jnp.minimum(base + jj * _C, last_start), 8)

        def node(i, _):
            acc = [jnp.zeros((_LANES,), jnp.float32) for _ in range(4)]
            for e0 in range(_DEG):
                e = i * _DEG + e0
                prod = qrows[p, e, :] * krows[p, e, :]
                p_ev, p_od = _split_bf16_row(prod)
                c = 2 * (e0 & 1)
                acc[c] = acc[c] + p_ev
                acc[c + 1] = acc[c + 1] + p_od
            outv[p, i, pl.ds(0, _LANES)] = acc[0] + acc[2]
            outv[p, i, pl.ds(_LANES, _LANES)] = acc[1] + acc[3]
            return 0

        lax.fori_loop(0, _C, node, 0)
        pltpu.async_copy(outv.at[p], out_hbm.at[pl.ds(cs, _C)], osem.at[p])

    def wait_out(p):
        pltpu.make_async_copy(outv.at[p], out_hbm.at[pl.ds(0, _C)], osem.at[p]).wait()

    fire(0, 0)

    def body(j, carry):
        for b in range(2):
            jj = j + b
            p = b & 1

            @pl.when(jj < _NCHUNK - 1)
            def _():
                fire(jj + 1, 1 - p)

            drain(p)

            @pl.when(jj >= 2)
            def _():
                wait_out(p)

            compute(jj, p)
        return carry

    lax.fori_loop(0, _NCHUNK // 2, lambda j, c: body(2 * j, c), 0)
    wait_out(0)
    wait_out(1)


def _sc_local(adj, qk):
    mesh = plsc.VectorSubcoreMesh(core_axis_name="c", subcore_axis_name="s")
    run = functools.partial(
        pl.kernel,
        out_type=jax.ShapeDtypeStruct((_N, _DL), jnp.float32),
        mesh=mesh,
        scratch_types=[
            pltpu.VMEM((_NPW * _DEG,), jnp.int32),
            pltpu.VMEM((_NPW * _DEG,), jnp.int32),
            pltpu.VMEM((2, _ECH, _DL), jnp.bfloat16),
            pltpu.VMEM((2, _ECH, _DL), jnp.bfloat16),
            pltpu.VMEM((2, _C, _DL), jnp.float32),
            pltpu.VMEM_SHARED((_N, _DL), jnp.bfloat16),
            pltpu.VMEM_SHARED((_N, _DL), jnp.bfloat16),
            pltpu.SemaphoreType.DMA((2,)),
            pltpu.SemaphoreType.DMA((2,)),
        ],
        compiler_params=pltpu.CompilerParams(use_tc_tiling_on_sc=False,
                                             needs_layout_passes=False),
    )(_sc_local_body)
    return run(adj, qk)



def _egoglobal_body(x_ref, wqe_ref, wqg_ref, wkg_ref, xsum_ref,
                    wve_ref, wvg_ref, peg_ref, se_ref):
    xb = x_ref[...]
    inv_d = 1.0 / 128.0
    emb = jnp.dot(xb, wqe_ref[...].T, preferred_element_type=jnp.float32) * inv_d
    ego = emb * emb
    wqg = _sigmoid(wqg_ref[...])
    wqg = wqg / jnp.sum(wqg)
    qg = jnp.dot(xb, wqg.T, preferred_element_type=jnp.float32) * inv_d
    xbar = xsum_ref[...] * (1.0 / _N)
    kg = jnp.dot(xbar, _eluplus(wkg_ref[...]).T,
                 preferred_element_type=jnp.float32) * inv_d
    gs = qg * kg
    peg_ref[...] = (
        jnp.dot(ego, _eluplus(wve_ref[...]).T, preferred_element_type=jnp.float32)
        + jnp.dot(gs, _eluplus(wvg_ref[...]).T, preferred_element_type=jnp.float32))
    se_ref[...] = (0.001
                   + jnp.sum(ego, axis=1, keepdims=True)
                   + jnp.sum(gs, axis=1, keepdims=True))


def _egoglobal(x, w_qk_ego, w_q_global, w_k_global, xsum, w_v_ego, w_v_global):
    n, d = x.shape
    blk = 2000
    full = lambda i: (0, 0)
    row = lambda i: (i, 0)
    return pl.pallas_call(
        _egoglobal_body,
        grid=(n // blk,),
        in_specs=[
            pl.BlockSpec((blk, d), row),
            pl.BlockSpec(w_qk_ego.shape, full),
            pl.BlockSpec(w_q_global.shape, full),
            pl.BlockSpec(w_k_global.shape, full),
            pl.BlockSpec((1, d), full),
            pl.BlockSpec(w_v_ego.shape, full),
            pl.BlockSpec(w_v_global.shape, full),
        ],
        out_specs=[
            pl.BlockSpec((blk, 128), row),
            pl.BlockSpec((blk, 1), row),
        ],
        out_shape=[
            jax.ShapeDtypeStruct((n, 128), jnp.float32),
            jax.ShapeDtypeStruct((n, 1), jnp.float32),
        ],
    )(x, w_qk_ego, w_q_global, w_k_global, xsum, w_v_ego, w_v_global)



def _combine_body(loc_ref, peg_ref, se_ref, wvl_ref, bias_ref, out_ref):
    loc = loc_ref[...]
    s = se_ref[...] + jnp.sum(loc, axis=1, keepdims=True)
    inv = 1.0 / s
    res = peg_ref[...] + jnp.dot(loc, _eluplus(wvl_ref[...]).T,
                                 preferred_element_type=jnp.float32)
    out_ref[...] = res * inv + _eluplus(bias_ref[...])


def _combine(loc, peg, se, w_v_local, bias_p):
    n = loc.shape[0]
    blk = 2000
    full = lambda i: (0, 0)
    row = lambda i: (i, 0)
    return pl.pallas_call(
        _combine_body,
        grid=(n // blk,),
        in_specs=[
            pl.BlockSpec((blk, _DL), row),
            pl.BlockSpec((blk, 128), row),
            pl.BlockSpec((blk, 1), row),
            pl.BlockSpec(w_v_local.shape, full),
            pl.BlockSpec(bias_p.shape, full),
        ],
        out_specs=pl.BlockSpec((blk, 128), row),
        out_shape=jax.ShapeDtypeStruct((n, 128), jnp.float32),
    )(loc, peg, se, w_v_local, bias_p)



def kernel(adj_matrix, x, w_qk_ego, w_v_ego, w_q_local, w_k_local, w_v_local,
           w_q_global, w_k_global, w_v_global, bias_p):
    qk, xsum = _tables(x, w_q_local, w_k_local)
    loc_perm = _sc_local(adj_matrix, qk)
    perm = jnp.asarray(_PERM, dtype=jnp.int32)
    peg, se = _egoglobal(x, w_qk_ego, w_q_global, w_k_global, xsum,
                         w_v_ego, w_v_global)
    return _combine(loc_perm, peg, se, w_v_local[:, perm], bias_p)

# --- scband reference (transcript-rebuilt; emitter-appended) ---
"""Pipeline reference for scband-steamboat-84756884619468 (READ-ONLY COPY).

The authoritative reference and input builder live on the scoring server;
editing this copy changes nothing except your own understanding.
"""

import jax, jax.numpy as jnp
import numpy as np

N = 10000
E = 320000
D_IN = 128
D_EGO = 16
D_LOCAL = 32
D_GLOBAL = 16
D_OUT = 128


def _elu(x):
    return jnp.where(x > 0, x, jnp.expm1(x))


def setup_inputs(seed: int = 0) -> dict:
    key = jax.random.key(seed)
    ks = jax.random.split(key, 11)
    return {
        "adj_matrix": jax.random.randint(ks[0], (2, E), 0, N, dtype=jnp.int32),
        "x": jax.random.uniform(ks[1], (N, D_IN), dtype=jnp.float32),
        "w_qk_ego": jax.random.normal(ks[2], (D_EGO, D_IN), dtype=jnp.float32),
        "w_v_ego": jax.random.normal(ks[3], (D_OUT, D_EGO), dtype=jnp.float32) - 2.0,
        "w_q_local": jax.random.normal(ks[4], (D_LOCAL, D_IN), dtype=jnp.float32) / 10.0 - 2.0,
        "w_k_local": jax.random.normal(ks[5], (D_LOCAL, D_IN), dtype=jnp.float32) / 10.0 - 2.0,
        "w_v_local": jax.random.normal(ks[6], (D_OUT, D_LOCAL), dtype=jnp.float32) / 10.0 - 2.0,
        "w_q_global": jax.random.normal(ks[7], (D_GLOBAL, D_IN), dtype=jnp.float32) / 10.0 - 2.0,
        "w_k_global": jax.random.normal(ks[8], (D_GLOBAL, D_IN), dtype=jnp.float32) / 10.0 - 2.0,
        "w_v_global": jax.random.normal(ks[9], (D_OUT, D_GLOBAL), dtype=jnp.float32) / 10.0 - 2.0,
        "bias_p": jnp.zeros((1, D_OUT), dtype=jnp.float32),
    }


def reference(adj_matrix, x, w_qk_ego, w_v_ego, w_q_local, w_k_local, w_v_local, w_q_global, w_k_global, w_v_global, bias_p):
    d = x.shape[1]
    x_bar = jnp.mean(x, axis=0, keepdims=True)
    masked_x = x
    # ego branch
    ego_emb = masked_x @ w_qk_ego.T
    ego_scores = (ego_emb / d) ** 2  # [N, d_ego]
    # local branch (sparse): gather node embeddings per edge, elementwise product, reshape per-node
    wq_l = jax.nn.sigmoid(w_q_local)
    wq_l = wq_l / wq_l.sum()
    q_local = masked_x @ wq_l.T  # [N, d_local]
    k_local = x @ (_elu(w_k_local) + 1.0).T  # [N, d_local]
    q_g = q_local[adj_matrix[1, :], :]
    k_g = k_local[adj_matrix[0, :], :]
    local_scores = q_g * k_g  # [E, d_local]
    n_per = local_scores.shape[0] // x.shape[0]
    local_scores = local_scores.reshape(x.shape[0], n_per, D_LOCAL) / d / d
    local_scores = jnp.swapaxes(local_scores, -1, -2)  # [N, d_local, deg]
    # global branch
    wq_gl = jax.nn.sigmoid(w_q_global)
    wq_gl = wq_gl / wq_gl.sum()
    q_global = masked_x @ wq_gl.T  # [N, d_global]
    k_global = x_bar @ (_elu(w_k_global) + 1.0).T  # [1, d_global]
    global_scores = jnp.swapaxes(q_global, -1, -2)[:, :, None] * jnp.swapaxes(k_global, -1, -2)[:, None, :] / d / d
    global_scores = jnp.swapaxes(global_scores, -2, -3)  # [N, d_global, 1]
    # aggregate scores (note: original sums raw scores; max_score computed but unused)
    exp_ego_scores = ego_scores
    exp_local_scores = jnp.sum(local_scores, axis=-1)  # [N, d_local]
    exp_global_scores = jnp.sum(global_scores, axis=-1)  # [N, d_global]
    sum_exp_score = 0.001
    sum_exp_score = sum_exp_score + jnp.sum(exp_ego_scores, axis=-1, keepdims=True)
    sum_exp_score = sum_exp_score + jnp.sum(exp_local_scores, axis=-1, keepdims=True)
    sum_exp_score = sum_exp_score + jnp.sum(exp_global_scores, axis=-1, keepdims=True)
    ego_attn = exp_ego_scores / sum_exp_score
    ego_res = ego_attn @ (_elu(w_v_ego) + 1.0).T
    local_attn = exp_local_scores / sum_exp_score
    local_res = local_attn @ (_elu(w_v_local) + 1.0).T
    global_attn = exp_global_scores / sum_exp_score
    global_res = global_attn @ (_elu(w_v_global) + 1.0).T
    res = ego_res + local_res + global_res
    res = res + (_elu(bias_p) + 1.0)
    return res

if __name__ == "__main__":
    import jax
    _d = setup_inputs()
    print(jax.jit(kernel)(*tuple(_d.values())))

</pallas_src>

<mosaic_0001>
#map = affine_map<(d0, d1) -> (0, 0)>
#map1 = affine_map<(d0, d1) -> (0, 0, 0)>
module attributes {stable_mosaic.version = 14 : i64} {
  func.func @_sc_local_body(%arg0: i32, %arg1: i32, %arg2: memref<2x320000xi32, #tpu.memory_space<hbm>>, %arg3: memref<2x10000x32xbf16, #tpu.memory_space<hbm>>, %arg4: memref<10000x32xf32, #tpu.memory_space<hbm>>, %arg5: memref<10240xi32, #tpu.memory_space<vmem>>, %arg6: memref<10240xi32, #tpu.memory_space<vmem>>, %arg7: memref<2x1024x32xbf16, #tpu.memory_space<vmem>>, %arg8: memref<2x1024x32xbf16, #tpu.memory_space<vmem>>, %arg9: memref<2x32x32xf32, #tpu.memory_space<vmem>>, %arg10: memref<10000x32xbf16, #tpu.memory_space<vmem_shared>>, %arg11: memref<10000x32xbf16, #tpu.memory_space<vmem_shared>>, %arg12: memref<2x!tpu.dma_semaphore, #tpu.memory_space<semaphore_mem>>, %arg13: memref<2x!tpu.dma_semaphore, #tpu.memory_space<semaphore_mem>>) attributes {dimension_semantics = [#tpu.dimension_semantics<core_parallel>, #tpu.dimension_semantics<subcore_parallel>], iteration_bounds = array<i64: 2, 16>, scalar_prefetch = 0 : i64, scratch_operands = 9 : i64, tpu.core_type = #tpu.core_type<sc_vector_subcore>, window_params = [{transform_indices = #map}, {transform_indices = #map1}, {transform_indices = #map}]} {
    %mul3A = arith.constant 2 : i32
    %mul3A_0 = arith.muli %arg1, %mul3A : i32
    %add3A = arith.addi %mul3A_0, %arg0 : i32
    %mul3A_1 = arith.constant 625 : i32
    %mul3A_2 = arith.muli %arg1, %mul3A_1 : i32
    %run_scoped3A = arith.constant 0 : i32
    "tpu.region"() ({
      %run_scoped3A_119 = tpu.sem_alloc : memref<!tpu.dma_semaphore, #tpu.memory_space<semaphore_mem>>
      %dma_start3A_120 = arith.constant 0 : i32
      %dma_start3A_121 = tpu.memref_slice %arg10[%mul3A_2, %dma_start3A_120] : memref<10000x32xbf16, #tpu.memory_space<vmem_shared>> -> memref<625x32xbf16, #tpu.memory_space<vmem_shared>>
      %dma_start3A_122 = arith.constant 0 : i32
      %dma_start3A_123 = tpu.memref_slice %arg3[%run_scoped3A, %mul3A_2, %dma_start3A_122] : memref<2x10000x32xbf16, #tpu.memory_space<hbm>> -> memref<1x625x32xbf16, #tpu.memory_space<hbm>>
      %dma_start3A_124 = tpu.memref_squeeze %dma_start3A_123 : memref<1x625x32xbf16, #tpu.memory_space<hbm>> -> memref<625x32xbf16, #tpu.memory_space<hbm>>
      tpu.enqueue_dma source(%dma_start3A_124 : memref<625x32xbf16, #tpu.memory_space<hbm>>) target(%dma_start3A_121 : memref<625x32xbf16, #tpu.memory_space<vmem_shared>>) target_semaphore(%run_scoped3A_119 : memref<!tpu.dma_semaphore, #tpu.memory_space<semaphore_mem>>)
      %dma_wait3A_125 = arith.constant 0 : i32
      %dma_wait3A_126 = tpu.memref_slice %arg10[%mul3A_2, %dma_wait3A_125] : memref<10000x32xbf16, #tpu.memory_space<vmem_shared>> -> memref<625x32xbf16, #tpu.memory_space<vmem_shared>>
      %dma_wait3A_127 = arith.constant 0 : i32
      %dma_wait3A_128 = tpu.memref_slice %arg3[%run_scoped3A, %mul3A_2, %dma_wait3A_127] : memref<2x10000x32xbf16, #tpu.memory_space<hbm>> -> memref<1x625x32xbf16, #tpu.memory_space<hbm>>
      %dma_wait3A_129 = tpu.memref_squeeze %dma_wait3A_128 : memref<1x625x32xbf16, #tpu.memory_space<hbm>> -> memref<625x32xbf16, #tpu.memory_space<hbm>>
      tpu.wait_dma2 semaphore(%run_scoped3A_119 : memref<!tpu.dma_semaphore, #tpu.memory_space<semaphore_mem>>) src(%dma_wait3A_129 : memref<625x32xbf16, #tpu.memory_space<hbm>>) dst(%dma_wait3A_126 : memref<625x32xbf16, #tpu.memory_space<vmem_shared>>)
      tpu.yield
    }) : () -> ()
    %run_scoped3A_3 = arith.constant 1 : i32
    "tpu.region"() ({
      %run_scoped3A_119 = tpu.sem_alloc : memref<!tpu.dma_semaphore, #tpu.memory_space<semaphore_mem>>
      %dma_start3A_120 = arith.constant 0 : i32
      %dma_start3A_121 = tpu.memref_slice %arg11[%mul3A_2, %dma_start3A_120] : memref<10000x32xbf16, #tpu.memory_space<vmem_shared>> -> memref<625x32xbf16, #tpu.memory_space<vmem_shared>>
      %dma_start3A_122 = arith.constant 0 : i32
      %dma_start3A_123 = tpu.memref_slice %arg3[%run_scoped3A_3, %mul3A_2, %dma_start3A_122] : memref<2x10000x32xbf16, #tpu.memory_space<hbm>> -> memref<1x625x32xbf16, #tpu.memory_space<hbm>>
      %dma_start3A_124 = tpu.memref_squeeze %dma_start3A_123 : memref<1x625x32xbf16, #tpu.memory_space<hbm>> -> memref<625x32xbf16, #tpu.memory_space<hbm>>
      tpu.enqueue_dma source(%dma_start3A_124 : memref<625x32xbf16, #tpu.memory_space<hbm>>) target(%dma_start3A_121 : memref<625x32xbf16, #tpu.memory_space<vmem_shared>>) target_semaphore(%run_scoped3A_119 : memref<!tpu.dma_semaphore, #tpu.memory_space<semaphore_mem>>)
      %dma_wait3A_125 = arith.constant 0 : i32
      %dma_wait3A_126 = tpu.memref_slice %arg11[%mul3A_2, %dma_wait3A_125] : memref<10000x32xbf16, #tpu.memory_space<vmem_shared>> -> memref<625x32xbf16, #tpu.memory_space<vmem_shared>>
      %dma_wait3A_127 = arith.constant 0 : i32
      %dma_wait3A_128 = tpu.memref_slice %arg3[%run_scoped3A_3, %mul3A_2, %dma_wait3A_127] : memref<2x10000x32xbf16, #tpu.memory_space<hbm>> -> memref<1x625x32xbf16, #tpu.memory_space<hbm>>
      %dma_wait3A_129 = tpu.memref_squeeze %dma_wait3A_128 : memref<1x625x32xbf16, #tpu.memory_space<hbm>> -> memref<625x32xbf16, #tpu.memory_space<hbm>>
      tpu.wait_dma2 semaphore(%run_scoped3A_119 : memref<!tpu.dma_semaphore, #tpu.memory_space<semaphore_mem>>) src(%dma_wait3A_129 : memref<625x32xbf16, #tpu.memory_space<hbm>>) dst(%dma_wait3A_126 : memref<625x32xbf16, #tpu.memory_space<vmem_shared>>)
      tpu.yield
    }) : () -> ()
    %barrier3A = arith.constant 0 : index
    tpu.barrier barrier_id(%barrier3A)
    %lt3A = arith.constant 2 : i32
    %lt3A_4 = arith.cmpi slt, %add3A, %lt3A : i32
    %jit3A = arith.constant 320 : i32
    %jit3A_5 = arith.constant 312 : i32
    %select_n3A = arith.select %lt3A_4, %jit3A, %jit3A_5 : i32
    %mul3A_6 = arith.constant 312 : i32
    %mul3A_7 = arith.muli %add3A, %mul3A_6 : i32
    %min3A = arith.constant 2 : i32
    %min3A_8 = arith.minsi %add3A, %min3A : i32
    %mul3A_9 = arith.constant 8 : i32
    %mul3A_10 = arith.muli %mul3A_9, %min3A_8 : i32
    %add3A_11 = arith.addi %mul3A_7, %mul3A_10 : i32
    %add3A_12 = arith.addi %add3A_11, %select_n3A : i32
    %sub3A = arith.constant 32 : i32
    %sub3A_13 = arith.subi %add3A_12, %sub3A : i32
    %min3A_14 = arith.constant 9680 : i32
    %min3A_15 = arith.minsi %add3A_11, %min3A_14 : i32
    %mul3A_16 = arith.constant 32 : i32
    %mul3A_17 = arith.muli %min3A_15, %mul3A_16 : i32
    %run_scoped3A_18 = arith.constant 0 : i32
    "tpu.region"() ({
      %run_scoped3A_119 = tpu.sem_alloc : memref<!tpu.dma_semaphore, #tpu.memory_space<semaphore_mem>>
      %dma_start3A_120 = tpu.memref_slice %arg2[%run_scoped3A_18, %mul3A_17] : memref<2x320000xi32, #tpu.memory_space<hbm>> -> memref<1x10240xi32, #tpu.memory_space<hbm>>
      %dma_start3A_121 = tpu.memref_squeeze %dma_start3A_120 : memref<1x10240xi32, #tpu.memory_space<hbm>> -> memref<10240xi32, #tpu.memory_space<hbm>>
      %dma_start3A_122 = tpu.memref_slice %arg2[%run_scoped3A_18, %mul3A_17] : memref<2x320000xi32, #tpu.memory_space<hbm>> -> memref<1x10240xi32, #tpu.memory_space<hbm>>
      %dma_start3A_123 = tpu.memref_squeeze %dma_start3A_122 : memref<1x10240xi32, #tpu.memory_space<hbm>> -> memref<10240xi32, #tpu.memory_space<hbm>>
      tpu.enqueue_dma source(%dma_start3A_123 : memref<10240xi32, #tpu.memory_space<hbm>>) target(%arg5 : memref<10240xi32, #tpu.memory_space<vmem>>) target_semaphore(%run_scoped3A_119 : memref<!tpu.dma_semaphore, #tpu.memory_space<semaphore_mem>>)
      %dma_wait3A_124 = tpu.memref_slice %arg2[%run_scoped3A_18, %mul3A_17] : memref<2x320000xi32, #tpu.memory_space<hbm>> -> memref<1x10240xi32, #tpu.memory_space<hbm>>
      %dma_wait3A_125 = tpu.memref_squeeze %dma_wait3A_124 : memref<1x10240xi32, #tpu.memory_space<hbm>> -> memref<10240xi32, #tpu.memory_space<hbm>>
      %dma_wait3A_126 = tpu.memref_slice %arg2[%run_scoped3A_18, %mul3A_17] : memref<2x320000xi32, #tpu.memory_space<hbm>> -> memref<1x10240xi32, #tpu.memory_space<hbm>>
      %dma_wait3A_127 = tpu.memref_squeeze %dma_wait3A_126 : memref<1x10240xi32, #tpu.memory_space<hbm>> -> memref<10240xi32, #tpu.memory_space<hbm>>
      tpu.wait_dma2 semaphore(%run_scoped3A_119 : memref<!tpu.dma_semaphore, #tpu.memory_space<semaphore_mem>>) src(%dma_wait3A_127 : memref<10240xi32, #tpu.memory_space<hbm>>) dst(%arg5 : memref<10240xi32, #tpu.memory_space<vmem>>)
      tpu.yield
    }) : () -> ()
    %mul3A_19 = arith.constant 32 : i32
    %mul3A_20 = arith.muli %min3A_15, %mul3A_19 : i32
    %run_scoped3A_21 = arith.constant 1 : i32
    "tpu.region"() ({
      %run_scoped3A_119 = tpu.sem_alloc : memref<!tpu.dma_semaphore, #tpu.memory_space<semaphore_mem>>
      %dma_start3A_120 = tpu.memref_slice %arg2[%run_scoped3A_21, %mul3A_20] : memref<2x320000xi32, #tpu.memory_space<hbm>> -> memref<1x10240xi32, #tpu.memory_space<hbm>>
      %dma_start3A_121 = tpu.memref_squeeze %dma_start3A_120 : memref<1x10240xi32, #tpu.memory_space<hbm>> -> memref<10240xi32, #tpu.memory_space<hbm>>
      %dma_start3A_122 = tpu.memref_slice %arg2[%run_scoped3A_21, %mul3A_20] : memref<2x320000xi32, #tpu.memory_space<hbm>> -> memref<1x10240xi32, #tpu.memory_space<hbm>>
      %dma_start3A_123 = tpu.memref_squeeze %dma_start3A_122 : memref<1x10240xi32, #tpu.memory_space<hbm>> -> memref<10240xi32, #tpu.memory_space<hbm>>
      tpu.enqueue_dma source(%dma_start3A_123 : memref<10240xi32, #tpu.memory_space<hbm>>) target(%arg6 : memref<10240xi32, #tpu.memory_space<vmem>>) target_semaphore(%run_scoped3A_119 : memref<!tpu.dma_semaphore, #tpu.memory_space<semaphore_mem>>)
      %dma_wait3A_124 = tpu.memref_slice %arg2[%run_scoped3A_21, %mul3A_20] : memref<2x320000xi32, #tpu.memory_space<hbm>> -> memref<1x10240xi32, #tpu.memory_space<hbm>>
      %dma_wait3A_125 = tpu.memref_squeeze %dma_wait3A_124 : memref<1x10240xi32, #tpu.memory_space<hbm>> -> memref<10240xi32, #tpu.memory_space<hbm>>
      %dma_wait3A_126 = tpu.memref_slice %arg2[%run_scoped3A_21, %mul3A_20] : memref<2x320000xi32, #tpu.memory_space<hbm>> -> memref<1x10240xi32, #tpu.memory_space<hbm>>
      %dma_wait3A_127 = tpu.memref_squeeze %dma_wait3A_126 : memref<1x10240xi32, #tpu.memory_space<hbm>> -> memref<10240xi32, #tpu.memory_space<hbm>>
      tpu.wait_dma2 semaphore(%run_scoped3A_119 : memref<!tpu.dma_semaphore, #tpu.memory_space<semaphore_mem>>) src(%dma_wait3A_127 : memref<10240xi32, #tpu.memory_space<hbm>>) dst(%arg6 : memref<10240xi32, #tpu.memory_space<vmem>>)
      tpu.yield
    }) : () -> ()
    %add3A_22 = arith.constant 0 : i32
    %add3A_23 = arith.addi %add3A_11, %add3A_22 : i32
    %min3A_24 = arith.minsi %add3A_23, %sub3A_13 : i32
    %multiple_of3A = tpu.assume_multiple %min3A_24, 8 : i32
    %sub3A_25 = arith.subi %multiple_of3A, %min3A_15 : i32
    %mul3A_26 = arith.constant 32 : i32
    %mul3A_27 = arith.muli %sub3A_25, %mul3A_26 : i32
    %add3A_28 = arith.constant 0 : i32
    %add3A_29 = arith.addi %mul3A_27, %add3A_28 : i32
    %dma_start3A = arith.constant 0 : i32
    %dma_start3A_30 = arith.constant 0 : i32
    %dma_start3A_31 = arith.constant 0 : i32
    %dma_start3A_32 = arith.constant 0 : i32
    %dma_start3A_33 = tpu.memref_slice %arg7[%dma_start3A, %dma_start3A_31, %dma_start3A_32] : memref<2x1024x32xbf16, #tpu.memory_space<vmem>> -> memref<1x512x32xbf16, #tpu.memory_space<vmem>>
    %dma_start3A_34 = tpu.memref_squeeze %dma_start3A_33 : memref<1x512x32xbf16, #tpu.memory_space<vmem>> -> memref<512x32xbf16, #tpu.memory_space<vmem>>
    %dma_start3A_35 = tpu.memref_slice %arg6[%add3A_29] : memref<10240xi32, #tpu.memory_space<vmem>> -> memref<512xi32, #tpu.memory_space<vmem>>
    %dma_start3A_36 = arith.constant 0 : i32
    %dma_start3A_37 = arith.constant 0 : i32
    %dma_start3A_38 = tpu.memref_slice %arg10[%dma_start3A_36, %dma_start3A_37] : memref<10000x32xbf16, #tpu.memory_space<vmem_shared>> -> memref<10000x32xbf16, #tpu.memory_space<vmem_shared>>
    %dma_start3A_39 = tpu.memref_slice %arg12[%dma_start3A_30] : memref<2x!tpu.dma_semaphore, #tpu.memory_space<semaphore_mem>> -> memref<1x!tpu.dma_semaphore, #tpu.memory_space<semaphore_mem>>
    %dma_start3A_40 = tpu.memref_squeeze %dma_start3A_39 : memref<1x!tpu.dma_semaphore, #tpu.memory_space<semaphore_mem>> -> memref<!tpu.dma_semaphore, #tpu.memory_space<semaphore_mem>>
    tpu.enqueue_indirect_dma source(%dma_start3A_38 : memref<10000x32xbf16, #tpu.memory_space<vmem_shared>>) target(%dma_start3A_34 : memref<512x32xbf16, #tpu.memory_space<vmem>>) offsets(%dma_start3A_35 : memref<512xi32, #tpu.memory_space<vmem>>) semaphore(%dma_start3A_40 : memref<!tpu.dma_semaphore, #tpu.memory_space<semaphore_mem>>)
    %dma_start3A_41 = arith.constant 0 : i32
    %dma_start3A_42 = arith.constant 0 : i32
    %dma_start3A_43 = arith.constant 0 : i32
    %dma_start3A_44 = arith.constant 0 : i32
    %dma_start3A_45 = tpu.memref_slice %arg8[%dma_start3A_41, %dma_start3A_43, %dma_start3A_44] : memref<2x1024x32xbf16, #tpu.memory_space<vmem>> -> memref<1x512x32xbf16, #tpu.memory_space<vmem>>
    %dma_start3A_46 = tpu.memref_squeeze %dma_start3A_45 : memref<1x512x32xbf16, #tpu.memory_space<vmem>> -> memref<512x32xbf16, #tpu.memory_space<vmem>>
    %dma_start3A_47 = tpu.memref_slice %arg5[%add3A_29] : memref<10240xi32, #tpu.memory_space<vmem>> -> memref<512xi32, #tpu.memory_space<vmem>>
    %dma_start3A_48 = arith.constant 0 : i32
    %dma_start3A_49 = arith.constant 0 : i32
    %dma_start3A_50 = tpu.memref_slice %arg11[%dma_start3A_48, %dma_start3A_49] : memref<10000x32xbf16, #tpu.memory_space<vmem_shared>> -> memref<10000x32xbf16, #tpu.memory_space<vmem_shared>>
    %dma_start3A_51 = tpu.memref_slice %arg12[%dma_start3A_42] : memref<2x!tpu.dma_semaphore, #tpu.memory_space<semaphore_mem>> -> memref<1x!tpu.dma_semaphore, #tpu.memory_space<semaphore_mem>>
    %dma_start3A_52 = tpu.memref_squeeze %dma_start3A_51 : memref<1x!tpu.dma_semaphore, #tpu.memory_space<semaphore_mem>> -> memref<!tpu.dma_semaphore, #tpu.memory_space<semaphore_mem>>
    tpu.enqueue_indirect_dma source(%dma_start3A_50 : memref<10000x32xbf16, #tpu.memory_space<vmem_shared>>) target(%dma_start3A_46 : memref<512x32xbf16, #tpu.memory_space<vmem>>) offsets(%dma_start3A_47 : memref<512xi32, #tpu.memory_space<vmem>>) semaphore(%dma_start3A_52 : memref<!tpu.dma_semaphore, #tpu.memory_space<semaphore_mem>>)
    %add3A_53 = arith.constant 512 : i32
    %add3A_54 = arith.addi %mul3A_27, %add3A_53 : i32
    %dma_start3A_55 = arith.constant 0 : i32
    %dma_start3A_56 = arith.constant 0 : i32
    %dma_start3A_57 = arith.constant 512 : i32
    %dma_start3A_58 = arith.constant 0 : i32
    %dma_start3A_59 = tpu.memref_slice %arg7[%dma_start3A_55, %dma_start3A_57, %dma_start3A_58] : memref<2x1024x32xbf16, #tpu.memory_space<vmem>> -> memref<1x512x32xbf16, #tpu.memory_space<vmem>>
    %dma_start3A_60 = tpu.memref_squeeze %dma_start3A_59 : memref<1x512x32xbf16, #tpu.memory_space<vmem>> -> memref<512x32xbf16, #tpu.memory_space<vmem>>
    %dma_start3A_61 = tpu.memref_slice %arg6[%add3A_54] : memref<10240xi32, #tpu.memory_space<vmem>> -> memref<512xi32, #tpu.memory_space<vmem>>
    %dma_start3A_62 = arith.constant 0 : i32
    %dma_start3A_63 = arith.constant 0 : i32
    %dma_start3A_64 = tpu.memref_slice %arg10[%dma_start3A_62, %dma_start3A_63] : memref<10000x32xbf16, #tpu.memory_space<vmem_shared>> -> memref<10000x32xbf16, #tpu.memory_space<vmem_shared>>
    %dma_start3A_65 = tpu.memref_slice %arg12[%dma_start3A_56] : memref<2x!tpu.dma_semaphore, #tpu.memory_space<semaphore_mem>> -> memref<1x!tpu.dma_semaphore, #tpu.memory_space<semaphore_mem>>
    %dma_start3A_66 = tpu.memref_squeeze %dma_start3A_65 : memref<1x!tpu.dma_semaphore, #tpu.memory_space<semaphore_mem>> -> memref<!tpu.dma_semaphore, #tpu.memory_space<semaphore_mem>>
    tpu.enqueue_indirect_dma source(%dma_start3A_64 : memref<10000x32xbf16, #tpu.memory_space<vmem_shared>>) target(%dma_start3A_60 : memref<512x32xbf16, #tpu.memory_space<vmem>>) offsets(%dma_start3A_61 : memref<512xi32, #tpu.memory_space<vmem>>) semaphore(%dma_start3A_66 : memref<!tpu.dma_semaphore, #tpu.memory_space<semaphore_mem>>)
    %dma_start3A_67 = arith.constant 0 : i32
    %dma_start3A_68 = arith.constant 0 : i32
    %dma_start3A_69 = arith.constant 512 : i32
    %dma_start3A_70 = arith.constant 0 : i32
    %dma_start3A_71 = tpu.memref_slice %arg8[%dma_start3A_67, %dma_start3A_69, %dma_start3A_70] : memref<2x1024x32xbf16, #tpu.memory_space<vmem>> -> memref<1x512x32xbf16, #tpu.memory_space<vmem>>
    %dma_start3A_72 = tpu.memref_squeeze %dma_start3A_71 : memref<1x512x32xbf16, #tpu.memory_space<vmem>> -> memref<512x32xbf16, #tpu.memory_space<vmem>>
    %dma_start3A_73 = tpu.memref_slice %arg5[%add3A_54] : memref<10240xi32, #tpu.memory_space<vmem>> -> memref<512xi32, #tpu.memory_space<vmem>>
    %dma_start3A_74 = arith.constant 0 : i32
    %dma_start3A_75 = arith.constant 0 : i32
    %dma_start3A_76 = tpu.memref_slice %arg11[%dma_start3A_74, %dma_start3A_75] : memref<10000x32xbf16, #tpu.memory_space<vmem_shared>> -> memref<10000x32xbf16, #tpu.memory_space<vmem_shared>>
    %dma_start3A_77 = tpu.memref_slice %arg12[%dma_start3A_68] : memref<2x!tpu.dma_semaphore, #tpu.memory_space<semaphore_mem>> -> memref<1x!tpu.dma_semaphore, #tpu.memory_space<semaphore_mem>>
    %dma_start3A_78 = tpu.memref_squeeze %dma_start3A_77 : memref<1x!tpu.dma_semaphore, #tpu.memory_space<semaphore_mem>> -> memref<!tpu.dma_semaphore, #tpu.memory_space<semaphore_mem>>
    tpu.enqueue_indirect_dma source(%dma_start3A_76 : memref<10000x32xbf16, #tpu.memory_space<vmem_shared>>) target(%dma_start3A_72 : memref<512x32xbf16, #tpu.memory_space<vmem>>) offsets(%dma_start3A_73 : memref<512xi32, #tpu.memory_space<vmem>>) semaphore(%dma_start3A_78 : memref<!tpu.dma_semaphore, #tpu.memory_space<semaphore_mem>>)
    %scan3A = arith.constant 0 : i32
    %scan3A_79 = arith.constant 0 : i32
    %scan3A_80 = arith.constant 5 : i32
    %scan3A_81 = arith.addi %scan3A_79, %scan3A_80 : i32
    %scan3A_82 = arith.constant 1 : i32
    scf.for %scan3A_119 = %scan3A_79 to %scan3A_81 step %scan3A_82  : i32 {
      %mul3A_120 = arith.constant 2 : i32
      %mul3A_121 = arith.muli %mul3A_120, %scan3A_119 : i32
      %add3A_122 = arith.constant 0 : i32
      %add3A_123 = arith.addi %mul3A_121, %add3A_122 : i32
      %lt3A_124 = arith.constant 9 : i32
      %lt3A_125 = arith.cmpi slt, %add3A_123, %lt3A_124 : i32
      %convert_element_type3A = arith.extui %lt3A_125 : i1 to i32
      %cond3A = arith.constant 0 : i32
      %cond3A_126 = arith.cmpi ne, %convert_element_type3A, %cond3A : i32
      scf.if %cond3A_126 {
        %add3A_367 = arith.constant 1 : i32
        %add3A_368 = arith.addi %add3A_123, %add3A_367 : i32
        %mul3A_369 = arith.constant 32 : i32
        %mul3A_370 = arith.muli %add3A_368, %mul3A_369 : i32
        %add3A_371 = arith.addi %add3A_11, %mul3A_370 : i32
        %min3A_372 = arith.minsi %add3A_371, %sub3A_13 : i32
        %multiple_of3A_373 = tpu.assume_multiple %min3A_372, 8 : i32
        %sub3A_374 = arith.subi %multiple_of3A_373, %min3A_15 : i32
        %mul3A_375 = arith.constant 32 : i32
        %mul3A_376 = arith.muli %sub3A_374, %mul3A_375 : i32
        %add3A_377 = arith.constant 0 : i32
        %add3A_378 = arith.addi %mul3A_376, %add3A_377 : i32
        %dma_start3A_379 = arith.constant 1 : i32
        %dma_start3A_380 = arith.constant 1 : i32
        %dma_start3A_381 = arith.constant 0 : i32
        %dma_start3A_382 = arith.constant 0 : i32
        %dma_start3A_383 = tpu.memref_slice %arg7[%dma_start3A_379, %dma_start3A_381, %dma_start3A_382] : memref<2x1024x32xbf16, #tpu.memory_space<vmem>> -> memref<1x512x32xbf16, #tpu.memory_space<vmem>>
        %dma_start3A_384 = tpu.memref_squeeze %dma_start3A_383 : memref<1x512x32xbf16, #tpu.memory_space<vmem>> -> memref<512x32xbf16, #tpu.memory_space<vmem>>
        %dma_start3A_385 = tpu.memref_slice %arg6[%add3A_378] : memref<10240xi32, #tpu.memory_space<vmem>> -> memref<512xi32, #tpu.memory_space<vmem>>
        %dma_start3A_386 = arith.constant 0 : i32
        %dma_start3A_387 = arith.constant 0 : i32
        %dma_start3A_388 = tpu.memref_slice %arg10[%dma_start3A_386, %dma_start3A_387] : memref<10000x32xbf16, #tpu.memory_space<vmem_shared>> -> memref<10000x32xbf16, #tpu.memory_space<vmem_shared>>
        %dma_start3A_389 = tpu.memref_slice %arg12[%dma_start3A_380] : memref<2x!tpu.dma_semaphore, #tpu.memory_space<semaphore_mem>> -> memref<1x!tpu.dma_semaphore, #tpu.memory_space<semaphore_mem>>
        %dma_start3A_390 = tpu.memref_squeeze %dma_start3A_389 : memref<1x!tpu.dma_semaphore, #tpu.memory_space<semaphore_mem>> -> memref<!tpu.dma_semaphore, #tpu.memory_space<semaphore_mem>>
        tpu.enqueue_indirect_dma source(%dma_start3A_388 : memref<10000x32xbf16, #tpu.memory_space<vmem_shared>>) target(%dma_start3A_384 : memref<512x32xbf16, #tpu.memory_space<vmem>>) offsets(%dma_start3A_385 : memref<512xi32, #tpu.memory_space<vmem>>) semaphore(%dma_start3A_390 : memref<!tpu.dma_semaphore, #tpu.memory_space<semaphore_mem>>)
        %dma_start3A_391 = arith.constant 1 : i32
        %dma_start3A_392 = arith.constant 1 : i32
        %dma_start3A_393 = arith.constant 0 : i32
        %dma_start3A_394 = arith.constant 0 : i32
        %dma_start3A_395 = tpu.memref_slice %arg8[%dma_start3A_391, %dma_start3A_393, %dma_start3A_394] : memref<2x1024x32xbf16, #tpu.memory_space<vmem>> -> memref<1x512x32xbf16, #tpu.memory_space<vmem>>
        %dma_start3A_396 = tpu.memref_squeeze %dma_start3A_395 : memref<1x512x32xbf16, #tpu.memory_space<vmem>> -> memref<512x32xbf16, #tpu.memory_space<vmem>>
        %dma_start3A_397 = tpu.memref_slice %arg5[%add3A_378] : memref<10240xi32, #tpu.memory_space<vmem>> -> memref<512xi32, #tpu.memory_space<vmem>>
        %dma_start3A_398 = arith.constant 0 : i32
        %dma_start3A_399 = arith.constant 0 : i32
        %dma_start3A_400 = tpu.memref_slice %arg11[%dma_start3A_398, %dma_start3A_399] : memref<10000x32xbf16, #tpu.memory_space<vmem_shared>> -> memref<10000x32xbf16, #tpu.memory_space<vmem_shared>>
        %dma_start3A_401 = tpu.memref_slice %arg12[%dma_start3A_392] : memref<2x!tpu.dma_semaphore, #tpu.memory_space<semaphore_mem>> -> memref<1x!tpu.dma_semaphore, #tpu.memory_space<semaphore_mem>>
        %dma_start3A_402 = tpu.memref_squeeze %dma_start3A_401 : memref<1x!tpu.dma_semaphore, #tpu.memory_space<semaphore_mem>> -> memref<!tpu.dma_semaphore, #tpu.memory_space<semaphore_mem>>
        tpu.enqueue_indirect_dma source(%dma_start3A_400 : memref<10000x32xbf16, #tpu.memory_space<vmem_shared>>) target(%dma_start3A_396 : memref<512x32xbf16, #tpu.memory_space<vmem>>) offsets(%dma_start3A_397 : memref<512xi32, #tpu.memory_space<vmem>>) semaphore(%dma_start3A_402 : memref<!tpu.dma_semaphore, #tpu.memory_space<semaphore_mem>>)
        %add3A_403 = arith.constant 512 : i32
        %add3A_404 = arith.addi %mul3A_376, %add3A_403 : i32
        %dma_start3A_405 = arith.constant 1 : i32
        %dma_start3A_406 = arith.constant 1 : i32
        %dma_start3A_407 = arith.constant 512 : i32
        %dma_start3A_408 = arith.constant 0 : i32
        %dma_start3A_409 = tpu.memref_slice %arg7[%dma_start3A_405, %dma_start3A_407, %dma_start3A_408] : memref<2x1024x32xbf16, #tpu.memory_space<vmem>> -> memref<1x512x32xbf16, #tpu.memory_space<vmem>>
        %dma_start3A_410 = tpu.memref_squeeze %dma_start3A_409 : memref<1x512x32xbf16, #tpu.memory_space<vmem>> -> memref<512x32xbf16, #tpu.memory_space<vmem>>
        %dma_start3A_411 = tpu.memref_slice %arg6[%add3A_404] : memref<10240xi32, #tpu.memory_space<vmem>> -> memref<512xi32, #tpu.memory_space<vmem>>
        %dma_start3A_412 = arith.constant 0 : i32
        %dma_start3A_413 = arith.constant 0 : i32
        %dma_start3A_414 = tpu.memref_slice %arg10[%dma_start3A_412, %dma_start3A_413] : memref<10000x32xbf16, #tpu.memory_space<vmem_shared>> -> memref<10000x32xbf16, #tpu.memory_space<vmem_shared>>
        %dma_start3A_415 = tpu.memref_slice %arg12[%dma_start3A_406] : memref<2x!tpu.dma_semaphore, #tpu.memory_space<semaphore_mem>> -> memref<1x!tpu.dma_semaphore, #tpu.memory_space<semaphore_mem>>
        %dma_start3A_416 = tpu.memref_squeeze %dma_start3A_415 : memref<1x!tpu.dma_semaphore, #tpu.memory_space<semaphore_mem>> -> memref<!tpu.dma_semaphore, #tpu.memory_space<semaphore_mem>>
        tpu.enqueue_indirect_dma source(%dma_start3A_414 : memref<10000x32xbf16, #tpu.memory_space<vmem_shared>>) target(%dma_start3A_410 : memref<512x32xbf16, #tpu.memory_space<vmem>>) offsets(%dma_start3A_411 : memref<512xi32, #tpu.memory_space<vmem>>) semaphore(%dma_start3A_416 : memref<!tpu.dma_semaphore, #tpu.memory_space<semaphore_mem>>)
        %dma_start3A_417 = arith.constant 1 : i32
        %dma_start3A_418 = arith.constant 1 : i32
        %dma_start3A_419 = arith.constant 512 : i32
        %dma_start3A_420 = arith.constant 0 : i32
        %dma_start3A_421 = tpu.memref_slice %arg8[%dma_start3A_417, %dma_start3A_419, %dma_start3A_420] : memref<2x1024x32xbf16, #tpu.memory_space<vmem>> -> memref<1x512x32xbf16, #tpu.memory_space<vmem>>
        %dma_start3A_422 = tpu.memref_squeeze %dma_start3A_421 : memref<1x512x32xbf16, #tpu.memory_space<vmem>> -> memref<512x32xbf16, #tpu.memory_space<vmem>>
        %dma_start3A_423 = tpu.memref_slice %arg5[%add3A_404] : memref<10240xi32, #tpu.memory_space<vmem>> -> memref<512xi32, #tpu.memory_space<vmem>>
        %dma_start3A_424 = arith.constant 0 : i32
        %dma_start3A_425 = arith.constant 0 : i32
        %dma_start3A_426 = tpu.memref_slice %arg11[%dma_start3A_424, %dma_start3A_425] : memref<10000x32xbf16, #tpu.memory_space<vmem_shared>> -> memref<10000x32xbf16, #tpu.memory_space<vmem_shared>>
        %dma_start3A_427 = tpu.memref_slice %arg12[%dma_start3A_418] : memref<2x!tpu.dma_semaphore, #tpu.memory_space<semaphore_mem>> -> memref<1x!tpu.dma_semaphore, #tpu.memory_space<semaphore_mem>>
        %dma_start3A_428 = tpu.memref_squeeze %dma_start3A_427 : memref<1x!tpu.dma_semaphore, #tpu.memory_space<semaphore_mem>> -> memref<!tpu.dma_semaphore, #tpu.memory_space<semaphore_mem>>
        tpu.enqueue_indirect_dma source(%dma_start3A_426 : memref<10000x32xbf16, #tpu.memory_space<vmem_shared>>) target(%dma_start3A_422 : memref<512x32xbf16, #tpu.memory_space<vmem>>) offsets(%dma_start3A_423 : memref<512xi32, #tpu.memory_space<vmem>>) semaphore(%dma_start3A_428 : memref<!tpu.dma_semaphore, #tpu.memory_space<semaphore_mem>>)
      } else {
      }
      %dma_wait3A_127 = arith.constant 0 : i32
      %dma_wait3A_128 = arith.constant 0 : i32
      %dma_wait3A_129 = arith.constant 0 : i32
      %dma_wait3A_130 = arith.constant 0 : i32
      %dma_wait3A_131 = arith.constant 0 : i32
      %dma_wait3A_132 = tpu.memref_slice %arg7[%dma_wait3A_128, %dma_wait3A_130, %dma_wait3A_131] : memref<2x1024x32xbf16, #tpu.memory_space<vmem>> -> memref<1x512x32xbf16, #tpu.memory_space<vmem>>
      %dma_wait3A_133 = tpu.memref_squeeze %dma_wait3A_132 : memref<1x512x32xbf16, #tpu.memory_space<vmem>> -> memref<512x32xbf16, #tpu.memory_space<vmem>>
      %dma_wait3A_134 = arith.constant 0 : i32
      %dma_wait3A_135 = arith.constant 0 : i32
      %dma_wait3A_136 = tpu.memref_slice %arg3[%dma_wait3A_127, %dma_wait3A_134, %dma_wait3A_135] : memref<2x10000x32xbf16, #tpu.memory_space<hbm>> -> memref<1x512x32xbf16, #tpu.memory_space<hbm>>
      %dma_wait3A_137 = tpu.memref_squeeze %dma_wait3A_136 : memref<1x512x32xbf16, #tpu.memory_space<hbm>> -> memref<512x32xbf16, #tpu.memory_space<hbm>>
      %dma_wait3A_138 = tpu.memref_slice %arg12[%dma_wait3A_129] : memref<2x!tpu.dma_semaphore, #tpu.memory_space<semaphore_mem>> -> memref<1x!tpu.dma_semaphore, #tpu.memory_space<semaphore_mem>>
      %dma_wait3A_139 = tpu.memref_squeeze %dma_wait3A_138 : memref<1x!tpu.dma_semaphore, #tpu.memory_space<semaphore_mem>> -> memref<!tpu.dma_semaphore, #tpu.memory_space<semaphore_mem>>
      %dma_wait3A_140 = arith.constant 0 : i32
      %dma_wait3A_141 = arith.constant 0 : i32
      %dma_wait3A_142 = tpu.memref_slice %arg7[%dma_wait3A_128, %dma_wait3A_140, %dma_wait3A_141] : memref<2x1024x32xbf16, #tpu.memory_space<vmem>> -> memref<1x512x32xbf16, #tpu.memory_space<vmem>>
      %dma_wait3A_143 = tpu.memref_squeeze %dma_wait3A_142 : memref<1x512x32xbf16, #tpu.memory_space<vmem>> -> memref<512x32xbf16, #tpu.memory_space<vmem>>
      %dma_wait3A_144 = arith.constant 0 : i32
      %dma_wait3A_145 = arith.constant 0 : i32
      %dma_wait3A_146 = tpu.memref_slice %arg3[%dma_wait3A_127, %dma_wait3A_144, %dma_wait3A_145] : memref<2x10000x32xbf16, #tpu.memory_space<hbm>> -> memref<1x512x32xbf16, #tpu.memory_space<hbm>>
      %dma_wait3A_147 = tpu.memref_squeeze %dma_wait3A_146 : memref<1x512x32xbf16, #tpu.memory_space<hbm>> -> memref<512x32xbf16, #tpu.memory_space<hbm>>
      tpu.wait_dma2 semaphore(%dma_wait3A_139 : memref<!tpu.dma_semaphore, #tpu.memory_space<semaphore_mem>>) src(%dma_wait3A_147 : memref<512x32xbf16, #tpu.memory_space<hbm>>) dst(%dma_wait3A_143 : memref<512x32xbf16, #tpu.memory_space<vmem>>)
      %dma_wait3A_148 = arith.constant 0 : i32
      %dma_wait3A_149 = arith.constant 0 : i32
      %dma_wait3A_150 = arith.constant 0 : i32
      %dma_wait3A_151 = arith.constant 0 : i32
      %dma_wait3A_152 = arith.constant 0 : i32
      %dma_wait3A_153 = tpu.memref_slice %arg7[%dma_wait3A_149, %dma_wait3A_151, %dma_wait3A_152] : memref<2x1024x32xbf16, #tpu.memory_space<vmem>> -> memref<1x512x32xbf16, #tpu.memory_space<vmem>>
      %dma_wait3A_154 = tpu.memref_squeeze %dma_wait3A_153 : memref<1x512x32xbf16, #tpu.memory_space<vmem>> -> memref<512x32xbf16, #tpu.memory_space<vmem>>
      %dma_wait3A_155 = arith.constant 0 : i32
      %dma_wait3A_156 = arith.constant 0 : i32
      %dma_wait3A_157 = tpu.memref_slice %arg3[%dma_wait3A_148, %dma_wait3A_155, %dma_wait3A_156] : memref<2x10000x32xbf16, #tpu.memory_space<hbm>> -> memref<1x512x32xbf16, #tpu.memory_space<hbm>>
      %dma_wait3A_158 = tpu.memref_squeeze %dma_wait3A_157 : memref<1x512x32xbf16, #tpu.memory_space<hbm>> -> memref<512x32xbf16, #tpu.memory_space<hbm>>
      %dma_wait3A_159 = tpu.memref_slice %arg12[%dma_wait3A_150] : memref<2x!tpu.dma_semaphore, #tpu.memory_space<semaphore_mem>> -> memref<1x!tpu.dma_semaphore, #tpu.memory_space<semaphore_mem>>
      %dma_wait3A_160 = tpu.memref_squeeze %dma_wait3A_159 : memref<1x!tpu.dma_semaphore, #tpu.memory_space<semaphore_mem>> -> memref<!tpu.dma_semaphore, #tpu.memory_space<semaphore_mem>>
      %dma_wait3A_161 = arith.constant 0 : i32
      %dma_wait3A_162 = arith.constant 0 : i32
      %dma_wait3A_163 = tpu.memref_slice %arg7[%dma_wait3A_149, %dma_wait3A_161, %dma_wait3A_162] : memref<2x1024x32xbf16, #tpu.memory_space<vmem>> -> memref<1x512x32xbf16, #tpu.memory_space<vmem>>
      %dma_wait3A_164 = tpu.memref_squeeze %dma_wait3A_163 : memref<1x512x32xbf16, #tpu.memory_space<vmem>> -> memref<512x32xbf16, #tpu.memory_space<vmem>>
      %dma_wait3A_165 = arith.constant 0 : i32
      %dma_wait3A_166 = arith.constant 0 : i32
      %dma_wait3A_167 = tpu.memref_slice %arg3[%dma_wait3A_148, %dma_wait3A_165, %dma_wait3A_166] : memref<2x10000x32xbf16, #tpu.memory_space<hbm>> -> memref<1x512x32xbf16, #tpu.memory_space<hbm>>
      %dma_wait3A_168 = tpu.memref_squeeze %dma_wait3A_167 : memref<1x512x32xbf16, #tpu.memory_space<hbm>> -> memref<512x32xbf16, #tpu.memory_space<hbm>>
      tpu.wait_dma2 semaphore(%dma_wait3A_160 : memref<!tpu.dma_semaphore, #tpu.memory_space<semaphore_mem>>) src(%dma_wait3A_168 : memref<512x32xbf16, #tpu.memory_space<hbm>>) dst(%dma_wait3A_164 : memref<512x32xbf16, #tpu.memory_space<vmem>>)
      %dma_wait3A_169 = arith.constant 0 : i32
      %dma_wait3A_170 = arith.constant 0 : i32
      %dma_wait3A_171 = arith.constant 0 : i32
      %dma_wait3A_172 = arith.constant 0 : i32
      %dma_wait3A_173 = arith.constant 0 : i32
      %dma_wait3A_174 = tpu.memref_slice %arg7[%dma_wait3A_170, %dma_wait3A_172, %dma_wait3A_173] : memref<2x1024x32xbf16, #tpu.memory_space<vmem>> -> memref<1x512x32xbf16, #tpu.memory_space<vmem>>
      %dma_wait3A_175 = tpu.memref_squeeze %dma_wait3A_174 : memref<1x512x32xbf16, #tpu.memory_space<vmem>> -> memref<512x32xbf16, #tpu.memory_space<vmem>>
      %dma_wait3A_176 = arith.constant 0 : i32
      %dma_wait3A_177 = arith.constant 0 : i32
      %dma_wait3A_178 = tpu.memref_slice %arg3[%dma_wait3A_169, %dma_wait3A_176, %dma_wait3A_177] : memref<2x10000x32xbf16, #tpu.memory_space<hbm>> -> memref<1x512x32xbf16, #tpu.memory_space<hbm>>
      %dma_wait3A_179 = tpu.memref_squeeze %dma_wait3A_178 : memref<1x512x32xbf16, #tpu.memory_space<hbm>> -> memref<512x32xbf16, #tpu.memory_space<hbm>>
      %dma_wait3A_180 = tpu.memref_slice %arg12[%dma_wait3A_171] : memref<2x!tpu.dma_semaphore, #tpu.memory_space<semaphore_mem>> -> memref<1x!tpu.dma_semaphore, #tpu.memory_space<semaphore_mem>>
      %dma_wait3A_181 = tpu.memref_squeeze %dma_wait3A_180 : memref<1x!tpu.dma_semaphore, #tpu.memory_space<semaphore_mem>> -> memref<!tpu.dma_semaphore, #tpu.memory_space<semaphore_mem>>
      %dma_wait3A_182 = arith.constant 0 : i32
      %dma_wait3A_183 = arith.constant 0 : i32
      %dma_wait3A_184 = tpu.memref_slice %arg7[%dma_wait3A_170, %dma_wait3A_182, %dma_wait3A_183] : memref<2x1024x32xbf16, #tpu.memory_space<vmem>> -> memref<1x512x32xbf16, #tpu.memory_space<vmem>>
      %dma_wait3A_185 = tpu.memref_squeeze %dma_wait3A_184 : memref<1x512x32xbf16, #tpu.memory_space<vmem>> -> memref<512x32xbf16, #tpu.memory_space<vmem>>
      %dma_wait3A_186 = arith.constant 0 : i32
      %dma_wait3A_187 = arith.constant 0 : i32
      %dma_wait3A_188 = tpu.memref_slice %arg3[%dma_wait3A_169, %dma_wait3A_186, %dma_wait3A_187] : memref<2x10000x32xbf16, #tpu.memory_space<hbm>> -> memref<1x512x32xbf16, #tpu.memory_space<hbm>>
      %dma_wait3A_189 = tpu.memref_squeeze %dma_wait3A_188 : memref<1x512x32xbf16, #tpu.memory_space<hbm>> -> memref<512x32xbf16, #tpu.memory_space<hbm>>
      tpu.wait_dma2 semaphore(%dma_wait3A_181 : memref<!tpu.dma_semaphore, #tpu.memory_space<semaphore_mem>>) src(%dma_wait3A_189 : memref<512x32xbf16, #tpu.memory_space<hbm>>) dst(%dma_wait3A_185 : memref<512x32xbf16, #tpu.memory_space<vmem>>)
      %dma_wait3A_190 = arith.constant 0 : i32
      %dma_wait3A_191 = arith.constant 0 : i32
      %dma_wait3A_192 = arith.constant 0 : i32
      %dma_wait3A_193 = arith.constant 0 : i32
      %dma_wait3A_194 = arith.constant 0 : i32
      %dma_wait3A_195 = tpu.memref_slice %arg7[%dma_wait3A_191, %dma_wait3A_193, %dma_wait3A_194] : memref<2x1024x32xbf16, #tpu.memory_space<vmem>> -> memref<1x512x32xbf16, #tpu.memory_space<vmem>>
      %dma_wait3A_196 = tpu.memref_squeeze %dma_wait3A_195 : memref<1x512x32xbf16, #tpu.memory_space<vmem>> -> memref<512x32xbf16, #tpu.memory_space<vmem>>
      %dma_wait3A_197 = arith.constant 0 : i32
      %dma_wait3A_198 = arith.constant 0 : i32
      %dma_wait3A_199 = tpu.memref_slice %arg3[%dma_wait3A_190, %dma_wait3A_197, %dma_wait3A_198] : memref<2x10000x32xbf16, #tpu.memory_space<hbm>> -> memref<1x512x32xbf16, #tpu.memory_space<hbm>>
      %dma_wait3A_200 = tpu.memref_squeeze %dma_wait3A_199 : memref<1x512x32xbf16, #tpu.memory_space<hbm>> -> memref<512x32xbf16, #tpu.memory_space<hbm>>
      %dma_wait3A_201 = tpu.memref_slice %arg12[%dma_wait3A_192] : memref<2x!tpu.dma_semaphore, #tpu.memory_space<semaphore_mem>> -> memref<1x!tpu.dma_semaphore, #tpu.memory_space<semaphore_mem>>
      %dma_wait3A_202 = tpu.memref_squeeze %dma_wait3A_201 : memref<1x!tpu.dma_semaphore, #tpu.memory_space<semaphore_mem>> -> memref<!tpu.dma_semaphore, #tpu.memory_space<semaphore_mem>>
      %dma_wait3A_203 = arith.constant 0 : i32
      %dma_wait3A_204 = arith.constant 0 : i32
      %dma_wait3A_205 = tpu.memref_slice %arg7[%dma_wait3A_191, %dma_wait3A_203, %dma_wait3A_204] : memref<2x1024x32xbf16, #tpu.memory_space<vmem>> -> memref<1x512x32xbf16, #tpu.memory_space<vmem>>
      %dma_wait3A_206 = tpu.memref_squeeze %dma_wait3A_205 : memref<1x512x32xbf16, #tpu.memory_space<vmem>> -> memref<512x32xbf16, #tpu.memory_space<vmem>>
      %dma_wait3A_207 = arith.constant 0 : i32
      %dma_wait3A_208 = arith.constant 0 : i32
      %dma_wait3A_209 = tpu.memref_slice %arg3[%dma_wait3A_190, %dma_wait3A_207, %dma_wait3A_208] : memref<2x10000x32xbf16, #tpu.memory_space<hbm>> -> memref<1x512x32xbf16, #tpu.memory_space<hbm>>
      %dma_wait3A_210 = tpu.memref_squeeze %dma_wait3A_209 : memref<1x512x32xbf16, #tpu.memory_space<hbm>> -> memref<512x32xbf16, #tpu.memory_space<hbm>>
      tpu.wait_dma2 semaphore(%dma_wait3A_202 : memref<!tpu.dma_semaphore, #tpu.memory_space<semaphore_mem>>) src(%dma_wait3A_210 : memref<512x32xbf16, #tpu.memory_space<hbm>>) dst(%dma_wait3A_206 : memref<512x32xbf16, #tpu.memory_space<vmem>>)
      %ge3A = arith.constant 2 : i32
      %ge3A_211 = arith.cmpi sge, %add3A_123, %ge3A : i32
      %convert_element_type3A_212 = arith.extui %ge3A_211 : i1 to i32
      %cond3A_213 = arith.constant 0 : i32
      %cond3A_214 = arith.cmpi ne, %convert_element_type3A_212, %cond3A_213 : i32
      scf.if %cond3A_214 {
        %dma_wait3A_367 = arith.constant 0 : i32
        %dma_wait3A_368 = arith.constant 0 : i32
        %dma_wait3A_369 = arith.constant 0 : i32
        %dma_wait3A_370 = arith.constant 0 : i32
        %dma_wait3A_371 = tpu.memref_slice %arg9[%dma_wait3A_367, %dma_wait3A_369, %dma_wait3A_370] : memref<2x32x32xf32, #tpu.memory_space<vmem>> -> memref<1x32x32xf32, #tpu.memory_space<vmem>>
        %dma_wait3A_372 = tpu.memref_squeeze %dma_wait3A_371 : memref<1x32x32xf32, #tpu.memory_space<vmem>> -> memref<32x32xf32, #tpu.memory_space<vmem>>
        %dma_wait3A_373 = arith.constant 0 : i32
        %dma_wait3A_374 = arith.constant 0 : i32
        %dma_wait3A_375 = tpu.memref_slice %arg4[%dma_wait3A_373, %dma_wait3A_374] : memref<10000x32xf32, #tpu.memory_space<hbm>> -> memref<32x32xf32, #tpu.memory_space<hbm>>
        %dma_wait3A_376 = tpu.memref_slice %arg13[%dma_wait3A_368] : memref<2x!tpu.dma_semaphore, #tpu.memory_space<semaphore_mem>> -> memref<1x!tpu.dma_semaphore, #tpu.memory_space<semaphore_mem>>
        %dma_wait3A_377 = tpu.memref_squeeze %dma_wait3A_376 : memref<1x!tpu.dma_semaphore, #tpu.memory_space<semaphore_mem>> -> memref<!tpu.dma_semaphore, #tpu.memory_space<semaphore_mem>>
        %dma_wait3A_378 = arith.constant 0 : i32
        %dma_wait3A_379 = arith.constant 0 : i32
        %dma_wait3A_380 = tpu.memref_slice %arg4[%dma_wait3A_378, %dma_wait3A_379] : memref<10000x32xf32, #tpu.memory_space<hbm>> -> memref<32x32xf32, #tpu.memory_space<hbm>>
        %dma_wait3A_381 = arith.constant 0 : i32
        %dma_wait3A_382 = arith.constant 0 : i32
        %dma_wait3A_383 = tpu.memref_slice %arg9[%dma_wait3A_367, %dma_wait3A_381, %dma_wait3A_382] : memref<2x32x32xf32, #tpu.memory_space<vmem>> -> memref<1x32x32xf32, #tpu.memory_space<vmem>>
        %dma_wait3A_384 = tpu.memref_squeeze %dma_wait3A_383 : memref<1x32x32xf32, #tpu.memory_space<vmem>> -> memref<32x32xf32, #tpu.memory_space<vmem>>
        tpu.wait_dma2 semaphore(%dma_wait3A_377 : memref<!tpu.dma_semaphore, #tpu.memory_space<semaphore_mem>>) src(%dma_wait3A_384 : memref<32x32xf32, #tpu.memory_space<vmem>>) dst(%dma_wait3A_380 : memref<32x32xf32, #tpu.memory_space<hbm>>)
      } else {
      }
      %mul3A_215 = arith.constant 32 : i32
      %mul3A_216 = arith.muli %add3A_123, %mul3A_215 : i32
      %add3A_217 = arith.addi %add3A_11, %mul3A_216 : i32
      %min3A_218 = arith.minsi %add3A_217, %sub3A_13 : i32
      %multiple_of3A_219 = tpu.assume_multiple %min3A_218, 8 : i32
      %scan3A_220 = arith.constant 0 : i32
      %scan3A_221 = arith.constant 0 : i32
      %scan3A_222 = arith.constant 32 : i32
      %scan3A_223 = arith.addi %scan3A_221, %scan3A_222 : i32
      %scan3A_224 = arith.constant 1 : i32
      %scan3A_225 = scf.for %scan3A_367 = %scan3A_221 to %scan3A_223 step %scan3A_224 iter_args(%scan3A_368 = %scan3A_220) -> (i32)  : i32 {
        %broadcast_in_dim3A = arith.constant 0.000000e+00 : f32
        %broadcast_in_dim3A_369 = vector.broadcast %broadcast_in_dim3A : f32 to vector<16xf32>
        %broadcast_in_dim3A_370 = arith.constant 0.000000e+00 : f32
        %broadcast_in_dim3A_371 = vector.broadcast %broadcast_in_dim3A_370 : f32 to vector<16xf32>
        %broadcast_in_dim3A_372 = arith.constant 0.000000e+00 : f32
        %broadcast_in_dim3A_373 = vector.broadcast %broadcast_in_dim3A_372 : f32 to vector<16xf32>
        %broadcast_in_dim3A_374 = arith.constant 0.000000e+00 : f32
        %broadcast_in_dim3A_375 = vector.broadcast %broadcast_in_dim3A_374 : f32 to vector<16xf32>
        %mul3A_376 = arith.constant 32 : i32
        %mul3A_377 = arith.muli %scan3A_367, %mul3A_376 : i32
        %add3A_378 = arith.constant 0 : i32
        %add3A_379 = arith.addi %mul3A_377, %add3A_378 : i32
        %get3A = arith.constant 0 : i32
        %get3A_380 = arith.index_cast %get3A : i32 to index
        %get3A_381 = arith.index_cast %add3A_379 : i32 to index
        %get3A_382 = arith.constant 0 : index
        %get3A_383 = tpu.vector_load %arg7[%get3A_380, %get3A_381, %get3A_382] {strides = array<i32>} : memref<2x1024x32xbf16, #tpu.memory_space<vmem>>, vector<32xbf16>,
        %get3A_384 = arith.constant 0 : i32
        %get3A_385 = arith.index_cast %get3A_384 : i32 to index
        %get3A_386 = arith.index_cast %add3A_379 : i32 to index
        %get3A_387 = arith.constant 0 : index
        %get3A_388 = tpu.vector_load %arg8[%get3A_385, %get3A_386, %get3A_387] {strides = array<i32>} : memref<2x1024x32xbf16, #tpu.memory_space<vmem>>, vector<32xbf16>,
        %mul3A_389 = arith.mulf %get3A_383, %get3A_388 : vector<32xbf16>
        %bitcast3A = vector.bitcast %mul3A_389 : vector<32xbf16> to vector<16xi32>
        %shift_left3A = arith.constant 16 : i32
        %shift_left3A_390 = vector.broadcast %shift_left3A : i32 to vector<16xi32>
        %shift_left3A_391 = arith.shli %bitcast3A, %shift_left3A_390 : vector<16xi32>
        %bitcast3A_392 = vector.bitcast %shift_left3A_391 : vector<16xi32> to vector<16xf32>
        %bitcast3A_393 = vector.bitcast %bitcast3A : vector<16xi32> to vector<16xf32>
        %add3A_394 = arith.addf %broadcast_in_dim3A_369, %bitcast3A_392 : vector<16xf32>
        %add3A_395 = arith.addf %broadcast_in_dim3A_371, %bitcast3A_393 : vector<16xf32>
        %mul3A_396 = arith.constant 32 : i32
        %mul3A_397 = arith.muli %scan3A_367, %mul3A_396 : i32
        %add3A_398 = arith.constant 1 : i32
        %add3A_399 = arith.addi %mul3A_397, %add3A_398 : i32
        %get3A_400 = arith.constant 0 : i32
        %get3A_401 = arith.index_cast %get3A_400 : i32 to index
        %get3A_402 = arith.index_cast %add3A_399 : i32 to index
        %get3A_403 = arith.constant 0 : index
        %get3A_404 = tpu.vector_load %arg7[%get3A_401, %get3A_402, %get3A_403] {strides = array<i32>} : memref<2x1024x32xbf16, #tpu.memory_space<vmem>>, vector<32xbf16>,
        %get3A_405 = arith.constant 0 : i32
        %get3A_406 = arith.index_cast %get3A_405 : i32 to index
        %get3A_407 = arith.index_cast %add3A_399 : i32 to index
        %get3A_408 = arith.constant 0 : index
        %get3A_409 = tpu.vector_load %arg8[%get3A_406, %get3A_407, %get3A_408] {strides = array<i32>} : memref<2x1024x32xbf16, #tpu.memory_space<vmem>>, vector<32xbf16>,
        %mul3A_410 = arith.mulf %get3A_404, %get3A_409 : vector<32xbf16>
        %bitcast3A_411 = vector.bitcast %mul3A_410 : vector<32xbf16> to vector<16xi32>
        %shift_left3A_412 = arith.constant 16 : i32
        %shift_left3A_413 = vector.broadcast %shift_left3A_412 : i32 to vector<16xi32>
        %shift_left3A_414 = arith.shli %bitcast3A_411, %shift_left3A_413 : vector<16xi32>
        %bitcast3A_415 = vector.bitcast %shift_left3A_414 : vector<16xi32> to vector<16xf32>
        %bitcast3A_416 = vector.bitcast %bitcast3A_411 : vector<16xi32> to vector<16xf32>
        %add3A_417 = arith.addf %broadcast_in_dim3A_373, %bitcast3A_415 : vector<16xf32>
        %add3A_418 = arith.addf %broadcast_in_dim3A_375, %bitcast3A_416 : vector<16xf32>
        %mul3A_419 = arith.constant 32 : i32
        %mul3A_420 = arith.muli %scan3A_367, %mul3A_419 : i32
        %add3A_421 = arith.constant 2 : i32
        %add3A_422 = arith.addi %mul3A_420, %add3A_421 : i32
        %get3A_423 = arith.constant 0 : i32
        %get3A_424 = arith.index_cast %get3A_423 : i32 to index
        %get3A_425 = arith.index_cast %add3A_422 : i32 to index
        %get3A_426 = arith.constant 0 : index
        %get3A_427 = tpu.vector_load %arg7[%get3A_424, %get3A_425, %get3A_426] {strides = array<i32>} : memref<2x1024x32xbf16, #tpu.memory_space<vmem>>, vector<32xbf16>,
        %get3A_428 = arith.constant 0 : i32
        %get3A_429 = arith.index_cast %get3A_428 : i32 to index
        %get3A_430 = arith.index_cast %add3A_422 : i32 to index
        %get3A_431 = arith.constant 0 : index
        %get3A_432 = tpu.vector_load %arg8[%get3A_429, %get3A_430, %get3A_431] {strides = array<i32>} : memref<2x1024x32xbf16, #tpu.memory_space<vmem>>, vector<32xbf16>,
        %mul3A_433 = arith.mulf %get3A_427, %get3A_432 : vector<32xbf16>
        %bitcast3A_434 = vector.bitcast %mul3A_433 : vector<32xbf16> to vector<16xi32>
        %shift_left3A_435 = arith.constant 16 : i32
        %shift_left3A_436 = vector.broadcast %shift_left3A_435 : i32 to vector<16xi32>
        %shift_left3A_437 = arith.shli %bitcast3A_434, %shift_left3A_436 : vector<16xi32>
        %bitcast3A_438 = vector.bitcast %shift_left3A_437 : vector<16xi32> to vector<16xf32>
        %bitcast3A_439 = vector.bitcast %bitcast3A_434 : vector<16xi32> to vector<16xf32>
        %add3A_440 = arith.addf %add3A_394, %bitcast3A_438 : vector<16xf32>
        %add3A_441 = arith.addf %add3A_395, %bitcast3A_439 : vector<16xf32>
        %mul3A_442 = arith.constant 32 : i32
        %mul3A_443 = arith.muli %scan3A_367, %mul3A_442 : i32
        %add3A_444 = arith.constant 3 : i32
        %add3A_445 = arith.addi %mul3A_443, %add3A_444 : i32
        %get3A_446 = arith.constant 0 : i32
        %get3A_447 = arith.index_cast %get3A_446 : i32 to index
        %get3A_448 = arith.index_cast %add3A_445 : i32 to index
        %get3A_449 = arith.constant 0 : index
        %get3A_450 = tpu.vector_load %arg7[%get3A_447, %get3A_448, %get3A_449] {strides = array<i32>} : memref<2x1024x32xbf16, #tpu.memory_space<vmem>>, vector<32xbf16>,
        %get3A_451 = arith.constant 0 : i32
        %get3A_452 = arith.index_cast %get3A_451 : i32 to index
        %get3A_453 = arith.index_cast %add3A_445 : i32 to index
        %get3A_454 = arith.constant 0 : index
        %get3A_455 = tpu.vector_load %arg8[%get3A_452, %get3A_453, %get3A_454] {strides = array<i32>} : memref<2x1024x32xbf16, #tpu.memory_space<vmem>>, vector<32xbf16>,
        %mul3A_456 = arith.mulf %get3A_450, %get3A_455 : vector<32xbf16>
        %bitcast3A_457 = vector.bitcast %mul3A_456 : vector<32xbf16> to vector<16xi32>
        %shift_left3A_458 = arith.constant 16 : i32
        %shift_left3A_459 = vector.broadcast %shift_left3A_458 : i32 to vector<16xi32>
        %shift_left3A_460 = arith.shli %bitcast3A_457, %shift_left3A_459 : vector<16xi32>
        %bitcast3A_461 = vector.bitcast %shift_left3A_460 : vector<16xi32> to vector<16xf32>
        %bitcast3A_462 = vector.bitcast %bitcast3A_457 : vector<16xi32> to vector<16xf32>
        %add3A_463 = arith.addf %add3A_417, %bitcast3A_461 : vector<16xf32>
        %add3A_464 = arith.addf %add3A_418, %bitcast3A_462 : vector<16xf32>
        %mul3A_465 = arith.constant 32 : i32
        %mul3A_466 = arith.muli %scan3A_367, %mul3A_465 : i32
        %add3A_467 = arith.constant 4 : i32
        %add3A_468 = arith.addi %mul3A_466, %add3A_467 : i32
        %get3A_469 = arith.constant 0 : i32
        %get3A_470 = arith.index_cast %get3A_469 : i32 to index
        %get3A_471 = arith.index_cast %add3A_468 : i32 to index
        %get3A_472 = arith.constant 0 : index
        %get3A_473 = tpu.vector_load %arg7[%get3A_470, %get3A_471, %get3A_472] {strides = array<i32>} : memref<2x1024x32xbf16, #tpu.memory_space<vmem>>, vector<32xbf16>,
        %get3A_474 = arith.constant 0 : i32
        %get3A_475 = arith.index_cast %get3A_474 : i32 to index
        %get3A_476 = arith.index_cast %add3A_468 : i32 to index
        %get3A_477 = arith.constant 0 : index
        %get3A_478 = tpu.vector_load %arg8[%get3A_475, %get3A_476, %get3A_477] {strides = array<i32>} : memref<2x1024x32xbf16, #tpu.memory_space<vmem>>, vector<32xbf16>,
        %mul3A_479 = arith.mulf %get3A_473, %get3A_478 : vector<32xbf16>
        %bitcast3A_480 = vector.bitcast %mul3A_479 : vector<32xbf16> to vector<16xi32>
        %shift_left3A_481 = arith.constant 16 : i32
        %shift_left3A_482 = vector.broadcast %shift_left3A_481 : i32 to vector<16xi32>
        %shift_left3A_483 = arith.shli %bitcast3A_480, %shift_left3A_482 : vector<16xi32>
        %bitcast3A_484 = vector.bitcast %shift_left3A_483 : vector<16xi32> to vector<16xf32>
        %bitcast3A_485 = vector.bitcast %bitcast3A_480 : vector<16xi32> to vector<16xf32>
        %add3A_486 = arith.addf %add3A_440, %bitcast3A_484 : vector<16xf32>
        %add3A_487 = arith.addf %add3A_441, %bitcast3A_485 : vector<16xf32>
        %mul3A_488 = arith.constant 32 : i32
        %mul3A_489 = arith.muli %scan3A_367, %mul3A_488 : i32
        %add3A_490 = arith.constant 5 : i32
        %add3A_491 = arith.addi %mul3A_489, %add3A_490 : i32
        %get3A_492 = arith.constant 0 : i32
        %get3A_493 = arith.index_cast %get3A_492 : i32 to index
        %get3A_494 = arith.index_cast %add3A_491 : i32 to index
        %get3A_495 = arith.constant 0 : index
        %get3A_496 = tpu.vector_load %arg7[%get3A_493, %get3A_494, %get3A_495] {strides = array<i32>} : memref<2x1024x32xbf16, #tpu.memory_space<vmem>>, vector<32xbf16>,
        %get3A_497 = arith.constant 0 : i32
        %get3A_498 = arith.index_cast %get3A_497 : i32 to index
        %get3A_499 = arith.index_cast %add3A_491 : i32 to index
        %get3A_500 = arith.constant 0 : index
        %get3A_501 = tpu.vector_load %arg8[%get3A_498, %get3A_499, %get3A_500] {strides = array<i32>} : memref<2x1024x32xbf16, #tpu.memory_space<vmem>>, vector<32xbf16>,
        %mul3A_502 = arith.mulf %get3A_496, %get3A_501 : vector<32xbf16>
        %bitcast3A_503 = vector.bitcast %mul3A_502 : vector<32xbf16> to vector<16xi32>
        %shift_left3A_504 = arith.constant 16 : i32
        %shift_left3A_505 = vector.broadcast %shift_left3A_504 : i32 to vector<16xi32>
        %shift_left3A_506 = arith.shli %bitcast3A_503, %shift_left3A_505 : vector<16xi32>
        %bitcast3A_507 = vector.bitcast %shift_left3A_506 : vector<16xi32> to vector<16xf32>
        %bitcast3A_508 = vector.bitcast %bitcast3A_503 : vector<16xi32> to vector<16xf32>
        %add3A_509 = arith.addf %add3A_463, %bitcast3A_507 : vector<16xf32>
        %add3A_510 = arith.addf %add3A_464, %bitcast3A_508 : vector<16xf32>
        %mul3A_511 = arith.constant 32 : i32
        %mul3A_512 = arith.muli %scan3A_367, %mul3A_511 : i32
        %add3A_513 = arith.constant 6 : i32
        %add3A_514 = arith.addi %mul3A_512, %add3A_513 : i32
        %get3A_515 = arith.constant 0 : i32
        %get3A_516 = arith.index_cast %get3A_515 : i32 to index
        %get3A_517 = arith.index_cast %add3A_514 : i32 to index
        %get3A_518 = arith.constant 0 : index
        %get3A_519 = tpu.vector_load %arg7[%get3A_516, %get3A_517, %get3A_518] {strides = array<i32>} : memref<2x1024x32xbf16, #tpu.memory_space<vmem>>, vector<32xbf16>,
        %get3A_520 = arith.constant 0 : i32
        %get3A_521 = arith.index_cast %get3A_520 : i32 to index
        %get3A_522 = arith.index_cast %add3A_514 : i32 to index
        %get3A_523 = arith.constant 0 : index
        %get3A_524 = tpu.vector_load %arg8[%get3A_521, %get3A_522, %get3A_523] {strides = array<i32>} : memref<2x1024x32xbf16, #tpu.memory_space<vmem>>, vector<32xbf16>,
        %mul3A_525 = arith.mulf %get3A_519, %get3A_524 : vector<32xbf16>
        %bitcast3A_526 = vector.bitcast %mul3A_525 : vector<32xbf16> to vector<16xi32>
        %shift_left3A_527 = arith.constant 16 : i32
        %shift_left3A_528 = vector.broadcast %shift_left3A_527 : i32 to vector<16xi32>
        %shift_left3A_529 = arith.shli %bitcast3A_526, %shift_left3A_528 : vector<16xi32>
        %bitcast3A_530 = vector.bitcast %shift_left3A_529 : vector<16xi32> to vector<16xf32>
        %bitcast3A_531 = vector.bitcast %bitcast3A_526 : vector<16xi32> to vector<16xf32>
        %add3A_532 = arith.addf %add3A_486, %bitcast3A_530 : vector<16xf32>
        %add3A_533 = arith.addf %add3A_487, %bitcast3A_531 : vector<16xf32>
        %mul3A_534 = arith.constant 32 : i32
        %mul3A_535 = arith.muli %scan3A_367, %mul3A_534 : i32
        %add3A_536 = arith.constant 7 : i32
        %add3A_537 = arith.addi %mul3A_535, %add3A_536 : i32
        %get3A_538 = arith.constant 0 : i32
        %get3A_539 = arith.index_cast %get3A_538 : i32 to index
        %get3A_540 = arith.index_cast %add3A_537 : i32 to index
        %get3A_541 = arith.constant 0 : index
        %get3A_542 = tpu.vector_load %arg7[%get3A_539, %get3A_540, %get3A_541] {strides = array<i32>} : memref<2x1024x32xbf16, #tpu.memory_space<vmem>>, vector<32xbf16>,
        %get3A_543 = arith.constant 0 : i32
        %get3A_544 = arith.index_cast %get3A_543 : i32 to index
        %get3A_545 = arith.index_cast %add3A_537 : i32 to index
        %get3A_546 = arith.constant 0 : index
        %get3A_547 = tpu.vector_load %arg8[%get3A_544, %get3A_545, %get3A_546] {strides = array<i32>} : memref<2x1024x32xbf16, #tpu.memory_space<vmem>>, vector<32xbf16>,
        %mul3A_548 = arith.mulf %get3A_542, %get3A_547 : vector<32xbf16>
        %bitcast3A_549 = vector.bitcast %mul3A_548 : vector<32xbf16> to vector<16xi32>
        %shift_left3A_550 = arith.constant 16 : i32
        %shift_left3A_551 = vector.broadcast %shift_left3A_550 : i32 to vector<16xi32>
        %shift_left3A_552 = arith.shli %bitcast3A_549, %shift_left3A_551 : vector<16xi32>
        %bitcast3A_553 = vector.bitcast %shift_left3A_552 : vector<16xi32> to vector<16xf32>
        %bitcast3A_554 = vector.bitcast %bitcast3A_549 : vector<16xi32> to vector<16xf32>
        %add3A_555 = arith.addf %add3A_509, %bitcast3A_553 : vector<16xf32>
        %add3A_556 = arith.addf %add3A_510, %bitcast3A_554 : vector<16xf32>
        %mul3A_557 = arith.constant 32 : i32
        %mul3A_558 = arith.muli %scan3A_367, %mul3A_557 : i32
        %add3A_559 = arith.constant 8 : i32
        %add3A_560 = arith.addi %mul3A_558, %add3A_559 : i32
        %get3A_561 = arith.constant 0 : i32
        %get3A_562 = arith.index_cast %get3A_561 : i32 to index
        %get3A_563 = arith.index_cast %add3A_560 : i32 to index
        %get3A_564 = arith.constant 0 : index
        %get3A_565 = tpu.vector_load %arg7[%get3A_562, %get3A_563, %get3A_564] {strides = array<i32>} : memref<2x1024x32xbf16, #tpu.memory_space<vmem>>, vector<32xbf16>,
        %get3A_566 = arith.constant 0 : i32
        %get3A_567 = arith.index_cast %get3A_566 : i32 to index
        %get3A_568 = arith.index_cast %add3A_560 : i32 to index
        %get3A_569 = arith.constant 0 : index
        %get3A_570 = tpu.vector_load %arg8[%get3A_567, %get3A_568, %get3A_569] {strides = array<i32>} : memref<2x1024x32xbf16, #tpu.memory_space<vmem>>, vector<32xbf16>,
        %mul3A_571 = arith.mulf %get3A_565, %get3A_570 : vector<32xbf16>
        %bitcast3A_572 = vector.bitcast %mul3A_571 : vector<32xbf16> to vector<16xi32>
        %shift_left3A_573 = arith.constant 16 : i32
        %shift_left3A_574 = vector.broadcast %shift_left3A_573 : i32 to vector<16xi32>
        %shift_left3A_575 = arith.shli %bitcast3A_572, %shift_left3A_574 : vector<16xi32>
        %bitcast3A_576 = vector.bitcast %shift_left3A_575 : vector<16xi32> to vector<16xf32>
        %bitcast3A_577 = vector.bitcast %bitcast3A_572 : vector<16xi32> to vector<16xf32>
        %add3A_578 = arith.addf %add3A_532, %bitcast3A_576 : vector<16xf32>
        %add3A_579 = arith.addf %add3A_533, %bitcast3A_577 : vector<16xf32>
        %mul3A_580 = arith.constant 32 : i32
        %mul3A_581 = arith.muli %scan3A_367, %mul3A_580 : i32
        %add3A_582 = arith.constant 9 : i32
        %add3A_583 = arith.addi %mul3A_581, %add3A_582 : i32
        %get3A_584 = arith.constant 0 : i32
        %get3A_585 = arith.index_cast %get3A_584 : i32 to index
        %get3A_586 = arith.index_cast %add3A_583 : i32 to index
        %get3A_587 = arith.constant 0 : index
        %get3A_588 = tpu.vector_load %arg7[%get3A_585, %get3A_586, %get3A_587] {strides = array<i32>} : memref<2x1024x32xbf16, #tpu.memory_space<vmem>>, vector<32xbf16>,
        %get3A_589 = arith.constant 0 : i32
        %get3A_590 = arith.index_cast %get3A_589 : i32 to index
        %get3A_591 = arith.index_cast %add3A_583 : i32 to index
        %get3A_592 = arith.constant 0 : index
        %get3A_593 = tpu.vector_load %arg8[%get3A_590, %get3A_591, %get3A_592] {strides = array<i32>} : memref<2x1024x32xbf16, #tpu.memory_space<vmem>>, vector<32xbf16>,
        %mul3A_594 = arith.mulf %get3A_588, %get3A_593 : vector<32xbf16>
        %bitcast3A_595 = vector.bitcast %mul3A_594 : vector<32xbf16> to vector<16xi32>
        %shift_left3A_596 = arith.constant 16 : i32
        %shift_left3A_597 = vector.broadcast %shift_left3A_596 : i32 to vector<16xi32>
        %shift_left3A_598 = arith.shli %bitcast3A_595, %shift_left3A_597 : vector<16xi32>
        %bitcast3A_599 = vector.bitcast %shift_left3A_598 : vector<16xi32> to vector<16xf32>
        %bitcast3A_600 = vector.bitcast %bitcast3A_595 : vector<16xi32> to vector<16xf32>
        %add3A_601 = arith.addf %add3A_555, %bitcast3A_599 : vector<16xf32>
        %add3A_602 = arith.addf %add3A_556, %bitcast3A_600 : vector<16xf32>
        %mul3A_603 = arith.constant 32 : i32
        %mul3A_604 = arith.muli %scan3A_367, %mul3A_603 : i32
        %add3A_605 = arith.constant 10 : i32
        %add3A_606 = arith.addi %mul3A_604, %add3A_605 : i32
        %get3A_607 = arith.constant 0 : i32
        %get3A_608 = arith.index_cast %get3A_607 : i32 to index
        %get3A_609 = arith.index_cast %add3A_606 : i32 to index
        %get3A_610 = arith.constant 0 : index
        %get3A_611 = tpu.vector_load %arg7[%get3A_608, %get3A_609, %get3A_610] {strides = array<i32>} : memref<2x1024x32xbf16, #tpu.memory_space<vmem>>, vector<32xbf16>,
        %get3A_612 = arith.constant 0 : i32
        %get3A_613 = arith.index_cast %get3A_612 : i32 to index
        %get3A_614 = arith.index_cast %add3A_606 : i32 to index
        %get3A_615 = arith.constant 0 : index
        %get3A_616 = tpu.vector_load %arg8[%get3A_613, %get3A_614, %get3A_615] {strides = array<i32>} : memref<2x1024x32xbf16, #tpu.memory_space<vmem>>, vector<32xbf16>,
        %mul3A_617 = arith.mulf %get3A_611, %get3A_616 : vector<32xbf16>
        %bitcast3A_618 = vector.bitcast %mul3A_617 : vector<32xbf16> to vector<16xi32>
        %shift_left3A_619 = arith.constant 16 : i32
        %shift_left3A_620 = vector.broadcast %shift_left3A_619 : i32 to vector<16xi32>
        %shift_left3A_621 = arith.shli %bitcast3A_618, %shift_left3A_620 : vector<16xi32>
        %bitcast3A_622 = vector.bitcast %shift_left3A_621 : vector<16xi32> to vector<16xf32>
        %bitcast3A_623 = vector.bitcast %bitcast3A_618 : vector<16xi32> to vector<16xf32>
        %add3A_624 = arith.addf %add3A_578, %bitcast3A_622 : vector<16xf32>
        %add3A_625 = arith.addf %add3A_579, %bitcast3A_623 : vector<16xf32>
        %mul3A_626 = arith.constant 32 : i32
        %mul3A_627 = arith.muli %scan3A_367, %mul3A_626 : i32
        %add3A_628 = arith.constant 11 : i32
        %add3A_629 = arith.addi %mul3A_627, %add3A_628 : i32
        %get3A_630 = arith.constant 0 : i32
        %get3A_631 = arith.index_cast %get3A_630 : i32 to index
        %get3A_632 = arith.index_cast %add3A_629 : i32 to index
        %get3A_633 = arith.constant 0 : index
        %get3A_634 = tpu.vector_load %arg7[%get3A_631, %get3A_632, %get3A_633] {strides = array<i32>} : memref<2x1024x32xbf16, #tpu.memory_space<vmem>>, vector<32xbf16>,
        %get3A_635 = arith.constant 0 : i32
        %get3A_636 = arith.index_cast %get3A_635 : i32 to index
        %get3A_637 = arith.index_cast %add3A_629 : i32 to index
        %get3A_638 = arith.constant 0 : index
        %get3A_639 = tpu.vector_load %arg8[%get3A_636, %get3A_637, %get3A_638] {strides = array<i32>} : memref<2x1024x32xbf16, #tpu.memory_space<vmem>>, vector<32xbf16>,
        %mul3A_640 = arith.mulf %get3A_634, %get3A_639 : vector<32xbf16>
        %bitcast3A_641 = vector.bitcast %mul3A_640 : vector<32xbf16> to vector<16xi32>
        %shift_left3A_642 = arith.constant 16 : i32
        %shift_left3A_643 = vector.broadcast %shift_left3A_642 : i32 to vector<16xi32>
        %shift_left3A_644 = arith.shli %bitcast3A_641, %shift_left3A_643 : vector<16xi32>
        %bitcast3A_645 = vector.bitcast %shift_left3A_644 : vector<16xi32> to vector<16xf32>
        %bitcast3A_646 = vector.bitcast %bitcast3A_641 : vector<16xi32> to vector<16xf32>
        %add3A_647 = arith.addf %add3A_601, %bitcast3A_645 : vector<16xf32>
        %add3A_648 = arith.addf %add3A_602, %bitcast3A_646 : vector<16xf32>
        %mul3A_649 = arith.constant 32 : i32
        %mul3A_650 = arith.muli %scan3A_367, %mul3A_649 : i32
        %add3A_651 = arith.constant 12 : i32
        %add3A_652 = arith.addi %mul3A_650, %add3A_651 : i32
        %get3A_653 = arith.constant 0 : i32
        %get3A_654 = arith.index_cast %get3A_653 : i32 to index
        %get3A_655 = arith.index_cast %add3A_652 : i32 to index
        %get3A_656 = arith.constant 0 : index
        %get3A_657 = tpu.vector_load %arg7[%get3A_654, %get3A_655, %get3A_656] {strides = array<i32>} : memref<2x1024x32xbf16, #tpu.memory_space<vmem>>, vector<32xbf16>,
        %get3A_658 = arith.constant 0 : i32
        %get3A_659 = arith.index_cast %get3A_658 : i32 to index
        %get3A_660 = arith.index_cast %add3A_652 : i32 to index
        %get3A_661 = arith.constant 0 : index
        %get3A_662 = tpu.vector_load %arg8[%get3A_659, %get3A_660, %get3A_661] {strides = array<i32>} : memref<2x1024x32xbf16, #tpu.memory_space<vmem>>, vector<32xbf16>,
        %mul3A_663 = arith.mulf %get3A_657, %get3A_662 : vector<32xbf16>
        %bitcast3A_664 = vector.bitcast %mul3A_663 : vector<32xbf16> to vector<16xi32>
        %shift_left3A_665 = arith.constant 16 : i32
        %shift_left3A_666 = vector.broadcast %shift_left3A_665 : i32 to vector<16xi32>
        %shift_left3A_667 = arith.shli %bitcast3A_664, %shift_left3A_666 : vector<16xi32>
        %bitcast3A_668 = vector.bitcast %shift_left3A_667 : vector<16xi32> to vector<16xf32>
        %bitcast3A_669 = vector.bitcast %bitcast3A_664 : vector<16xi32> to vector<16xf32>
        %add3A_670 = arith.addf %add3A_624, %bitcast3A_668 : vector<16xf32>
        %add3A_671 = arith.addf %add3A_625, %bitcast3A_669 : vector<16xf32>
        %mul3A_672 = arith.constant 32 : i32
        %mul3A_673 = arith.muli %scan3A_367, %mul3A_672 : i32
        %add3A_674 = arith.constant 13 : i32
        %add3A_675 = arith.addi %mul3A_673, %add3A_674 : i32
        %get3A_676 = arith.constant 0 : i32
        %get3A_677 = arith.index_cast %get3A_676 : i32 to index
        %get3A_678 = arith.index_cast %add3A_675 : i32 to index
        %get3A_679 = arith.constant 0 : index
        %get3A_680 = tpu.vector_load %arg7[%get3A_677, %get3A_678, %get3A_679] {strides = array<i32>} : memref<2x1024x32xbf16, #tpu.memory_space<vmem>>, vector<32xbf16>,
        %get3A_681 = arith.constant 0 : i32
        %get3A_682 = arith.index_cast %get3A_681 : i32 to index
        %get3A_683 = arith.index_cast %add3A_675 : i32 to index
        %get3A_684 = arith.constant 0 : index
        %get3A_685 = tpu.vector_load %arg8[%get3A_682, %get3A_683, %get3A_684] {strides = array<i32>} : memref<2x1024x32xbf16, #tpu.memory_space<vmem>>, vector<32xbf16>,
        %mul3A_686 = arith.mulf %get3A_680, %get3A_685 : vector<32xbf16>
        %bitcast3A_687 = vector.bitcast %mul3A_686 : vector<32xbf16> to vector<16xi32>
        %shift_left3A_688 = arith.constant 16 : i32
        %shift_left3A_689 = vector.broadcast %shift_left3A_688 : i32 to vector<16xi32>
        %shift_left3A_690 = arith.shli %bitcast3A_687, %shift_left3A_689 : vector<16xi32>
        %bitcast3A_691 = vector.bitcast %shift_left3A_690 : vector<16xi32> to vector<16xf32>
        %bitcast3A_692 = vector.bitcast %bitcast3A_687 : vector<16xi32> to vector<16xf32>
        %add3A_693 = arith.addf %add3A_647, %bitcast3A_691 : vector<16xf32>
        %add3A_694 = arith.addf %add3A_648, %bitcast3A_692 : vector<16xf32>
        %mul3A_695 = arith.constant 32 : i32
        %mul3A_696 = arith.muli %scan3A_367, %mul3A_695 : i32
        %add3A_697 = arith.constant 14 : i32
        %add3A_698 = arith.addi %mul3A_696, %add3A_697 : i32
        %get3A_699 = arith.constant 0 : i32
        %get3A_700 = arith.index_cast %get3A_699 : i32 to index
        %get3A_701 = arith.index_cast %add3A_698 : i32 to index
        %get3A_702 = arith.constant 0 : index
        %get3A_703 = tpu.vector_load %arg7[%get3A_700, %get3A_701, %get3A_702] {strides = array<i32>} : memref<2x1024x32xbf16, #tpu.memory_space<vmem>>, vector<32xbf16>,
        %get3A_704 = arith.constant 0 : i32
        %get3A_705 = arith.index_cast %get3A_704 : i32 to index
        %get3A_706 = arith.index_cast %add3A_698 : i32 to index
        %get3A_707 = arith.constant 0 : index
        %get3A_708 = tpu.vector_load %arg8[%get3A_705, %get3A_706, %get3A_707] {strides = array<i32>} : memref<2x1024x32xbf16, #tpu.memory_space<vmem>>, vector<32xbf16>,
        %mul3A_709 = arith.mulf %get3A_703, %get3A_708 : vector<32xbf16>
        %bitcast3A_710 = vector.bitcast %mul3A_709 : vector<32xbf16> to vector<16xi32>
        %shift_left3A_711 = arith.constant 16 : i32
        %shift_left3A_712 = vector.broadcast %shift_left3A_711 : i32 to vector<16xi32>
        %shift_left3A_713 = arith.shli %bitcast3A_710, %shift_left3A_712 : vector<16xi32>
        %bitcast3A_714 = vector.bitcast %shift_left3A_713 : vector<16xi32> to vector<16xf32>
        %bitcast3A_715 = vector.bitcast %bitcast3A_710 : vector<16xi32> to vector<16xf32>
        %add3A_716 = arith.addf %add3A_670, %bitcast3A_714 : vector<16xf32>
        %add3A_717 = arith.addf %add3A_671, %bitcast3A_715 : vector<16xf32>
        %mul3A_718 = arith.constant 32 : i32
        %mul3A_719 = arith.muli %scan3A_367, %mul3A_718 : i32
        %add3A_720 = arith.constant 15 : i32
        %add3A_721 = arith.addi %mul3A_719, %add3A_720 : i32
        %get3A_722 = arith.constant 0 : i32
        %get3A_723 = arith.index_cast %get3A_722 : i32 to index
        %get3A_724 = arith.index_cast %add3A_721 : i32 to index
        %get3A_725 = arith.constant 0 : index
        %get3A_726 = tpu.vector_load %arg7[%get3A_723, %get3A_724, %get3A_725] {strides = array<i32>} : memref<2x1024x32xbf16, #tpu.memory_space<vmem>>, vector<32xbf16>,
        %get3A_727 = arith.constant 0 : i32
        %get3A_728 = arith.index_cast %get3A_727 : i32 to index
        %get3A_729 = arith.index_cast %add3A_721 : i32 to index
        %get3A_730 = arith.constant 0 : index
        %get3A_731 = tpu.vector_load %arg8[%get3A_728, %get3A_729, %get3A_730] {strides = array<i32>} : memref<2x1024x32xbf16, #tpu.memory_space<vmem>>, vector<32xbf16>,
        %mul3A_732 = arith.mulf %get3A_726, %get3A_731 : vector<32xbf16>
        %bitcast3A_733 = vector.bitcast %mul3A_732 : vector<32xbf16> to vector<16xi32>
        %shift_left3A_734 = arith.constant 16 : i32
        %shift_left3A_735 = vector.broadcast %shift_left3A_734 : i32 to vector<16xi32>
        %shift_left3A_736 = arith.shli %bitcast3A_733, %shift_left3A_735 : vector<16xi32>
        %bitcast3A_737 = vector.bitcast %shift_left3A_736 : vector<16xi32> to vector<16xf32>
        %bitcast3A_738 = vector.bitcast %bitcast3A_733 : vector<16xi32> to vector<16xf32>
        %add3A_739 = arith.addf %add3A_693, %bitcast3A_737 : vector<16xf32>
        %add3A_740 = arith.addf %add3A_694, %bitcast3A_738 : vector<16xf32>
        %mul3A_741 = arith.constant 32 : i32
        %mul3A_742 = arith.muli %scan3A_367, %mul3A_741 : i32
        %add3A_743 = arith.constant 16 : i32
        %add3A_744 = arith.addi %mul3A_742, %add3A_743 : i32
        %get3A_745 = arith.constant 0 : i32
        %get3A_746 = arith.index_cast %get3A_745 : i32 to index
        %get3A_747 = arith.index_cast %add3A_744 : i32 to index
        %get3A_748 = arith.constant 0 : index
        %get3A_749 = tpu.vector_load %arg7[%get3A_746, %get3A_747, %get3A_748] {strides = array<i32>} : memref<2x1024x32xbf16, #tpu.memory_space<vmem>>, vector<32xbf16>,
        %get3A_750 = arith.constant 0 : i32
        %get3A_751 = arith.index_cast %get3A_750 : i32 to index
        %get3A_752 = arith.index_cast %add3A_744 : i32 to index
        %get3A_753 = arith.constant 0 : index
        %get3A_754 = tpu.vector_load %arg8[%get3A_751, %get3A_752, %get3A_753] {strides = array<i32>} : memref<2x1024x32xbf16, #tpu.memory_space<vmem>>, vector<32xbf16>,
        %mul3A_755 = arith.mulf %get3A_749, %get3A_754 : vector<32xbf16>
        %bitcast3A_756 = vector.bitcast %mul3A_755 : vector<32xbf16> to vector<16xi32>
        %shift_left3A_757 = arith.constant 16 : i32
        %shift_left3A_758 = vector.broadcast %shift_left3A_757 : i32 to vector<16xi32>
        %shift_left3A_759 = arith.shli %bitcast3A_756, %shift_left3A_758 : vector<16xi32>
        %bitcast3A_760 = vector.bitcast %shift_left3A_759 : vector<16xi32> to vector<16xf32>
        %bitcast3A_761 = vector.bitcast %bitcast3A_756 : vector<16xi32> to vector<16xf32>
        %add3A_762 = arith.addf %add3A_716, %bitcast3A_760 : vector<16xf32>
        %add3A_763 = arith.addf %add3A_717, %bitcast3A_761 : vector<16xf32>
        %mul3A_764 = arith.constant 32 : i32
        %mul3A_765 = arith.muli %scan3A_367, %mul3A_764 : i32
        %add3A_766 = arith.constant 17 : i32
        %add3A_767 = arith.addi %mul3A_765, %add3A_766 : i32
        %get3A_768 = arith.constant 0 : i32
        %get3A_769 = arith.index_cast %get3A_768 : i32 to index
        %get3A_770 = arith.index_cast %add3A_767 : i32 to index
        %get3A_771 = arith.constant 0 : index
        %get3A_772 = tpu.vector_load %arg7[%get3A_769, %get3A_770, %get3A_771] {strides = array<i32>} : memref<2x1024x32xbf16, #tpu.memory_space<vmem>>, vector<32xbf16>,
        %get3A_773 = arith.constant 0 : i32
        %get3A_774 = arith.index_cast %get3A_773 : i32 to index
        %get3A_775 = arith.index_cast %add3A_767 : i32 to index
        %get3A_776 = arith.constant 0 : index
        %get3A_777 = tpu.vector_load %arg8[%get3A_774, %get3A_775, %get3A_776] {strides = array<i32>} : memref<2x1024x32xbf16, #tpu.memory_space<vmem>>, vector<32xbf16>,
        %mul3A_778 = arith.mulf %get3A_772, %get3A_777 : vector<32xbf16>
        %bitcast3A_779 = vector.bitcast %mul3A_778 : vector<32xbf16> to vector<16xi32>
        %shift_left3A_780 = arith.constant 16 : i32
        %shift_left3A_781 = vector.broadcast %shift_left3A_780 : i32 to vector<16xi32>
        %shift_left3A_782 = arith.shli %bitcast3A_779, %shift_left3A_781 : vector<16xi32>
        %bitcast3A_783 = vector.bitcast %shift_left3A_782 : vector<16xi32> to vector<16xf32>
        %bitcast3A_784 = vector.bitcast %bitcast3A_779 : vector<16xi32> to vector<16xf32>
        %add3A_785 = arith.addf %add3A_739, %bitcast3A_783 : vector<16xf32>
        %add3A_786 = arith.addf %add3A_740, %bitcast3A_784 : vector<16xf32>
        %mul3A_787 = arith.constant 32 : i32
        %mul3A_788 = arith.muli %scan3A_367, %mul3A_787 : i32
        %add3A_789 = arith.constant 18 : i32
        %add3A_790 = arith.addi %mul3A_788, %add3A_789 : i32
        %get3A_791 = arith.constant 0 : i32
        %get3A_792 = arith.index_cast %get3A_791 : i32 to index
        %get3A_793 = arith.index_cast %add3A_790 : i32 to index
        %get3A_794 = arith.constant 0 : index
        %get3A_795 = tpu.vector_load %arg7[%get3A_792, %get3A_793, %get3A_794] {strides = array<i32>} : memref<2x1024x32xbf16, #tpu.memory_space<vmem>>, vector<32xbf16>,
        %get3A_796 = arith.constant 0 : i32
        %get3A_797 = arith.index_cast %get3A_796 : i32 to index
        %get3A_798 = arith.index_cast %add3A_790 : i32 to index
        %get3A_799 = arith.constant 0 : index
        %get3A_800 = tpu.vector_load %arg8[%get3A_797, %get3A_798, %get3A_799] {strides = array<i32>} : memref<2x1024x32xbf16, #tpu.memory_space<vmem>>, vector<32xbf16>,
        %mul3A_801 = arith.mulf %get3A_795, %get3A_800 : vector<32xbf16>
        %bitcast3A_802 = vector.bitcast %mul3A_801 : vector<32xbf16> to vector<16xi32>
        %shift_left3A_803 = arith.constant 16 : i32
        %shift_left3A_804 = vector.broadcast %shift_left3A_803 : i32 to vector<16xi32>
        %shift_left3A_805 = arith.shli %bitcast3A_802, %shift_left3A_804 : vector<16xi32>
        %bitcast3A_806 = vector.bitcast %shift_left3A_805 : vector<16xi32> to vector<16xf32>
        %bitcast3A_807 = vector.bitcast %bitcast3A_802 : vector<16xi32> to vector<16xf32>
        %add3A_808 = arith.addf %add3A_762, %bitcast3A_806 : vector<16xf32>
        %add3A_809 = arith.addf %add3A_763, %bitcast3A_807 : vector<16xf32>
        %mul3A_810 = arith.constant 32 : i32
        %mul3A_811 = arith.muli %scan3A_367, %mul3A_810 : i32
        %add3A_812 = arith.constant 19 : i32
        %add3A_813 = arith.addi %mul3A_811, %add3A_812 : i32
        %get3A_814 = arith.constant 0 : i32
        %get3A_815 = arith.index_cast %get3A_814 : i32 to index
        %get3A_816 = arith.index_cast %add3A_813 : i32 to index
        %get3A_817 = arith.constant 0 : index
        %get3A_818 = tpu.vector_load %arg7[%get3A_815, %get3A_816, %get3A_817] {strides = array<i32>} : memref<2x1024x32xbf16, #tpu.memory_space<vmem>>, vector<32xbf16>,
        %get3A_819 = arith.constant 0 : i32
        %get3A_820 = arith.index_cast %get3A_819 : i32 to index
        %get3A_821 = arith.index_cast %add3A_813 : i32 to index
        %get3A_822 = arith.constant 0 : index
        %get3A_823 = tpu.vector_load %arg8[%get3A_820, %get3A_821, %get3A_822] {strides = array<i32>} : memref<2x1024x32xbf16, #tpu.memory_space<vmem>>, vector<32xbf16>,
        %mul3A_824 = arith.mulf %get3A_818, %get3A_823 : vector<32xbf16>
        %bitcast3A_825 = vector.bitcast %mul3A_824 : vector<32xbf16> to vector<16xi32>
        %shift_left3A_826 = arith.constant 16 : i32
        %shift_left3A_827 = vector.broadcast %shift_left3A_826 : i32 to vector<16xi32>
        %shift_left3A_828 = arith.shli %bitcast3A_825, %shift_left3A_827 : vector<16xi32>
        %bitcast3A_829 = vector.bitcast %shift_left3A_828 : vector<16xi32> to vector<16xf32>
        %bitcast3A_830 = vector.bitcast %bitcast3A_825 : vector<16xi32> to vector<16xf32>
        %add3A_831 = arith.addf %add3A_785, %bitcast3A_829 : vector<16xf32>
        %add3A_832 = arith.addf %add3A_786, %bitcast3A_830 : vector<16xf32>
        %mul3A_833 = arith.constant 32 : i32
        %mul3A_834 = arith.muli %scan3A_367, %mul3A_833 : i32
        %add3A_835 = arith.constant 20 : i32
        %add3A_836 = arith.addi %mul3A_834, %add3A_835 : i32
        %get3A_837 = arith.constant 0 : i32
        %get3A_838 = arith.index_cast %get3A_837 : i32 to index
        %get3A_839 = arith.index_cast %add3A_836 : i32 to index
        %get3A_840 = arith.constant 0 : index
        %get3A_841 = tpu.vector_load %arg7[%get3A_838, %get3A_839, %get3A_840] {strides = array<i32>} : memref<2x1024x32xbf16, #tpu.memory_space<vmem>>, vector<32xbf16>,
        %get3A_842 = arith.constant 0 : i32
        %get3A_843 = arith.index_cast %get3A_842 : i32 to index
        %get3A_844 = arith.index_cast %add3A_836 : i32 to index
        %get3A_845 = arith.constant 0 : index
        %get3A_846 = tpu.vector_load %arg8[%get3A_843, %get3A_844, %get3A_845] {strides = array<i32>} : memref<2x1024x32xbf16, #tpu.memory_space<vmem>>, vector<32xbf16>,
        %mul3A_847 = arith.mulf %get3A_841, %get3A_846 : vector<32xbf16>
        %bitcast3A_848 = vector.bitcast %mul3A_847 : vector<32xbf16> to vector<16xi32>
        %shift_left3A_849 = arith.constant 16 : i32
        %shift_left3A_850 = vector.broadcast %shift_left3A_849 : i32 to vector<16xi32>
        %shift_left3A_851 = arith.shli %bitcast3A_848, %shift_left3A_850 : vector<16xi32>
        %bitcast3A_852 = vector.bitcast %shift_left3A_851 : vector<16xi32> to vector<16xf32>
        %bitcast3A_853 = vector.bitcast %bitcast3A_848 : vector<16xi32> to vector<16xf32>
        %add3A_854 = arith.addf %add3A_808, %bitcast3A_852 : vector<16xf32>
        %add3A_855 = arith.addf %add3A_809, %bitcast3A_853 : vector<16xf32>
        %mul3A_856 = arith.constant 32 : i32
        %mul3A_857 = arith.muli %scan3A_367, %mul3A_856 : i32
        %add3A_858 = arith.constant 21 : i32
        %add3A_859 = arith.addi %mul3A_857, %add3A_858 : i32
        %get3A_860 = arith.constant 0 : i32
        %get3A_861 = arith.index_cast %get3A_860 : i32 to index
        %get3A_862 = arith.index_cast %add3A_859 : i32 to index
        %get3A_863 = arith.constant 0 : index
        %get3A_864 = tpu.vector_load %arg7[%get3A_861, %get3A_862, %get3A_863] {strides = array<i32>} : memref<2x1024x32xbf16, #tpu.memory_space<vmem>>, vector<32xbf16>,
        %get3A_865 = arith.constant 0 : i32
        %get3A_866 = arith.index_cast %get3A_865 : i32 to index
        %get3A_867 = arith.index_cast %add3A_859 : i32 to index
        %get3A_868 = arith.constant 0 : index
        %get3A_869 = tpu.vector_load %arg8[%get3A_866, %get3A_867, %get3A_868] {strides = array<i32>} : memref<2x1024x32xbf16, #tpu.memory_space<vmem>>, vector<32xbf16>,
        %mul3A_870 = arith.mulf %get3A_864, %get3A_869 : vector<32xbf16>
        %bitcast3A_871 = vector.bitcast %mul3A_870 : vector<32xbf16> to vector<16xi32>
        %shift_left3A_872 = arith.constant 16 : i32
        %shift_left3A_873 = vector.broadcast %shift_left3A_872 : i32 to vector<16xi32>
        %shift_left3A_874 = arith.shli %bitcast3A_871, %shift_left3A_873 : vector<16xi32>
        %bitcast3A_875 = vector.bitcast %shift_left3A_874 : vector<16xi32> to vector<16xf32>
        %bitcast3A_876 = vector.bitcast %bitcast3A_871 : vector<16xi32> to vector<16xf32>
        %add3A_877 = arith.addf %add3A_831, %bitcast3A_875 : vector<16xf32>
        %add3A_878 = arith.addf %add3A_832, %bitcast3A_876 : vector<16xf32>
        %mul3A_879 = arith.constant 32 : i32
        %mul3A_880 = arith.muli %scan3A_367, %mul3A_879 : i32
        %add3A_881 = arith.constant 22 : i32
        %add3A_882 = arith.addi %mul3A_880, %add3A_881 : i32
        %get3A_883 = arith.constant 0 : i32
        %get3A_884 = arith.index_cast %get3A_883 : i32 to index
        %get3A_885 = arith.index_cast %add3A_882 : i32 to index
        %get3A_886 = arith.constant 0 : index
        %get3A_887 = tpu.vector_load %arg7[%get3A_884, %get3A_885, %get3A_886] {strides = array<i32>} : memref<2x1024x32xbf16, #tpu.memory_space<vmem>>, vector<32xbf16>,
        %get3A_888 = arith.constant 0 : i32
        %get3A_889 = arith.index_cast %get3A_888 : i32 to index
        %get3A_890 = arith.index_cast %add3A_882 : i32 to index
        %get3A_891 = arith.constant 0 : index
        %get3A_892 = tpu.vector_load %arg8[%get3A_889, %get3A_890, %get3A_891] {strides = array<i32>} : memref<2x1024x32xbf16, #tpu.memory_space<vmem>>, vector<32xbf16>,
        %mul3A_893 = arith.mulf %get3A_887, %get3A_892 : vector<32xbf16>
        %bitcast3A_894 = vector.bitcast %mul3A_893 : vector<32xbf16> to vector<16xi32>
        %shift_left3A_895 = arith.constant 16 : i32
        %shift_left3A_896 = vector.broadcast %shift_left3A_895 : i32 to vector<16xi32>
        %shift_left3A_897 = arith.shli %bitcast3A_894, %shift_left3A_896 : vector<16xi32>
        %bitcast3A_898 = vector.bitcast %shift_left3A_897 : vector<16xi32> to vector<16xf32>
        %bitcast3A_899 = vector.bitcast %bitcast3A_894 : vector<16xi32> to vector<16xf32>
        %add3A_900 = arith.addf %add3A_854, %bitcast3A_898 : vector<16xf32>
        %add3A_901 = arith.addf %add3A_855, %bitcast3A_899 : vector<16xf32>
        %mul3A_902 = arith.constant 32 : i32
        %mul3A_903 = arith.muli %scan3A_367, %mul3A_902 : i32
        %add3A_904 = arith.constant 23 : i32
        %add3A_905 = arith.addi %mul3A_903, %add3A_904 : i32
        %get3A_906 = arith.constant 0 : i32
        %get3A_907 = arith.index_cast %get3A_906 : i32 to index
        %get3A_908 = arith.index_cast %add3A_905 : i32 to index
        %get3A_909 = arith.constant 0 : index
        %get3A_910 = tpu.vector_load %arg7[%get3A_907, %get3A_908, %get3A_909] {strides = array<i32>} : memref<2x1024x32xbf16, #tpu.memory_space<vmem>>, vector<32xbf16>,
        %get3A_911 = arith.constant 0 : i32
        %get3A_912 = arith.index_cast %get3A_911 : i32 to index
        %get3A_913 = arith.index_cast %add3A_905 : i32 to index
        %get3A_914 = arith.constant 0 : index
        %get3A_915 = tpu.vector_load %arg8[%get3A_912, %get3A_913, %get3A_914] {strides = array<i32>} : memref<2x1024x32xbf16, #tpu.memory_space<vmem>>, vector<32xbf16>,
        %mul3A_916 = arith.mulf %get3A_910, %get3A_915 : vector<32xbf16>
        %bitcast3A_917 = vector.bitcast %mul3A_916 : vector<32xbf16> to vector<16xi32>
        %shift_left3A_918 = arith.constant 16 : i32
        %shift_left3A_919 = vector.broadcast %shift_left3A_918 : i32 to vector<16xi32>
        %shift_left3A_920 = arith.shli %bitcast3A_917, %shift_left3A_919 : vector<16xi32>
        %bitcast3A_921 = vector.bitcast %shift_left3A_920 : vector<16xi32> to vector<16xf32>
        %bitcast3A_922 = vector.bitcast %bitcast3A_917 : vector<16xi32> to vector<16xf32>
        %add3A_923 = arith.addf %add3A_877, %bitcast3A_921 : vector<16xf32>
        %add3A_924 = arith.addf %add3A_878, %bitcast3A_922 : vector<16xf32>
        %mul3A_925 = arith.constant 32 : i32
        %mul3A_926 = arith.muli %scan3A_367, %mul3A_925 : i32
        %add3A_927 = arith.constant 24 : i32
        %add3A_928 = arith.addi %mul3A_926, %add3A_927 : i32
        %get3A_929 = arith.constant 0 : i32
        %get3A_930 = arith.index_cast %get3A_929 : i32 to index
        %get3A_931 = arith.index_cast %add3A_928 : i32 to index
        %get3A_932 = arith.constant 0 : index
        %get3A_933 = tpu.vector_load %arg7[%get3A_930, %get3A_931, %get3A_932] {strides = array<i32>} : memref<2x1024x32xbf16, #tpu.memory_space<vmem>>, vector<32xbf16>,
        %get3A_934 = arith.constant 0 : i32
        %get3A_935 = arith.index_cast %get3A_934 : i32 to index
        %get3A_936 = arith.index_cast %add3A_928 : i32 to index
        %get3A_937 = arith.constant 0 : index
        %get3A_938 = tpu.vector_load %arg8[%get3A_935, %get3A_936, %get3A_937] {strides = array<i32>} : memref<2x1024x32xbf16, #tpu.memory_space<vmem>>, vector<32xbf16>,
        %mul3A_939 = arith.mulf %get3A_933, %get3A_938 : vector<32xbf16>
        %bitcast3A_940 = vector.bitcast %mul3A_939 : vector<32xbf16> to vector<16xi32>
        %shift_left3A_941 = arith.constant 16 : i32
        %shift_left3A_942 = vector.broadcast %shift_left3A_941 : i32 to vector<16xi32>
        %shift_left3A_943 = arith.shli %bitcast3A_940, %shift_left3A_942 : vector<16xi32>
        %bitcast3A_944 = vector.bitcast %shift_left3A_943 : vector<16xi32> to vector<16xf32>
        %bitcast3A_945 = vector.bitcast %bitcast3A_940 : vector<16xi32> to vector<16xf32>
        %add3A_946 = arith.addf %add3A_900, %bitcast3A_944 : vector<16xf32>
        %add3A_947 = arith.addf %add3A_901, %bitcast3A_945 : vector<16xf32>
        %mul3A_948 = arith.constant 32 : i32
        %mul3A_949 = arith.muli %scan3A_367, %mul3A_948 : i32
        %add3A_950 = arith.constant 25 : i32
        %add3A_951 = arith.addi %mul3A_949, %add3A_950 : i32
        %get3A_952 = arith.constant 0 : i32
        %get3A_953 = arith.index_cast %get3A_952 : i32 to index
        %get3A_954 = arith.index_cast %add3A_951 : i32 to index
        %get3A_955 = arith.constant 0 : index
        %get3A_956 = tpu.vector_load %arg7[%get3A_953, %get3A_954, %get3A_955] {strides = array<i32>} : memref<2x1024x32xbf16, #tpu.memory_space<vmem>>, vector<32xbf16>,
        %get3A_957 = arith.constant 0 : i32
        %get3A_958 = arith.index_cast %get3A_957 : i32 to index
        %get3A_959 = arith.index_cast %add3A_951 : i32 to index
        %get3A_960 = arith.constant 0 : index
        %get3A_961 = tpu.vector_load %arg8[%get3A_958, %get3A_959, %get3A_960] {strides = array<i32>} : memref<2x1024x32xbf16, #tpu.memory_space<vmem>>, vector<32xbf16>,
        %mul3A_962 = arith.mulf %get3A_956, %get3A_961 : vector<32xbf16>
        %bitcast3A_963 = vector.bitcast %mul3A_962 : vector<32xbf16> to vector<16xi32>
        %shift_left3A_964 = arith.constant 16 : i32
        %shift_left3A_965 = vector.broadcast %shift_left3A_964 : i32 to vector<16xi32>
        %shift_left3A_966 = arith.shli %bitcast3A_963, %shift_left3A_965 : vector<16xi32>
        %bitcast3A_967 = vector.bitcast %shift_left3A_966 : vector<16xi32> to vector<16xf32>
        %bitcast3A_968 = vector.bitcast %bitcast3A_963 : vector<16xi32> to vector<16xf32>
        %add3A_969 = arith.addf %add3A_923, %bitcast3A_967 : vector<16xf32>
        %add3A_970 = arith.addf %add3A_924, %bitcast3A_968 : vector<16xf32>
        %mul3A_971 = arith.constant 32 : i32
        %mul3A_972 = arith.muli %scan3A_367, %mul3A_971 : i32
        %add3A_973 = arith.constant 26 : i32
        %add3A_974 = arith.addi %mul3A_972, %add3A_973 : i32
        %get3A_975 = arith.constant 0 : i32
        %get3A_976 = arith.index_cast %get3A_975 : i32 to index
        %get3A_977 = arith.index_cast %add3A_974 : i32 to index
        %get3A_978 = arith.constant 0 : index
        %get3A_979 = tpu.vector_load %arg7[%get3A_976, %get3A_977, %get3A_978] {strides = array<i32>} : memref<2x1024x32xbf16, #tpu.memory_space<vmem>>, vector<32xbf16>,
        %get3A_980 = arith.constant 0 : i32
        %get3A_981 = arith.index_cast %get3A_980 : i32 to index
        %get3A_982 = arith.index_cast %add3A_974 : i32 to index
        %get3A_983 = arith.constant 0 : index
        %get3A_984 = tpu.vector_load %arg8[%get3A_981, %get3A_982, %get3A_983] {strides = array<i32>} : memref<2x1024x32xbf16, #tpu.memory_space<vmem>>, vector<32xbf16>,
        %mul3A_985 = arith.mulf %get3A_979, %get3A_984 : vector<32xbf16>
        %bitcast3A_986 = vector.bitcast %mul3A_985 : vector<32xbf16> to vector<16xi32>
        %shift_left3A_987 = arith.constant 16 : i32
        %shift_left3A_988 = vector.broadcast %shift_left3A_987 : i32 to vector<16xi32>
        %shift_left3A_989 = arith.shli %bitcast3A_986, %shift_left3A_988 : vector<16xi32>
        %bitcast3A_990 = vector.bitcast %shift_left3A_989 : vector<16xi32> to vector<16xf32>
        %bitcast3A_991 = vector.bitcast %bitcast3A_986 : vector<16xi32> to vector<16xf32>
        %add3A_992 = arith.addf %add3A_946, %bitcast3A_990 : vector<16xf32>
        %add3A_993 = arith.addf %add3A_947, %bitcast3A_991 : vector<16xf32>
        %mul3A_994 = arith.constant 32 : i32
        %mul3A_995 = arith.muli %scan3A_367, %mul3A_994 : i32
        %add3A_996 = arith.constant 27 : i32
        %add3A_997 = arith.addi %mul3A_995, %add3A_996 : i32
        %get3A_998 = arith.constant 0 : i32
        %get3A_999 = arith.index_cast %get3A_998 : i32 to index
        %get3A_1000 = arith.index_cast %add3A_997 : i32 to index
        %get3A_1001 = arith.constant 0 : index
        %get3A_1002 = tpu.vector_load %arg7[%get3A_999, %get3A_1000, %get3A_1001] {strides = array<i32>} : memref<2x1024x32xbf16, #tpu.memory_space<vmem>>, vector<32xbf16>,
        %get3A_1003 = arith.constant 0 : i32
        %get3A_1004 = arith.index_cast %get3A_1003 : i32 to index
        %get3A_1005 = arith.index_cast %add3A_997 : i32 to index
        %get3A_1006 = arith.constant 0 : index
        %get3A_1007 = tpu.vector_load %arg8[%get3A_1004, %get3A_1005, %get3A_1006] {strides = array<i32>} : memref<2x1024x32xbf16, #tpu.memory_space<vmem>>, vector<32xbf16>,
        %mul3A_1008 = arith.mulf %get3A_1002, %get3A_1007 : vector<32xbf16>
        %bitcast3A_1009 = vector.bitcast %mul3A_1008 : vector<32xbf16> to vector<16xi32>
        %shift_left3A_1010 = arith.constant 16 : i32
        %shift_left3A_1011 = vector.broadcast %shift_left3A_1010 : i32 to vector<16xi32>
        %shift_left3A_1012 = arith.shli %bitcast3A_1009, %shift_left3A_1011 : vector<16xi32>
        %bitcast3A_1013 = vector.bitcast %shift_left3A_1012 : vector<16xi32> to vector<16xf32>
        %bitcast3A_1014 = vector.bitcast %bitcast3A_1009 : vector<16xi32> to vector<16xf32>
        %add3A_1015 = arith.addf %add3A_969, %bitcast3A_1013 : vector<16xf32>
        %add3A_1016 = arith.addf %add3A_970, %bitcast3A_1014 : vector<16xf32>
        %mul3A_1017 = arith.constant 32 : i32
        %mul3A_1018 = arith.muli %scan3A_367, %mul3A_1017 : i32
        %add3A_1019 = arith.constant 28 : i32
        %add3A_1020 = arith.addi %mul3A_1018, %add3A_1019 : i32
        %get3A_1021 = arith.constant 0 : i32
        %get3A_1022 = arith.index_cast %get3A_1021 : i32 to index
        %get3A_1023 = arith.index_cast %add3A_1020 : i32 to index
        %get3A_1024 = arith.constant 0 : index
        %get3A_1025 = tpu.vector_load %arg7[%get3A_1022, %get3A_1023, %get3A_1024] {strides = array<i32>} : memref<2x1024x32xbf16, #tpu.memory_space<vmem>>, vector<32xbf16>,
        %get3A_1026 = arith.constant 0 : i32
        %get3A_1027 = arith.index_cast %get3A_1026 : i32 to index
        %get3A_1028 = arith.index_cast %add3A_1020 : i32 to index
        %get3A_1029 = arith.constant 0 : index
        %get3A_1030 = tpu.vector_load %arg8[%get3A_1027, %get3A_1028, %get3A_1029] {strides = array<i32>} : memref<2x1024x32xbf16, #tpu.memory_space<vmem>>, vector<32xbf16>,
        %mul3A_1031 = arith.mulf %get3A_1025, %get3A_1030 : vector<32xbf16>
        %bitcast3A_1032 = vector.bitcast %mul3A_1031 : vector<32xbf16> to vector<16xi32>
        %shift_left3A_1033 = arith.constant 16 : i32
        %shift_left3A_1034 = vector.broadcast %shift_left3A_1033 : i32 to vector<16xi32>
        %shift_left3A_1035 = arith.shli %bitcast3A_1032, %shift_left3A_1034 : vector<16xi32>
        %bitcast3A_1036 = vector.bitcast %shift_left3A_1035 : vector<16xi32> to vector<16xf32>
        %bitcast3A_1037 = vector.bitcast %bitcast3A_1032 : vector<16xi32> to vector<16xf32>
        %add3A_1038 = arith.addf %add3A_992, %bitcast3A_1036 : vector<16xf32>
        %add3A_1039 = arith.addf %add3A_993, %bitcast3A_1037 : vector<16xf32>
        %mul3A_1040 = arith.constant 32 : i32
        %mul3A_1041 = arith.muli %scan3A_367, %mul3A_1040 : i32
        %add3A_1042 = arith.constant 29 : i32
        %add3A_1043 = arith.addi %mul3A_1041, %add3A_1042 : i32
        %get3A_1044 = arith.constant 0 : i32
        %get3A_1045 = arith.index_cast %get3A_1044 : i32 to index
        %get3A_1046 = arith.index_cast %add3A_1043 : i32 to index
        %get3A_1047 = arith.constant 0 : index
        %get3A_1048 = tpu.vector_load %arg7[%get3A_1045, %get3A_1046, %get3A_1047] {strides = array<i32>} : memref<2x1024x32xbf16, #tpu.memory_space<vmem>>, vector<32xbf16>,
        %get3A_1049 = arith.constant 0 : i32
        %get3A_1050 = arith.index_cast %get3A_1049 : i32 to index
        %get3A_1051 = arith.index_cast %add3A_1043 : i32 to index
        %get3A_1052 = arith.constant 0 : index
        %get3A_1053 = tpu.vector_load %arg8[%get3A_1050, %get3A_1051, %get3A_1052] {strides = array<i32>} : memref<2x1024x32xbf16, #tpu.memory_space<vmem>>, vector<32xbf16>,
        %mul3A_1054 = arith.mulf %get3A_1048, %get3A_1053 : vector<32xbf16>
        %bitcast3A_1055 = vector.bitcast %mul3A_1054 : vector<32xbf16> to vector<16xi32>
        %shift_left3A_1056 = arith.constant 16 : i32
        %shift_left3A_1057 = vector.broadcast %shift_left3A_1056 : i32 to vector<16xi32>
        %shift_left3A_1058 = arith.shli %bitcast3A_1055, %shift_left3A_1057 : vector<16xi32>
        %bitcast3A_1059 = vector.bitcast %shift_left3A_1058 : vector<16xi32> to vector<16xf32>
        %bitcast3A_1060 = vector.bitcast %bitcast3A_1055 : vector<16xi32> to vector<16xf32>
        %add3A_1061 = arith.addf %add3A_1015, %bitcast3A_1059 : vector<16xf32>
        %add3A_1062 = arith.addf %add3A_1016, %bitcast3A_1060 : vector<16xf32>
        %mul3A_1063 = arith.constant 32 : i32
        %mul3A_1064 = arith.muli %scan3A_367, %mul3A_1063 : i32
        %add3A_1065 = arith.constant 30 : i32
        %add3A_1066 = arith.addi %mul3A_1064, %add3A_1065 : i32
        %get3A_1067 = arith.constant 0 : i32
        %get3A_1068 = arith.index_cast %get3A_1067 : i32 to index
        %get3A_1069 = arith.index_cast %add3A_1066 : i32 to index
        %get3A_1070 = arith.constant 0 : index
        %get3A_1071 = tpu.vector_load %arg7[%get3A_1068, %get3A_1069, %get3A_1070] {strides = array<i32>} : memref<2x1024x32xbf16, #tpu.memory_space<vmem>>, vector<32xbf16>,
        %get3A_1072 = arith.constant 0 : i32
        %get3A_1073 = arith.index_cast %get3A_1072 : i32 to index
        %get3A_1074 = arith.index_cast %add3A_1066 : i32 to index
        %get3A_1075 = arith.constant 0 : index
        %get3A_1076 = tpu.vector_load %arg8[%get3A_1073, %get3A_1074, %get3A_1075] {strides = array<i32>} : memref<2x1024x32xbf16, #tpu.memory_space<vmem>>, vector<32xbf16>,
        %mul3A_1077 = arith.mulf %get3A_1071, %get3A_1076 : vector<32xbf16>
        %bitcast3A_1078 = vector.bitcast %mul3A_1077 : vector<32xbf16> to vector<16xi32>
        %shift_left3A_1079 = arith.constant 16 : i32
        %shift_left3A_1080 = vector.broadcast %shift_left3A_1079 : i32 to vector<16xi32>
        %shift_left3A_1081 = arith.shli %bitcast3A_1078, %shift_left3A_1080 : vector<16xi32>
        %bitcast3A_1082 = vector.bitcast %shift_left3A_1081 : vector<16xi32> to vector<16xf32>
        %bitcast3A_1083 = vector.bitcast %bitcast3A_1078 : vector<16xi32> to vector<16xf32>
        %add3A_1084 = arith.addf %add3A_1038, %bitcast3A_1082 : vector<16xf32>
        %add3A_1085 = arith.addf %add3A_1039, %bitcast3A_1083 : vector<16xf32>
        %mul3A_1086 = arith.constant 32 : i32
        %mul3A_1087 = arith.muli %scan3A_367, %mul3A_1086 : i32
        %add3A_1088 = arith.constant 31 : i32
        %add3A_1089 = arith.addi %mul3A_1087, %add3A_1088 : i32
        %get3A_1090 = arith.constant 0 : i32
        %get3A_1091 = arith.index_cast %get3A_1090 : i32 to index
        %get3A_1092 = arith.index_cast %add3A_1089 : i32 to index
        %get3A_1093 = arith.constant 0 : index
        %get3A_1094 = tpu.vector_load %arg7[%get3A_1091, %get3A_1092, %get3A_1093] {strides = array<i32>} : memref<2x1024x32xbf16, #tpu.memory_space<vmem>>, vector<32xbf16>,
        %get3A_1095 = arith.constant 0 : i32
        %get3A_1096 = arith.index_cast %get3A_1095 : i32 to index
        %get3A_1097 = arith.index_cast %add3A_1089 : i32 to index
        %get3A_1098 = arith.constant 0 : index
        %get3A_1099 = tpu.vector_load %arg8[%get3A_1096, %get3A_1097, %get3A_1098] {strides = array<i32>} : memref<2x1024x32xbf16, #tpu.memory_space<vmem>>, vector<32xbf16>,
        %mul3A_1100 = arith.mulf %get3A_1094, %get3A_1099 : vector<32xbf16>
        %bitcast3A_1101 = vector.bitcast %mul3A_1100 : vector<32xbf16> to vector<16xi32>
        %shift_left3A_1102 = arith.constant 16 : i32
        %shift_left3A_1103 = vector.broadcast %shift_left3A_1102 : i32 to vector<16xi32>
        %shift_left3A_1104 = arith.shli %bitcast3A_1101, %shift_left3A_1103 : vector<16xi32>
        %bitcast3A_1105 = vector.bitcast %shift_left3A_1104 : vector<16xi32> to vector<16xf32>
        %bitcast3A_1106 = vector.bitcast %bitcast3A_1101 : vector<16xi32> to vector<16xf32>
        %add3A_1107 = arith.addf %add3A_1061, %bitcast3A_1105 : vector<16xf32>
        %add3A_1108 = arith.addf %add3A_1062, %bitcast3A_1106 : vector<16xf32>
        %add3A_1109 = arith.addf %add3A_1084, %add3A_1107 : vector<16xf32>
        %swap3A = arith.constant 0 : i32
        %swap3A_1110 = arith.index_cast %swap3A : i32 to index
        %swap3A_1111 = arith.index_cast %scan3A_367 : i32 to index
        %swap3A_1112 = arith.constant 0 : index
        %swap3A_1113 = tpu.vector_load %arg9[%swap3A_1110, %swap3A_1111, %swap3A_1112] {strides = array<i32>} : memref<2x32x32xf32, #tpu.memory_space<vmem>>, vector<16xf32>,
        tpu.vector_store %arg9[%swap3A_1110, %swap3A_1111, %swap3A_1112], %add3A_1109 {strides = array<i32>} : memref<2x32x32xf32, #tpu.memory_space<vmem>>, vector<16xf32>,
        %add3A_1114 = arith.addf %add3A_1085, %add3A_1108 : vector<16xf32>
        %swap3A_1115 = arith.constant 0 : i32
        %swap3A_1116 = arith.index_cast %swap3A_1115 : i32 to index
        %swap3A_1117 = arith.index_cast %scan3A_367 : i32 to index
        %swap3A_1118 = arith.constant 16 : index
        %swap3A_1119 = tpu.vector_load %arg9[%swap3A_1116, %swap3A_1117, %swap3A_1118] {strides = array<i32>} : memref<2x32x32xf32, #tpu.memory_space<vmem>>, vector<16xf32>,
        tpu.vector_store %arg9[%swap3A_1116, %swap3A_1117, %swap3A_1118], %add3A_1114 {strides = array<i32>} : memref<2x32x32xf32, #tpu.memory_space<vmem>>, vector<16xf32>,
        %scan3A_1120 = arith.constant 0 : i32
        scf.yield %scan3A_1120 : i32
      }
      %scan3A_226 = arith.constant 32 : i32
      %dma_start3A_227 = arith.constant 0 : i32
      %dma_start3A_228 = arith.constant 0 : i32
      %dma_start3A_229 = arith.constant 0 : i32
      %dma_start3A_230 = arith.constant 0 : i32
      %dma_start3A_231 = tpu.memref_slice %arg9[%dma_start3A_227, %dma_start3A_229, %dma_start3A_230] : memref<2x32x32xf32, #tpu.memory_space<vmem>> -> memref<1x32x32xf32, #tpu.memory_space<vmem>>
      %dma_start3A_232 = tpu.memref_squeeze %dma_start3A_231 : memref<1x32x32xf32, #tpu.memory_space<vmem>> -> memref<32x32xf32, #tpu.memory_space<vmem>>
      %dma_start3A_233 = arith.constant 0 : i32
      %dma_start3A_234 = tpu.memref_slice %arg4[%multiple_of3A_219, %dma_start3A_233] : memref<10000x32xf32, #tpu.memory_space<hbm>> -> memref<32x32xf32, #tpu.memory_space<hbm>>
      %dma_start3A_235 = tpu.memref_slice %arg13[%dma_start3A_228] : memref<2x!tpu.dma_semaphore, #tpu.memory_space<semaphore_mem>> -> memref<1x!tpu.dma_semaphore, #tpu.memory_space<semaphore_mem>>
      %dma_start3A_236 = tpu.memref_squeeze %dma_start3A_235 : memref<1x!tpu.dma_semaphore, #tpu.memory_space<semaphore_mem>> -> memref<!tpu.dma_semaphore, #tpu.memory_space<semaphore_mem>>
      %dma_start3A_237 = arith.constant 0 : i32
      %dma_start3A_238 = tpu.memref_slice %arg4[%multiple_of3A_219, %dma_start3A_237] : memref<10000x32xf32, #tpu.memory_space<hbm>> -> memref<32x32xf32, #tpu.memory_space<hbm>>
      %dma_start3A_239 = arith.constant 0 : i32
      %dma_start3A_240 = arith.constant 0 : i32
      %dma_start3A_241 = tpu.memref_slice %arg9[%dma_start3A_227, %dma_start3A_239, %dma_start3A_240] : memref<2x32x32xf32, #tpu.memory_space<vmem>> -> memref<1x32x32xf32, #tpu.memory_space<vmem>>
      %dma_start3A_242 = tpu.memref_squeeze %dma_start3A_241 : memref<1x32x32xf32, #tpu.memory_space<vmem>> -> memref<32x32xf32, #tpu.memory_space<vmem>>
      tpu.enqueue_dma source(%dma_start3A_242 : memref<32x32xf32, #tpu.memory_space<vmem>>) target(%dma_start3A_238 : memref<32x32xf32, #tpu.memory_space<hbm>>) target_semaphore(%dma_start3A_236 : memref<!tpu.dma_semaphore, #tpu.memory_space<semaphore_mem>>)
      %add3A_243 = arith.constant 1 : i32
      %add3A_244 = arith.addi %mul3A_121, %add3A_243 : i32
      %lt3A_245 = arith.constant 9 : i32
      %lt3A_246 = arith.cmpi slt, %add3A_244, %lt3A_245 : i32
      %convert_element_type3A_247 = arith.extui %lt3A_246 : i1 to i32
      %cond3A_248 = arith.constant 0 : i32
      %cond3A_249 = arith.cmpi ne, %convert_element_type3A_247, %cond3A_248 : i32
      scf.if %cond3A_249 {
        %add3A_367 = arith.constant 1 : i32
        %add3A_368 = arith.addi %add3A_244, %add3A_367 : i32
        %mul3A_369 = arith.constant 32 : i32
        %mul3A_370 = arith.muli %add3A_368, %mul3A_369 : i32
        %add3A_371 = arith.addi %add3A_11, %mul3A_370 : i32
        %min3A_372 = arith.minsi %add3A_371, %sub3A_13 : i32
        %multiple_of3A_373 = tpu.assume_multiple %min3A_372, 8 : i32
        %sub3A_374 = arith.subi %multiple_of3A_373, %min3A_15 : i32
        %mul3A_375 = arith.constant 32 : i32
        %mul3A_376 = arith.muli %sub3A_374, %mul3A_375 : i32
        %add3A_377 = arith.constant 0 : i32
        %add3A_378 = arith.addi %mul3A_376, %add3A_377 : i32
        %dma_start3A_379 = arith.constant 0 : i32
        %dma_start3A_380 = arith.constant 0 : i32
        %dma_start3A_381 = arith.constant 0 : i32
        %dma_start3A_382 = arith.constant 0 : i32
        %dma_start3A_383 = tpu.memref_slice %arg7[%dma_start3A_379, %dma_start3A_381, %dma_start3A_382] : memref<2x1024x32xbf16, #tpu.memory_space<vmem>> -> memref<1x512x32xbf16, #tpu.memory_space<vmem>>
        %dma_start3A_384 = tpu.memref_squeeze %dma_start3A_383 : memref<1x512x32xbf16, #tpu.memory_space<vmem>> -> memref<512x32xbf16, #tpu.memory_space<vmem>>
        %dma_start3A_385 = tpu.memref_slice %arg6[%add3A_378] : memref<10240xi32, #tpu.memory_space<vmem>> -> memref<512xi32, #tpu.memory_space<vmem>>
        %dma_start3A_386 = arith.constant 0 : i32
        %dma_start3A_387 = arith.constant 0 : i32
        %dma_start3A_388 = tpu.memref_slice %arg10[%dma_start3A_386, %dma_start3A_387] : memref<10000x32xbf16, #tpu.memory_space<vmem_shared>> -> memref<10000x32xbf16, #tpu.memory_space<vmem_shared>>
        %dma_start3A_389 = tpu.memref_slice %arg12[%dma_start3A_380] : memref<2x!tpu.dma_semaphore, #tpu.memory_space<semaphore_mem>> -> memref<1x!tpu.dma_semaphore, #tpu.memory_space<semaphore_mem>>
        %dma_start3A_390 = tpu.memref_squeeze %dma_start3A_389 : memref<1x!tpu.dma_semaphore, #tpu.memory_space<semaphore_mem>> -> memref<!tpu.dma_semaphore, #tpu.memory_space<semaphore_mem>>
        tpu.enqueue_indirect_dma source(%dma_start3A_388 : memref<10000x32xbf16, #tpu.memory_space<vmem_shared>>) target(%dma_start3A_384 : memref<512x32xbf16, #tpu.memory_space<vmem>>) offsets(%dma_start3A_385 : memref<512xi32, #tpu.memory_space<vmem>>) semaphore(%dma_start3A_390 : memref<!tpu.dma_semaphore, #tpu.memory_space<semaphore_mem>>)
        %dma_start3A_391 = arith.constant 0 : i32
        %dma_start3A_392 = arith.constant 0 : i32
        %dma_start3A_393 = arith.constant 0 : i32
        %dma_start3A_394 = arith.constant 0 : i32
        %dma_start3A_395 = tpu.memref_slice %arg8[%dma_start3A_391, %dma_start3A_393, %dma_start3A_394] : memref<2x1024x32xbf16, #tpu.memory_space<vmem>> -> memref<1x512x32xbf16, #tpu.memory_space<vmem>>
        %dma_start3A_396 = tpu.memref_squeeze %dma_start3A_395 : memref<1x512x32xbf16, #tpu.memory_space<vmem>> -> memref<512x32xbf16, #tpu.memory_space<vmem>>
        %dma_start3A_397 = tpu.memref_slice %arg5[%add3A_378] : memref<10240xi32, #tpu.memory_space<vmem>> -> memref<512xi32, #tpu.memory_space<vmem>>
        %dma_start3A_398 = arith.constant 0 : i32
        %dma_start3A_399 = arith.constant 0 : i32
        %dma_start3A_400 = tpu.memref_slice %arg11[%dma_start3A_398, %dma_start3A_399] : memref<10000x32xbf16, #tpu.memory_space<vmem_shared>> -> memref<10000x32xbf16, #tpu.memory_space<vmem_shared>>
        %dma_start3A_401 = tpu.memref_slice %arg12[%dma_start3A_392] : memref<2x!tpu.dma_semaphore, #tpu.memory_space<semaphore_mem>> -> memref<1x!tpu.dma_semaphore, #tpu.memory_space<semaphore_mem>>
        %dma_start3A_402 = tpu.memref_squeeze %dma_start3A_401 : memref<1x!tpu.dma_semaphore, #tpu.memory_space<semaphore_mem>> -> memref<!tpu.dma_semaphore, #tpu.memory_space<semaphore_mem>>
        tpu.enqueue_indirect_dma source(%dma_start3A_400 : memref<10000x32xbf16, #tpu.memory_space<vmem_shared>>) target(%dma_start3A_396 : memref<512x32xbf16, #tpu.memory_space<vmem>>) offsets(%dma_start3A_397 : memref<512xi32, #tpu.memory_space<vmem>>) semaphore(%dma_start3A_402 : memref<!tpu.dma_semaphore, #tpu.memory_space<semaphore_mem>>)
        %add3A_403 = arith.constant 512 : i32
        %add3A_404 = arith.addi %mul3A_376, %add3A_403 : i32
        %dma_start3A_405 = arith.constant 0 : i32
        %dma_start3A_406 = arith.constant 0 : i32
        %dma_start3A_407 = arith.constant 512 : i32
        %dma_start3A_408 = arith.constant 0 : i32
        %dma_start3A_409 = tpu.memref_slice %arg7[%dma_start3A_405, %dma_start3A_407, %dma_start3A_408] : memref<2x1024x32xbf16, #tpu.memory_space<vmem>> -> memref<1x512x32xbf16, #tpu.memory_space<vmem>>
        %dma_start3A_410 = tpu.memref_squeeze %dma_start3A_409 : memref<1x512x32xbf16, #tpu.memory_space<vmem>> -> memref<512x32xbf16, #tpu.memory_space<vmem>>
        %dma_start3A_411 = tpu.memref_slice %arg6[%add3A_404] : memref<10240xi32, #tpu.memory_space<vmem>> -> memref<512xi32, #tpu.memory_space<vmem>>
        %dma_start3A_412 = arith.constant 0 : i32
        %dma_start3A_413 = arith.constant 0 : i32
        %dma_start3A_414 = tpu.memref_slice %arg10[%dma_start3A_412, %dma_start3A_413] : memref<10000x32xbf16, #tpu.memory_space<vmem_shared>> -> memref<10000x32xbf16, #tpu.memory_space<vmem_shared>>
        %dma_start3A_415 = tpu.memref_slice %arg12[%dma_start3A_406] : memref<2x!tpu.dma_semaphore, #tpu.memory_space<semaphore_mem>> -> memref<1x!tpu.dma_semaphore, #tpu.memory_space<semaphore_mem>>
        %dma_start3A_416 = tpu.memref_squeeze %dma_start3A_415 : memref<1x!tpu.dma_semaphore, #tpu.memory_space<semaphore_mem>> -> memref<!tpu.dma_semaphore, #tpu.memory_space<semaphore_mem>>
        tpu.enqueue_indirect_dma source(%dma_start3A_414 : memref<10000x32xbf16, #tpu.memory_space<vmem_shared>>) target(%dma_start3A_410 : memref<512x32xbf16, #tpu.memory_space<vmem>>) offsets(%dma_start3A_411 : memref<512xi32, #tpu.memory_space<vmem>>) semaphore(%dma_start3A_416 : memref<!tpu.dma_semaphore, #tpu.memory_space<semaphore_mem>>)
        %dma_start3A_417 = arith.constant 0 : i32
        %dma_start3A_418 = arith.constant 0 : i32
        %dma_start3A_419 = arith.constant 512 : i32
        %dma_start3A_420 = arith.constant 0 : i32
        %dma_start3A_421 = tpu.memref_slice %arg8[%dma_start3A_417, %dma_start3A_419, %dma_start3A_420] : memref<2x1024x32xbf16, #tpu.memory_space<vmem>> -> memref<1x512x32xbf16, #tpu.memory_space<vmem>>
        %dma_start3A_422 = tpu.memref_squeeze %dma_start3A_421 : memref<1x512x32xbf16, #tpu.memory_space<vmem>> -> memref<512x32xbf16, #tpu.memory_space<vmem>>
        %dma_start3A_423 = tpu.memref_slice %arg5[%add3A_404] : memref<10240xi32, #tpu.memory_space<vmem>> -> memref<512xi32, #tpu.memory_space<vmem>>
        %dma_start3A_424 = arith.constant 0 : i32
        %dma_start3A_425 = arith.constant 0 : i32
        %dma_start3A_426 = tpu.memref_slice %arg11[%dma_start3A_424, %dma_start3A_425] : memref<10000x32xbf16, #tpu.memory_space<vmem_shared>> -> memref<10000x32xbf16, #tpu.memory_space<vmem_shared>>
        %dma_start3A_427 = tpu.memref_slice %arg12[%dma_start3A_418] : memref<2x!tpu.dma_semaphore, #tpu.memory_space<semaphore_mem>> -> memref<1x!tpu.dma_semaphore, #tpu.memory_space<semaphore_mem>>
        %dma_start3A_428 = tpu.memref_squeeze %dma_start3A_427 : memref<1x!tpu.dma_semaphore, #tpu.memory_space<semaphore_mem>> -> memref<!tpu.dma_semaphore, #tpu.memory_space<semaphore_mem>>
        tpu.enqueue_indirect_dma source(%dma_start3A_426 : memref<10000x32xbf16, #tpu.memory_space<vmem_shared>>) target(%dma_start3A_422 : memref<512x32xbf16, #tpu.memory_space<vmem>>) offsets(%dma_start3A_423 : memref<512xi32, #tpu.memory_space<vmem>>) semaphore(%dma_start3A_428 : memref<!tpu.dma_semaphore, #tpu.memory_space<semaphore_mem>>)
      } else {
      }
      %dma_wait3A_250 = arith.constant 0 : i32
      %dma_wait3A_251 = arith.constant 1 : i32
      %dma_wait3A_252 = arith.constant 1 : i32
      %dma_wait3A_253 = arith.constant 0 : i32
      %dma_wait3A_254 = arith.constant 0 : i32
      %dma_wait3A_255 = tpu.memref_slice %arg7[%dma_wait3A_251, %dma_wait3A_253, %dma_wait3A_254] : memref<2x1024x32xbf16, #tpu.memory_space<vmem>> -> memref<1x512x32xbf16, #tpu.memory_space<vmem>>
      %dma_wait3A_256 = tpu.memref_squeeze %dma_wait3A_255 : memref<1x512x32xbf16, #tpu.memory_space<vmem>> -> memref<512x32xbf16, #tpu.memory_space<vmem>>
      %dma_wait3A_257 = arith.constant 0 : i32
      %dma_wait3A_258 = arith.constant 0 : i32
      %dma_wait3A_259 = tpu.memref_slice %arg3[%dma_wait3A_250, %dma_wait3A_257, %dma_wait3A_258] : memref<2x10000x32xbf16, #tpu.memory_space<hbm>> -> memref<1x512x32xbf16, #tpu.memory_space<hbm>>
      %dma_wait3A_260 = tpu.memref_squeeze %dma_wait3A_259 : memref<1x512x32xbf16, #tpu.memory_space<hbm>> -> memref<512x32xbf16, #tpu.memory_space<hbm>>
      %dma_wait3A_261 = tpu.memref_slice %arg12[%dma_wait3A_252] : memref<2x!tpu.dma_semaphore, #tpu.memory_space<semaphore_mem>> -> memref<1x!tpu.dma_semaphore, #tpu.memory_space<semaphore_mem>>
      %dma_wait3A_262 = tpu.memref_squeeze %dma_wait3A_261 : memref<1x!tpu.dma_semaphore, #tpu.memory_space<semaphore_mem>> -> memref<!tpu.dma_semaphore, #tpu.memory_space<semaphore_mem>>
      %dma_wait3A_263 = arith.constant 0 : i32
      %dma_wait3A_264 = arith.constant 0 : i32
      %dma_wait3A_265 = tpu.memref_slice %arg7[%dma_wait3A_251, %dma_wait3A_263, %dma_wait3A_264] : memref<2x1024x32xbf16, #tpu.memory_space<vmem>> -> memref<1x512x32xbf16, #tpu.memory_space<vmem>>
      %dma_wait3A_266 = tpu.memref_squeeze %dma_wait3A_265 : memref<1x512x32xbf16, #tpu.memory_space<vmem>> -> memref<512x32xbf16, #tpu.memory_space<vmem>>
      %dma_wait3A_267 = arith.constant 0 : i32
      %dma_wait3A_268 = arith.constant 0 : i32
      %dma_wait3A_269 = tpu.memref_slice %arg3[%dma_wait3A_250, %dma_wait3A_267, %dma_wait3A_268] : memref<2x10000x32xbf16, #tpu.memory_space<hbm>> -> memref<1x512x32xbf16, #tpu.memory_space<hbm>>
      %dma_wait3A_270 = tpu.memref_squeeze %dma_wait3A_269 : memref<1x512x32xbf16, #tpu.memory_space<hbm>> -> memref<512x32xbf16, #tpu.memory_space<hbm>>
      tpu.wait_dma2 semaphore(%dma_wait3A_262 : memref<!tpu.dma_semaphore, #tpu.memory_space<semaphore_mem>>) src(%dma_wait3A_270 : memref<512x32xbf16, #tpu.memory_space<hbm>>) dst(%dma_wait3A_266 : memref<512x32xbf16, #tpu.memory_space<vmem>>)
      %dma_wait3A_271 = arith.constant 0 : i32
      %dma_wait3A_272 = arith.constant 1 : i32
      %dma_wait3A_273 = arith.constant 1 : i32
      %dma_wait3A_274 = arith.constant 0 : i32
      %dma_wait3A_275 = arith.constant 0 : i32
      %dma_wait3A_276 = tpu.memref_slice %arg7[%dma_wait3A_272, %dma_wait3A_274, %dma_wait3A_275] : memref<2x1024x32xbf16, #tpu.memory_space<vmem>> -> memref<1x512x32xbf16, #tpu.memory_space<vmem>>
      %dma_wait3A_277 = tpu.memref_squeeze %dma_wait3A_276 : memref<1x512x32xbf16, #tpu.memory_space<vmem>> -> memref<512x32xbf16, #tpu.memory_space<vmem>>
      %dma_wait3A_278 = arith.constant 0 : i32
      %dma_wait3A_279 = arith.constant 0 : i32
      %dma_wait3A_280 = tpu.memref_slice %arg3[%dma_wait3A_271, %dma_wait3A_278, %dma_wait3A_279] : memref<2x10000x32xbf16, #tpu.memory_space<hbm>> -> memref<1x512x32xbf16, #tpu.memory_space<hbm>>
      %dma_wait3A_281 = tpu.memref_squeeze %dma_wait3A_280 : memref<1x512x32xbf16, #tpu.memory_space<hbm>> -> memref<512x32xbf16, #tpu.memory_space<hbm>>
      %dma_wait3A_282 = tpu.memref_slice %arg12[%dma_wait3A_273] : memref<2x!tpu.dma_semaphore, #tpu.memory_space<semaphore_mem>> -> memref<1x!tpu.dma_semaphore, #tpu.memory_space<semaphore_mem>>
      %dma_wait3A_283 = tpu.memref_squeeze %dma_wait3A_282 : memref<1x!tpu.dma_semaphore, #tpu.memory_space<semaphore_mem>> -> memref<!tpu.dma_semaphore, #tpu.memory_space<semaphore_mem>>
      %dma_wait3A_284 = arith.constant 0 : i32
      %dma_wait3A_285 = arith.constant 0 : i32
      %dma_wait3A_286 = tpu.memref_slice %arg7[%dma_wait3A_272, %dma_wait3A_284, %dma_wait3A_285] : memref<2x1024x32xbf16, #tpu.memory_space<vmem>> -> memref<1x512x32xbf16, #tpu.memory_space<vmem>>
      %dma_wait3A_287 = tpu.memref_squeeze %dma_wait3A_286 : memref<1x512x32xbf16, #tpu.memory_space<vmem>> -> memref<512x32xbf16, #tpu.memory_space<vmem>>
      %dma_wait3A_288 = arith.constant 0 : i32
      %dma_wait3A_289 = arith.constant 0 : i32
      %dma_wait3A_290 = tpu.memref_slice %arg3[%dma_wait3A_271, %dma_wait3A_288, %dma_wait3A_289] : memref<2x10000x32xbf16, #tpu.memory_space<hbm>> -> memref<1x512x32xbf16, #tpu.memory_space<hbm>>
      %dma_wait3A_291 = tpu.memref_squeeze %dma_wait3A_290 : memref<1x512x32xbf16, #tpu.memory_space<hbm>> -> memref<512x32xbf16, #tpu.memory_space<hbm>>
      tpu.wait_dma2 semaphore(%dma_wait3A_283 : memref<!tpu.dma_semaphore, #tpu.memory_space<semaphore_mem>>) src(%dma_wait3A_291 : memref<512x32xbf16, #tpu.memory_space<hbm>>) dst(%dma_wait3A_287 : memref<512x32xbf16, #tpu.memory_space<vmem>>)
      %dma_wait3A_292 = arith.constant 0 : i32
      %dma_wait3A_293 = arith.constant 1 : i32
      %dma_wait3A_294 = arith.constant 1 : i32
      %dma_wait3A_295 = arith.constant 0 : i32
      %dma_wait3A_296 = arith.constant 0 : i32
      %dma_wait3A_297 = tpu.memref_slice %arg7[%dma_wait3A_293, %dma_wait3A_295, %dma_wait3A_296] : memref<2x1024x32xbf16, #tpu.memory_space<vmem>> -> memref<1x512x32xbf16, #tpu.memory_space<vmem>>
      %dma_wait3A_298 = tpu.memref_squeeze %dma_wait3A_297 : memref<1x512x32xbf16, #tpu.memory_space<vmem>> -> memref<512x32xbf16, #tpu.memory_space<vmem>>
      %dma_wait3A_299 = arith.constant 0 : i32
      %dma_wait3A_300 = arith.constant 0 : i32
      %dma_wait3A_301 = tpu.memref_slice %arg3[%dma_wait3A_292, %dma_wait3A_299, %dma_wait3A_300] : memref<2x10000x32xbf16, #tpu.memory_space<hbm>> -> memref<1x512x32xbf16, #tpu.memory_space<hbm>>
      %dma_wait3A_302 = tpu.memref_squeeze %dma_wait3A_301 : memref<1x512x32xbf16, #tpu.memory_space<hbm>> -> memref<512x32xbf16, #tpu.memory_space<hbm>>
      %dma_wait3A_303 = tpu.memref_slice %arg12[%dma_wait3A_294] : memref<2x!tpu.dma_semaphore, #tpu.memory_space<semaphore_mem>> -> memref<1x!tpu.dma_semaphore, #tpu.memory_space<semaphore_mem>>
      %dma_wait3A_304 = tpu.memref_squeeze %dma_wait3A_303 : memref<1x!tpu.dma_semaphore, #tpu.memory_space<semaphore_mem>> -> memref<!tpu.dma_semaphore, #tpu.memory_space<semaphore_mem>>
      %dma_wait3A_305 = arith.constant 0 : i32
      %dma_wait3A_306 = arith.constant 0 : i32
      %dma_wait3A_307 = tpu.memref_slice %arg7[%dma_wait3A_293, %dma_wait3A_305, %dma_wait3A_306] : memref<2x1024x32xbf16, #tpu.memory_space<vmem>> -> memref<1x512x32xbf16, #tpu.memory_space<vmem>>
      %dma_wait3A_308 = tpu.memref_squeeze %dma_wait3A_307 : memref<1x512x32xbf16, #tpu.memory_space<vmem>> -> memref<512x32xbf16, #tpu.memory_space<vmem>>
      %dma_wait3A_309 = arith.constant 0 : i32
      %dma_wait3A_310 = arith.constant 0 : i32
      %dma_wait3A_311 = tpu.memref_slice %arg3[%dma_wait3A_292, %dma_wait3A_309, %dma_wait3A_310] : memref<2x10000x32xbf16, #tpu.memory_space<hbm>> -> memref<1x512x32xbf16, #tpu.memory_space<hbm>>
      %dma_wait3A_312 = tpu.memref_squeeze %dma_wait3A_311 : memref<1x512x32xbf16, #tpu.memory_space<hbm>> -> memref<512x32xbf16, #tpu.memory_space<hbm>>
      tpu.wait_dma2 semaphore(%dma_wait3A_304 : memref<!tpu.dma_semaphore, #tpu.memory_space<semaphore_mem>>) src(%dma_wait3A_312 : memref<512x32xbf16, #tpu.memory_space<hbm>>) dst(%dma_wait3A_308 : memref<512x32xbf16, #tpu.memory_space<vmem>>)
      %dma_wait3A_313 = arith.constant 0 : i32
      %dma_wait3A_314 = arith.constant 1 : i32
      %dma_wait3A_315 = arith.constant 1 : i32
      %dma_wait3A_316 = arith.constant 0 : i32
      %dma_wait3A_317 = arith.constant 0 : i32
      %dma_wait3A_318 = tpu.memref_slice %arg7[%dma_wait3A_314, %dma_wait3A_316, %dma_wait3A_317] : memref<2x1024x32xbf16, #tpu.memory_space<vmem>> -> memref<1x512x32xbf16, #tpu.memory_space<vmem>>
      %dma_wait3A_319 = tpu.memref_squeeze %dma_wait3A_318 : memref<1x512x32xbf16, #tpu.memory_space<vmem>> -> memref<512x32xbf16, #tpu.memory_space<vmem>>
      %dma_wait3A_320 = arith.constant 0 : i32
      %dma_wait3A_321 = arith.constant 0 : i32
      %dma_wait3A_322 = tpu.memref_slice %arg3[%dma_wait3A_313, %dma_wait3A_320, %dma_wait3A_321] : memref<2x10000x32xbf16, #tpu.memory_space<hbm>> -> memref<1x512x32xbf16, #tpu.memory_space<hbm>>
      %dma_wait3A_323 = tpu.memref_squeeze %dma_wait3A_322 : memref<1x512x32xbf16, #tpu.memory_space<hbm>> -> memref<512x32xbf16, #tpu.memory_space<hbm>>
      %dma_wait3A_324 = tpu.memref_slice %arg12[%dma_wait3A_315] : memref<2x!tpu.dma_semaphore, #tpu.memory_space<semaphore_mem>> -> memref<1x!tpu.dma_semaphore, #tpu.memory_space<semaphore_mem>>
      %dma_wait3A_325 = tpu.memref_squeeze %dma_wait3A_324 : memref<1x!tpu.dma_semaphore, #tpu.memory_space<semaphore_mem>> -> memref<!tpu.dma_semaphore, #tpu.memory_space<semaphore_mem>>
      %dma_wait3A_326 = arith.constant 0 : i32
      %dma_wait3A_327 = arith.constant 0 : i32
      %dma_wait3A_328 = tpu.memref_slice %arg7[%dma_wait3A_314, %dma_wait3A_326, %dma_wait3A_327] : memref<2x1024x32xbf16, #tpu.memory_space<vmem>> -> memref<1x512x32xbf16, #tpu.memory_space<vmem>>
      %dma_wait3A_329 = tpu.memref_squeeze %dma_wait3A_328 : memref<1x512x32xbf16, #tpu.memory_space<vmem>> -> memref<512x32xbf16, #tpu.memory_space<vmem>>
      %dma_wait3A_330 = arith.constant 0 : i32
      %dma_wait3A_331 = arith.constant 0 : i32
      %dma_wait3A_332 = tpu.memref_slice %arg3[%dma_wait3A_313, %dma_wait3A_330, %dma_wait3A_331] : memref<2x10000x32xbf16, #tpu.memory_space<hbm>> -> memref<1x512x32xbf16, #tpu.memory_space<hbm>>
      %dma_wait3A_333 = tpu.memref_squeeze %dma_wait3A_332 : memref<1x512x32xbf16, #tpu.memory_space<hbm>> -> memref<512x32xbf16, #tpu.memory_space<hbm>>
      tpu.wait_dma2 semaphore(%dma_wait3A_325 : memref<!tpu.dma_semaphore, #tpu.memory_space<semaphore_mem>>) src(%dma_wait3A_333 : memref<512x32xbf16, #tpu.memory_space<hbm>>) dst(%dma_wait3A_329 : memref<512x32xbf16, #tpu.memory_space<vmem>>)
      %ge3A_334 = arith.constant 2 : i32
      %ge3A_335 = arith.cmpi sge, %add3A_244, %ge3A_334 : i32
      %convert_element_type3A_336 = arith.extui %ge3A_335 : i1 to i32
      %cond3A_337 = arith.constant 0 : i32
      %cond3A_338 = arith.cmpi ne, %convert_element_type3A_336, %cond3A_337 : i32
      scf.if %cond3A_338 {
        %dma_wait3A_367 = arith.constant 1 : i32
        %dma_wait3A_368 = arith.constant 1 : i32
        %dma_wait3A_369 = arith.constant 0 : i32
        %dma_wait3A_370 = arith.constant 0 : i32
        %dma_wait3A_371 = tpu.memref_slice %arg9[%dma_wait3A_367, %dma_wait3A_369, %dma_wait3A_370] : memref<2x32x32xf32, #tpu.memory_space<vmem>> -> memref<1x32x32xf32, #tpu.memory_space<vmem>>
        %dma_wait3A_372 = tpu.memref_squeeze %dma_wait3A_371 : memref<1x32x32xf32, #tpu.memory_space<vmem>> -> memref<32x32xf32, #tpu.memory_space<vmem>>
        %dma_wait3A_373 = arith.constant 0 : i32
        %dma_wait3A_374 = arith.constant 0 : i32
        %dma_wait3A_375 = tpu.memref_slice %arg4[%dma_wait3A_373, %dma_wait3A_374] : memref<10000x32xf32, #tpu.memory_space<hbm>> -> memref<32x32xf32, #tpu.memory_space<hbm>>
        %dma_wait3A_376 = tpu.memref_slice %arg13[%dma_wait3A_368] : memref<2x!tpu.dma_semaphore, #tpu.memory_space<semaphore_mem>> -> memref<1x!tpu.dma_semaphore, #tpu.memory_space<semaphore_mem>>
        %dma_wait3A_377 = tpu.memref_squeeze %dma_wait3A_376 : memref<1x!tpu.dma_semaphore, #tpu.memory_space<semaphore_mem>> -> memref<!tpu.dma_semaphore, #tpu.memory_space<semaphore_mem>>
        %dma_wait3A_378 = arith.constant 0 : i32
        %dma_wait3A_379 = arith.constant 0 : i32
        %dma_wait3A_380 = tpu.memref_slice %arg4[%dma_wait3A_378, %dma_wait3A_379] : memref<10000x32xf32, #tpu.memory_space<hbm>> -> memref<32x32xf32, #tpu.memory_space<hbm>>
        %dma_wait3A_381 = arith.constant 0 : i32
        %dma_wait3A_382 = arith.constant 0 : i32
        %dma_wait3A_383 = tpu.memref_slice %arg9[%dma_wait3A_367, %dma_wait3A_381, %dma_wait3A_382] : memref<2x32x32xf32, #tpu.memory_space<vmem>> -> memref<1x32x32xf32, #tpu.memory_space<vmem>>
        %dma_wait3A_384 = tpu.memref_squeeze %dma_wait3A_383 : memref<1x32x32xf32, #tpu.memory_space<vmem>> -> memref<32x32xf32, #tpu.memory_space<vmem>>
        tpu.wait_dma2 semaphore(%dma_wait3A_377 : memref<!tpu.dma_semaphore, #tpu.memory_space<semaphore_mem>>) src(%dma_wait3A_384 : memref<32x32xf32, #tpu.memory_space<vmem>>) dst(%dma_wait3A_380 : memref<32x32xf32, #tpu.memory_space<hbm>>)
      } else {
      }
      %mul3A_339 = arith.constant 32 : i32
      %mul3A_340 = arith.muli %add3A_244, %mul3A_339 : i32
      %add3A_341 = arith.addi %add3A_11, %mul3A_340 : i32
      %min3A_342 = arith.minsi %add3A_341, %sub3A_13 : i32
      %multiple_of3A_343 = tpu.assume_multiple %min3A_342, 8 : i32
      %scan3A_344 = arith.constant 0 : i32
      %scan3A_345 = arith.constant 0 : i32
      %scan3A_346 = arith.constant 32 : i32
      %scan3A_347 = arith.addi %scan3A_345, %scan3A_346 : i32
      %scan3A_348 = arith.constant 1 : i32
      %scan3A_349 = scf.for %scan3A_367 = %scan3A_345 to %scan3A_347 step %scan3A_348 iter_args(%scan3A_368 = %scan3A_344) -> (i32)  : i32 {
        %broadcast_in_dim3A = arith.constant 0.000000e+00 : f32
        %broadcast_in_dim3A_369 = vector.broadcast %broadcast_in_dim3A : f32 to vector<16xf32>
        %broadcast_in_dim3A_370 = arith.constant 0.000000e+00 : f32
        %broadcast_in_dim3A_371 = vector.broadcast %broadcast_in_dim3A_370 : f32 to vector<16xf32>
        %broadcast_in_dim3A_372 = arith.constant 0.000000e+00 : f32
        %broadcast_in_dim3A_373 = vector.broadcast %broadcast_in_dim3A_372 : f32 to vector<16xf32>
        %broadcast_in_dim3A_374 = arith.constant 0.000000e+00 : f32
        %broadcast_in_dim3A_375 = vector.broadcast %broadcast_in_dim3A_374 : f32 to vector<16xf32>
        %mul3A_376 = arith.constant 32 : i32
        %mul3A_377 = arith.muli %scan3A_367, %mul3A_376 : i32
        %add3A_378 = arith.constant 0 : i32
        %add3A_379 = arith.addi %mul3A_377, %add3A_378 : i32
        %get3A = arith.constant 1 : i32
        %get3A_380 = arith.index_cast %get3A : i32 to index
        %get3A_381 = arith.index_cast %add3A_379 : i32 to index
        %get3A_382 = arith.constant 0 : index
        %get3A_383 = tpu.vector_load %arg7[%get3A_380, %get3A_381, %get3A_382] {strides = array<i32>} : memref<2x1024x32xbf16, #tpu.memory_space<vmem>>, vector<32xbf16>,
        %get3A_384 = arith.constant 1 : i32
        %get3A_385 = arith.index_cast %get3A_384 : i32 to index
        %get3A_386 = arith.index_cast %add3A_379 : i32 to index
        %get3A_387 = arith.constant 0 : index
        %get3A_388 = tpu.vector_load %arg8[%get3A_385, %get3A_386, %get3A_387] {strides = array<i32>} : memref<2x1024x32xbf16, #tpu.memory_space<vmem>>, vector<32xbf16>,
        %mul3A_389 = arith.mulf %get3A_383, %get3A_388 : vector<32xbf16>
        %bitcast3A = vector.bitcast %mul3A_389 : vector<32xbf16> to vector<16xi32>
        %shift_left3A = arith.constant 16 : i32
        %shift_left3A_390 = vector.broadcast %shift_left3A : i32 to vector<16xi32>
        %shift_left3A_391 = arith.shli %bitcast3A, %shift_left3A_390 : vector<16xi32>
        %bitcast3A_392 = vector.bitcast %shift_left3A_391 : vector<16xi32> to vector<16xf32>
        %bitcast3A_393 = vector.bitcast %bitcast3A : vector<16xi32> to vector<16xf32>
        %add3A_394 = arith.addf %broadcast_in_dim3A_369, %bitcast3A_392 : vector<16xf32>
        %add3A_395 = arith.addf %broadcast_in_dim3A_371, %bitcast3A_393 : vector<16xf32>
        %mul3A_396 = arith.constant 32 : i32
        %mul3A_397 = arith.muli %scan3A_367, %mul3A_396 : i32
        %add3A_398 = arith.constant 1 : i32
        %add3A_399 = arith.addi %mul3A_397, %add3A_398 : i32
        %get3A_400 = arith.constant 1 : i32
        %get3A_401 = arith.index_cast %get3A_400 : i32 to index
        %get3A_402 = arith.index_cast %add3A_399 : i32 to index
        %get3A_403 = arith.constant 0 : index
        %get3A_404 = tpu.vector_load %arg7[%get3A_401, %get3A_402, %get3A_403] {strides = array<i32>} : memref<2x1024x32xbf16, #tpu.memory_space<vmem>>, vector<32xbf16>,
        %get3A_405 = arith.constant 1 : i32
        %get3A_406 = arith.index_cast %get3A_405 : i32 to index
        %get3A_407 = arith.index_cast %add3A_399 : i32 to index
        %get3A_408 = arith.constant 0 : index
        %get3A_409 = tpu.vector_load %arg8[%get3A_406, %get3A_407, %get3A_408] {strides = array<i32>} : memref<2x1024x32xbf16, #tpu.memory_space<vmem>>, vector<32xbf16>,
        %mul3A_410 = arith.mulf %get3A_404, %get3A_409 : vector<32xbf16>
        %bitcast3A_411 = vector.bitcast %mul3A_410 : vector<32xbf16> to vector<16xi32>
        %shift_left3A_412 = arith.constant 16 : i32
        %shift_left3A_413 = vector.broadcast %shift_left3A_412 : i32 to vector<16xi32>
        %shift_left3A_414 = arith.shli %bitcast3A_411, %shift_left3A_413 : vector<16xi32>
        %bitcast3A_415 = vector.bitcast %shift_left3A_414 : vector<16xi32> to vector<16xf32>
        %bitcast3A_416 = vector.bitcast %bitcast3A_411 : vector<16xi32> to vector<16xf32>
        %add3A_417 = arith.addf %broadcast_in_dim3A_373, %bitcast3A_415 : vector<16xf32>
        %add3A_418 = arith.addf %broadcast_in_dim3A_375, %bitcast3A_416 : vector<16xf32>
        %mul3A_419 = arith.constant 32 : i32
        %mul3A_420 = arith.muli %scan3A_367, %mul3A_419 : i32
        %add3A_421 = arith.constant 2 : i32
        %add3A_422 = arith.addi %mul3A_420, %add3A_421 : i32
        %get3A_423 = arith.constant 1 : i32
        %get3A_424 = arith.index_cast %get3A_423 : i32 to index
        %get3A_425 = arith.index_cast %add3A_422 : i32 to index
        %get3A_426 = arith.constant 0 : index
        %get3A_427 = tpu.vector_load %arg7[%get3A_424, %get3A_425, %get3A_426] {strides = array<i32>} : memref<2x1024x32xbf16, #tpu.memory_space<vmem>>, vector<32xbf16>,
        %get3A_428 = arith.constant 1 : i32
        %get3A_429 = arith.index_cast %get3A_428 : i32 to index
        %get3A_430 = arith.index_cast %add3A_422 : i32 to index
        %get3A_431 = arith.constant 0 : index
        %get3A_432 = tpu.vector_load %arg8[%get3A_429, %get3A_430, %get3A_431] {strides = array<i32>} : memref<2x1024x32xbf16, #tpu.memory_space<vmem>>, vector<32xbf16>,
        %mul3A_433 = arith.mulf %get3A_427, %get3A_432 : vector<32xbf16>
        %bitcast3A_434 = vector.bitcast %mul3A_433 : vector<32xbf16> to vector<16xi32>
        %shift_left3A_435 = arith.constant 16 : i32
        %shift_left3A_436 = vector.broadcast %shift_left3A_435 : i32 to vector<16xi32>
        %shift_left3A_437 = arith.shli %bitcast3A_434, %shift_left3A_436 : vector<16xi32>
        %bitcast3A_438 = vector.bitcast %shift_left3A_437 : vector<16xi32> to vector<16xf32>
        %bitcast3A_439 = vector.bitcast %bitcast3A_434 : vector<16xi32> to vector<16xf32>
        %add3A_440 = arith.addf %add3A_394, %bitcast3A_438 : vector<16xf32>
        %add3A_441 = arith.addf %add3A_395, %bitcast3A_439 : vector<16xf32>
        %mul3A_442 = arith.constant 32 : i32
        %mul3A_443 = arith.muli %scan3A_367, %mul3A_442 : i32
        %add3A_444 = arith.constant 3 : i32
        %add3A_445 = arith.addi %mul3A_443, %add3A_444 : i32
        %get3A_446 = arith.constant 1 : i32
        %get3A_447 = arith.index_cast %get3A_446 : i32 to index
        %get3A_448 = arith.index_cast %add3A_445 : i32 to index
        %get3A_449 = arith.constant 0 : index
        %get3A_450 = tpu.vector_load %arg7[%get3A_447, %get3A_448, %get3A_449] {strides = array<i32>} : memref<2x1024x32xbf16, #tpu.memory_space<vmem>>, vector<32xbf16>,
        %get3A_451 = arith.constant 1 : i32
        %get3A_452 = arith.index_cast %get3A_451 : i32 to index
        %get3A_453 = arith.index_cast %add3A_445 : i32 to index
        %get3A_454 = arith.constant 0 : index
        %get3A_455 = tpu.vector_load %arg8[%get3A_452, %get3A_453, %get3A_454] {strides = array<i32>} : memref<2x1024x32xbf16, #tpu.memory_space<vmem>>, vector<32xbf16>,
        %mul3A_456 = arith.mulf %get3A_450, %get3A_455 : vector<32xbf16>
        %bitcast3A_457 = vector.bitcast %mul3A_456 : vector<32xbf16> to vector<16xi32>
        %shift_left3A_458 = arith.constant 16 : i32
        %shift_left3A_459 = vector.broadcast %shift_left3A_458 : i32 to vector<16xi32>
        %shift_left3A_460 = arith.shli %bitcast3A_457, %shift_left3A_459 : vector<16xi32>
        %bitcast3A_461 = vector.bitcast %shift_left3A_460 : vector<16xi32> to vector<16xf32>
        %bitcast3A_462 = vector.bitcast %bitcast3A_457 : vector<16xi32> to vector<16xf32>
        %add3A_463 = arith.addf %add3A_417, %bitcast3A_461 : vector<16xf32>
        %add3A_464 = arith.addf %add3A_418, %bitcast3A_462 : vector<16xf32>
        %mul3A_465 = arith.constant 32 : i32
        %mul3A_466 = arith.muli %scan3A_367, %mul3A_465 : i32
        %add3A_467 = arith.constant 4 : i32
        %add3A_468 = arith.addi %mul3A_466, %add3A_467 : i32
        %get3A_469 = arith.constant 1 : i32
        %get3A_470 = arith.index_cast %get3A_469 : i32 to index
        %get3A_471 = arith.index_cast %add3A_468 : i32 to index
        %get3A_472 = arith.constant 0 : index
        %get3A_473 = tpu.vector_load %arg7[%get3A_470, %get3A_471, %get3A_472] {strides = array<i32>} : memref<2x1024x32xbf16, #tpu.memory_space<vmem>>, vector<32xbf16>,
        %get3A_474 = arith.constant 1 : i32
        %get3A_475 = arith.index_cast %get3A_474 : i32 to index
        %get3A_476 = arith.index_cast %add3A_468 : i32 to index
        %get3A_477 = arith.constant 0 : index
        %get3A_478 = tpu.vector_load %arg8[%get3A_475, %get3A_476, %get3A_477] {strides = array<i32>} : memref<2x1024x32xbf16, #tpu.memory_space<vmem>>, vector<32xbf16>,
        %mul3A_479 = arith.mulf %get3A_473, %get3A_478 : vector<32xbf16>
        %bitcast3A_480 = vector.bitcast %mul3A_479 : vector<32xbf16> to vector<16xi32>
        %shift_left3A_481 = arith.constant 16 : i32
        %shift_left3A_482 = vector.broadcast %shift_left3A_481 : i32 to vector<16xi32>
        %shift_left3A_483 = arith.shli %bitcast3A_480, %shift_left3A_482 : vector<16xi32>
        %bitcast3A_484 = vector.bitcast %shift_left3A_483 : vector<16xi32> to vector<16xf32>
        %bitcast3A_485 = vector.bitcast %bitcast3A_480 : vector<16xi32> to vector<16xf32>
        %add3A_486 = arith.addf %add3A_440, %bitcast3A_484 : vector<16xf32>
        %add3A_487 = arith.addf %add3A_441, %bitcast3A_485 : vector<16xf32>
        %mul3A_488 = arith.constant 32 : i32
        %mul3A_489 = arith.muli %scan3A_367, %mul3A_488 : i32
        %add3A_490 = arith.constant 5 : i32
        %add3A_491 = arith.addi %mul3A_489, %add3A_490 : i32
        %get3A_492 = arith.constant 1 : i32
        %get3A_493 = arith.index_cast %get3A_492 : i32 to index
        %get3A_494 = arith.index_cast %add3A_491 : i32 to index
        %get3A_495 = arith.constant 0 : index
        %get3A_496 = tpu.vector_load %arg7[%get3A_493, %get3A_494, %get3A_495] {strides = array<i32>} : memref<2x1024x32xbf16, #tpu.memory_space<vmem>>, vector<32xbf16>,
        %get3A_497 = arith.constant 1 : i32
        %get3A_498 = arith.index_cast %get3A_497 : i32 to index
        %get3A_499 = arith.index_cast %add3A_491 : i32 to index
        %get3A_500 = arith.constant 0 : index
        %get3A_501 = tpu.vector_load %arg8[%get3A_498, %get3A_499, %get3A_500] {strides = array<i32>} : memref<2x1024x32xbf16, #tpu.memory_space<vmem>>, vector<32xbf16>,
        %mul3A_502 = arith.mulf %get3A_496, %get3A_501 : vector<32xbf16>
        %bitcast3A_503 = vector.bitcast %mul3A_502 : vector<32xbf16> to vector<16xi32>
        %shift_left3A_504 = arith.constant 16 : i32
        %shift_left3A_505 = vector.broadcast %shift_left3A_504 : i32 to vector<16xi32>
        %shift_left3A_506 = arith.shli %bitcast3A_503, %shift_left3A_505 : vector<16xi32>
        %bitcast3A_507 = vector.bitcast %shift_left3A_506 : vector<16xi32> to vector<16xf32>
        %bitcast3A_508 = vector.bitcast %bitcast3A_503 : vector<16xi32> to vector<16xf32>
        %add3A_509 = arith.addf %add3A_463, %bitcast3A_507 : vector<16xf32>
        %add3A_510 = arith.addf %add3A_464, %bitcast3A_508 : vector<16xf32>
        %mul3A_511 = arith.constant 32 : i32
        %mul3A_512 = arith.muli %scan3A_367, %mul3A_511 : i32
        %add3A_513 = arith.constant 6 : i32
        %add3A_514 = arith.addi %mul3A_512, %add3A_513 : i32
        %get3A_515 = arith.constant 1 : i32
        %get3A_516 = arith.index_cast %get3A_515 : i32 to index
        %get3A_517 = arith.index_cast %add3A_514 : i32 to index
        %get3A_518 = arith.constant 0 : index
        %get3A_519 = tpu.vector_load %arg7[%get3A_516, %get3A_517, %get3A_518] {strides = array<i32>} : memref<2x1024x32xbf16, #tpu.memory_space<vmem>>, vector<32xbf16>,
        %get3A_520 = arith.constant 1 : i32
        %get3A_521 = arith.index_cast %get3A_520 : i32 to index
        %get3A_522 = arith.index_cast %add3A_514 : i32 to index
        %get3A_523 = arith.constant 0 : index
        %get3A_524 = tpu.vector_load %arg8[%get3A_521, %get3A_522, %get3A_523] {strides = array<i32>} : memref<2x1024x32xbf16, #tpu.memory_space<vmem>>, vector<32xbf16>,
        %mul3A_525 = arith.mulf %get3A_519, %get3A_524 : vector<32xbf16>
        %bitcast3A_526 = vector.bitcast %mul3A_525 : vector<32xbf16> to vector<16xi32>
        %shift_left3A_527 = arith.constant 16 : i32
        %shift_left3A_528 = vector.broadcast %shift_left3A_527 : i32 to vector<16xi32>
        %shift_left3A_529 = arith.shli %bitcast3A_526, %shift_left3A_528 : vector<16xi32>
        %bitcast3A_530 = vector.bitcast %shift_left3A_529 : vector<16xi32> to vector<16xf32>
        %bitcast3A_531 = vector.bitcast %bitcast3A_526 : vector<16xi32> to vector<16xf32>
        %add3A_532 = arith.addf %add3A_486, %bitcast3A_530 : vector<16xf32>
        %add3A_533 = arith.addf %add3A_487, %bitcast3A_531 : vector<16xf32>
        %mul3A_534 = arith.constant 32 : i32
        %mul3A_535 = arith.muli %scan3A_367, %mul3A_534 : i32
        %add3A_536 = arith.constant 7 : i32
        %add3A_537 = arith.addi %mul3A_535, %add3A_536 : i32
        %get3A_538 = arith.constant 1 : i32
        %get3A_539 = arith.index_cast %get3A_538 : i32 to index
        %get3A_540 = arith.index_cast %add3A_537 : i32 to index
        %get3A_541 = arith.constant 0 : index
        %get3A_542 = tpu.vector_load %arg7[%get3A_539, %get3A_540, %get3A_541] {strides = array<i32>} : memref<2x1024x32xbf16, #tpu.memory_space<vmem>>, vector<32xbf16>,
        %get3A_543 = arith.constant 1 : i32
        %get3A_544 = arith.index_cast %get3A_543 : i32 to index
        %get3A_545 = arith.index_cast %add3A_537 : i32 to index
        %get3A_546 = arith.constant 0 : index
        %get3A_547 = tpu.vector_load %arg8[%get3A_544, %get3A_545, %get3A_546] {strides = array<i32>} : memref<2x1024x32xbf16, #tpu.memory_space<vmem>>, vector<32xbf16>,
        %mul3A_548 = arith.mulf %get3A_542, %get3A_547 : vector<32xbf16>
        %bitcast3A_549 = vector.bitcast %mul3A_548 : vector<32xbf16> to vector<16xi32>
        %shift_left3A_550 = arith.constant 16 : i32
        %shift_left3A_551 = vector.broadcast %shift_left3A_550 : i32 to vector<16xi32>
        %shift_left3A_552 = arith.shli %bitcast3A_549, %shift_left3A_551 : vector<16xi32>
        %bitcast3A_553 = vector.bitcast %shift_left3A_552 : vector<16xi32> to vector<16xf32>
        %bitcast3A_554 = vector.bitcast %bitcast3A_549 : vector<16xi32> to vector<16xf32>
        %add3A_555 = arith.addf %add3A_509, %bitcast3A_553 : vector<16xf32>
        %add3A_556 = arith.addf %add3A_510, %bitcast3A_554 : vector<16xf32>
        %mul3A_557 = arith.constant 32 : i32
        %mul3A_558 = arith.muli %scan3A_367, %mul3A_557 : i32
        %add3A_559 = arith.constant 8 : i32
        %add3A_560 = arith.addi %mul3A_558, %add3A_559 : i32
        %get3A_561 = arith.constant 1 : i32
        %get3A_562 = arith.index_cast %get3A_561 : i32 to index
        %get3A_563 = arith.index_cast %add3A_560 : i32 to index
        %get3A_564 = arith.constant 0 : index
        %get3A_565 = tpu.vector_load %arg7[%get3A_562, %get3A_563, %get3A_564] {strides = array<i32>} : memref<2x1024x32xbf16, #tpu.memory_space<vmem>>, vector<32xbf16>,
        %get3A_566 = arith.constant 1 : i32
        %get3A_567 = arith.index_cast %get3A_566 : i32 to index
        %get3A_568 = arith.index_cast %add3A_560 : i32 to index
        %get3A_569 = arith.constant 0 : index
        %get3A_570 = tpu.vector_load %arg8[%get3A_567, %get3A_568, %get3A_569] {strides = array<i32>} : memref<2x1024x32xbf16, #tpu.memory_space<vmem>>, vector<32xbf16>,
        %mul3A_571 = arith.mulf %get3A_565, %get3A_570 : vector<32xbf16>
        %bitcast3A_572 = vector.bitcast %mul3A_571 : vector<32xbf16> to vector<16xi32>
        %shift_left3A_573 = arith.constant 16 : i32
        %shift_left3A_574 = vector.broadcast %shift_left3A_573 : i32 to vector<16xi32>
        %shift_left3A_575 = arith.shli %bitcast3A_572, %shift_left3A_574 : vector<16xi32>
        %bitcast3A_576 = vector.bitcast %shift_left3A_575 : vector<16xi32> to vector<16xf32>
        %bitcast3A_577 = vector.bitcast %bitcast3A_572 : vector<16xi32> to vector<16xf32>
        %add3A_578 = arith.addf %add3A_532, %bitcast3A_576 : vector<16xf32>
        %add3A_579 = arith.addf %add3A_533, %bitcast3A_577 : vector<16xf32>
        %mul3A_580 = arith.constant 32 : i32
        %mul3A_581 = arith.muli %scan3A_367, %mul3A_580 : i32
        %add3A_582 = arith.constant 9 : i32
        %add3A_583 = arith.addi %mul3A_581, %add3A_582 : i32
        %get3A_584 = arith.constant 1 : i32
        %get3A_585 = arith.index_cast %get3A_584 : i32 to index
        %get3A_586 = arith.index_cast %add3A_583 : i32 to index
        %get3A_587 = arith.constant 0 : index
        %get3A_588 = tpu.vector_load %arg7[%get3A_585, %get3A_586, %get3A_587] {strides = array<i32>} : memref<2x1024x32xbf16, #tpu.memory_space<vmem>>, vector<32xbf16>,
        %get3A_589 = arith.constant 1 : i32
        %get3A_590 = arith.index_cast %get3A_589 : i32 to index
        %get3A_591 = arith.index_cast %add3A_583 : i32 to index
        %get3A_592 = arith.constant 0 : index
        %get3A_593 = tpu.vector_load %arg8[%get3A_590, %get3A_591, %get3A_592] {strides = array<i32>} : memref<2x1024x32xbf16, #tpu.memory_space<vmem>>, vector<32xbf16>,
        %mul3A_594 = arith.mulf %get3A_588, %get3A_593 : vector<32xbf16>
        %bitcast3A_595 = vector.bitcast %mul3A_594 : vector<32xbf16> to vector<16xi32>
        %shift_left3A_596 = arith.constant 16 : i32
        %shift_left3A_597 = vector.broadcast %shift_left3A_596 : i32 to vector<16xi32>
        %shift_left3A_598 = arith.shli %bitcast3A_595, %shift_left3A_597 : vector<16xi32>
        %bitcast3A_599 = vector.bitcast %shift_left3A_598 : vector<16xi32> to vector<16xf32>
        %bitcast3A_600 = vector.bitcast %bitcast3A_595 : vector<16xi32> to vector<16xf32>
        %add3A_601 = arith.addf %add3A_555, %bitcast3A_599 : vector<16xf32>
        %add3A_602 = arith.addf %add3A_556, %bitcast3A_600 : vector<16xf32>
        %mul3A_603 = arith.constant 32 : i32
        %mul3A_604 = arith.muli %scan3A_367, %mul3A_603 : i32
        %add3A_605 = arith.constant 10 : i32
        %add3A_606 = arith.addi %mul3A_604, %add3A_605 : i32
        %get3A_607 = arith.constant 1 : i32
        %get3A_608 = arith.index_cast %get3A_607 : i32 to index
        %get3A_609 = arith.index_cast %add3A_606 : i32 to index
        %get3A_610 = arith.constant 0 : index
        %get3A_611 = tpu.vector_load %arg7[%get3A_608, %get3A_609, %get3A_610] {strides = array<i32>} : memref<2x1024x32xbf16, #tpu.memory_space<vmem>>, vector<32xbf16>,
        %get3A_612 = arith.constant 1 : i32
        %get3A_613 = arith.index_cast %get3A_612 : i32 to index
        %get3A_614 = arith.index_cast %add3A_606 : i32 to index
        %get3A_615 = arith.constant 0 : index
        %get3A_616 = tpu.vector_load %arg8[%get3A_613, %get3A_614, %get3A_615] {strides = array<i32>} : memref<2x1024x32xbf16, #tpu.memory_space<vmem>>, vector<32xbf16>,
        %mul3A_617 = arith.mulf %get3A_611, %get3A_616 : vector<32xbf16>
        %bitcast3A_618 = vector.bitcast %mul3A_617 : vector<32xbf16> to vector<16xi32>
        %shift_left3A_619 = arith.constant 16 : i32
        %shift_left3A_620 = vector.broadcast %shift_left3A_619 : i32 to vector<16xi32>
        %shift_left3A_621 = arith.shli %bitcast3A_618, %shift_left3A_620 : vector<16xi32>
        %bitcast3A_622 = vector.bitcast %shift_left3A_621 : vector<16xi32> to vector<16xf32>
        %bitcast3A_623 = vector.bitcast %bitcast3A_618 : vector<16xi32> to vector<16xf32>
        %add3A_624 = arith.addf %add3A_578, %bitcast3A_622 : vector<16xf32>
        %add3A_625 = arith.addf %add3A_579, %bitcast3A_623 : vector<16xf32>
        %mul3A_626 = arith.constant 32 : i32
        %mul3A_627 = arith.muli %scan3A_367, %mul3A_626 : i32
        %add3A_628 = arith.constant 11 : i32
        %add3A_629 = arith.addi %mul3A_627, %add3A_628 : i32
        %get3A_630 = arith.constant 1 : i32
        %get3A_631 = arith.index_cast %get3A_630 : i32 to index
        %get3A_632 = arith.index_cast %add3A_629 : i32 to index
        %get3A_633 = arith.constant 0 : index
        %get3A_634 = tpu.vector_load %arg7[%get3A_631, %get3A_632, %get3A_633] {strides = array<i32>} : memref<2x1024x32xbf16, #tpu.memory_space<vmem>>, vector<32xbf16>,
        %get3A_635 = arith.constant 1 : i32
        %get3A_636 = arith.index_cast %get3A_635 : i32 to index
        %get3A_637 = arith.index_cast %add3A_629 : i32 to index
        %get3A_638 = arith.constant 0 : index
        %get3A_639 = tpu.vector_load %arg8[%get3A_636, %get3A_637, %get3A_638] {strides = array<i32>} : memref<2x1024x32xbf16, #tpu.memory_space<vmem>>, vector<32xbf16>,
        %mul3A_640 = arith.mulf %get3A_634, %get3A_639 : vector<32xbf16>
        %bitcast3A_641 = vector.bitcast %mul3A_640 : vector<32xbf16> to vector<16xi32>
        %shift_left3A_642 = arith.constant 16 : i32
        %shift_left3A_643 = vector.broadcast %shift_left3A_642 : i32 to vector<16xi32>
        %shift_left3A_644 = arith.shli %bitcast3A_641, %shift_left3A_643 : vector<16xi32>
        %bitcast3A_645 = vector.bitcast %shift_left3A_644 : vector<16xi32> to vector<16xf32>
        %bitcast3A_646 = vector.bitcast %bitcast3A_641 : vector<16xi32> to vector<16xf32>
        %add3A_647 = arith.addf %add3A_601, %bitcast3A_645 : vector<16xf32>
        %add3A_648 = arith.addf %add3A_602, %bitcast3A_646 : vector<16xf32>
        %mul3A_649 = arith.constant 32 : i32
        %mul3A_650 = arith.muli %scan3A_367, %mul3A_649 : i32
        %add3A_651 = arith.constant 12 : i32
        %add3A_652 = arith.addi %mul3A_650, %add3A_651 : i32
        %get3A_653 = arith.constant 1 : i32
        %get3A_654 = arith.index_cast %get3A_653 : i32 to index
        %get3A_655 = arith.index_cast %add3A_652 : i32 to index
        %get3A_656 = arith.constant 0 : index
        %get3A_657 = tpu.vector_load %arg7[%get3A_654, %get3A_655, %get3A_656] {strides = array<i32>} : memref<2x1024x32xbf16, #tpu.memory_space<vmem>>, vector<32xbf16>,
        %get3A_658 = arith.constant 1 : i32
        %get3A_659 = arith.index_cast %get3A_658 : i32 to index
        %get3A_660 = arith.index_cast %add3A_652 : i32 to index
        %get3A_661 = arith.constant 0 : index
        %get3A_662 = tpu.vector_load %arg8[%get3A_659, %get3A_660, %get3A_661] {strides = array<i32>} : memref<2x1024x32xbf16, #tpu.memory_space<vmem>>, vector<32xbf16>,
        %mul3A_663 = arith.mulf %get3A_657, %get3A_662 : vector<32xbf16>
        %bitcast3A_664 = vector.bitcast %mul3A_663 : vector<32xbf16> to vector<16xi32>
        %shift_left3A_665 = arith.constant 16 : i32
        %shift_left3A_666 = vector.broadcast %shift_left3A_665 : i32 to vector<16xi32>
        %shift_left3A_667 = arith.shli %bitcast3A_664, %shift_left3A_666 : vector<16xi32>
        %bitcast3A_668 = vector.bitcast %shift_left3A_667 : vector<16xi32> to vector<16xf32>
        %bitcast3A_669 = vector.bitcast %bitcast3A_664 : vector<16xi32> to vector<16xf32>
        %add3A_670 = arith.addf %add3A_624, %bitcast3A_668 : vector<16xf32>
        %add3A_671 = arith.addf %add3A_625, %bitcast3A_669 : vector<16xf32>
        %mul3A_672 = arith.constant 32 : i32
        %mul3A_673 = arith.muli %scan3A_367, %mul3A_672 : i32
        %add3A_674 = arith.constant 13 : i32
        %add3A_675 = arith.addi %mul3A_673, %add3A_674 : i32
        %get3A_676 = arith.constant 1 : i32
        %get3A_677 = arith.index_cast %get3A_676 : i32 to index
        %get3A_678 = arith.index_cast %add3A_675 : i32 to index
        %get3A_679 = arith.constant 0 : index
        %get3A_680 = tpu.vector_load %arg7[%get3A_677, %get3A_678, %get3A_679] {strides = array<i32>} : memref<2x1024x32xbf16, #tpu.memory_space<vmem>>, vector<32xbf16>,
        %get3A_681 = arith.constant 1 : i32
        %get3A_682 = arith.index_cast %get3A_681 : i32 to index
        %get3A_683 = arith.index_cast %add3A_675 : i32 to index
        %get3A_684 = arith.constant 0 : index
        %get3A_685 = tpu.vector_load %arg8[%get3A_682, %get3A_683, %get3A_684] {strides = array<i32>} : memref<2x1024x32xbf16, #tpu.memory_space<vmem>>, vector<32xbf16>,
        %mul3A_686 = arith.mulf %get3A_680, %get3A_685 : vector<32xbf16>
        %bitcast3A_687 = vector.bitcast %mul3A_686 : vector<32xbf16> to vector<16xi32>
        %shift_left3A_688 = arith.constant 16 : i32
        %shift_left3A_689 = vector.broadcast %shift_left3A_688 : i32 to vector<16xi32>
        %shift_left3A_690 = arith.shli %bitcast3A_687, %shift_left3A_689 : vector<16xi32>
        %bitcast3A_691 = vector.bitcast %shift_left3A_690 : vector<16xi32> to vector<16xf32>
        %bitcast3A_692 = vector.bitcast %bitcast3A_687 : vector<16xi32> to vector<16xf32>
        %add3A_693 = arith.addf %add3A_647, %bitcast3A_691 : vector<16xf32>
        %add3A_694 = arith.addf %add3A_648, %bitcast3A_692 : vector<16xf32>
        %mul3A_695 = arith.constant 32 : i32
        %mul3A_696 = arith.muli %scan3A_367, %mul3A_695 : i32
        %add3A_697 = arith.constant 14 : i32
        %add3A_698 = arith.addi %mul3A_696, %add3A_697 : i32
        %get3A_699 = arith.constant 1 : i32
        %get3A_700 = arith.index_cast %get3A_699 : i32 to index
        %get3A_701 = arith.index_cast %add3A_698 : i32 to index
        %get3A_702 = arith.constant 0 : index
        %get3A_703 = tpu.vector_load %arg7[%get3A_700, %get3A_701, %get3A_702] {strides = array<i32>} : memref<2x1024x32xbf16, #tpu.memory_space<vmem>>, vector<32xbf16>,
        %get3A_704 = arith.constant 1 : i32
        %get3A_705 = arith.index_cast %get3A_704 : i32 to index
        %get3A_706 = arith.index_cast %add3A_698 : i32 to index
        %get3A_707 = arith.constant 0 : index
        %get3A_708 = tpu.vector_load %arg8[%get3A_705, %get3A_706, %get3A_707] {strides = array<i32>} : memref<2x1024x32xbf16, #tpu.memory_space<vmem>>, vector<32xbf16>,
        %mul3A_709 = arith.mulf %get3A_703, %get3A_708 : vector<32xbf16>
        %bitcast3A_710 = vector.bitcast %mul3A_709 : vector<32xbf16> to vector<16xi32>
        %shift_left3A_711 = arith.constant 16 : i32
        %shift_left3A_712 = vector.broadcast %shift_left3A_711 : i32 to vector<16xi32>
        %shift_left3A_713 = arith.shli %bitcast3A_710, %shift_left3A_712 : vector<16xi32>
        %bitcast3A_714 = vector.bitcast %shift_left3A_713 : vector<16xi32> to vector<16xf32>
        %bitcast3A_715 = vector.bitcast %bitcast3A_710 : vector<16xi32> to vector<16xf32>
        %add3A_716 = arith.addf %add3A_670, %bitcast3A_714 : vector<16xf32>
        %add3A_717 = arith.addf %add3A_671, %bitcast3A_715 : vector<16xf32>
        %mul3A_718 = arith.constant 32 : i32
        %mul3A_719 = arith.muli %scan3A_367, %mul3A_718 : i32
        %add3A_720 = arith.constant 15 : i32
        %add3A_721 = arith.addi %mul3A_719, %add3A_720 : i32
        %get3A_722 = arith.constant 1 : i32
        %get3A_723 = arith.index_cast %get3A_722 : i32 to index
        %get3A_724 = arith.index_cast %add3A_721 : i32 to index
        %get3A_725 = arith.constant 0 : index
        %get3A_726 = tpu.vector_load %arg7[%get3A_723, %get3A_724, %get3A_725] {strides = array<i32>} : memref<2x1024x32xbf16, #tpu.memory_space<vmem>>, vector<32xbf16>,
        %get3A_727 = arith.constant 1 : i32
        %get3A_728 = arith.index_cast %get3A_727 : i32 to index
        %get3A_729 = arith.index_cast %add3A_721 : i32 to index
        %get3A_730 = arith.constant 0 : index
        %get3A_731 = tpu.vector_load %arg8[%get3A_728, %get3A_729, %get3A_730] {strides = array<i32>} : memref<2x1024x32xbf16, #tpu.memory_space<vmem>>, vector<32xbf16>,
        %mul3A_732 = arith.mulf %get3A_726, %get3A_731 : vector<32xbf16>
        %bitcast3A_733 = vector.bitcast %mul3A_732 : vector<32xbf16> to vector<16xi32>
        %shift_left3A_734 = arith.constant 16 : i32
        %shift_left3A_735 = vector.broadcast %shift_left3A_734 : i32 to vector<16xi32>
        %shift_left3A_736 = arith.shli %bitcast3A_733, %shift_left3A_735 : vector<16xi32>
        %bitcast3A_737 = vector.bitcast %shift_left3A_736 : vector<16xi32> to vector<16xf32>
        %bitcast3A_738 = vector.bitcast %bitcast3A_733 : vector<16xi32> to vector<16xf32>
        %add3A_739 = arith.addf %add3A_693, %bitcast3A_737 : vector<16xf32>
        %add3A_740 = arith.addf %add3A_694, %bitcast3A_738 : vector<16xf32>
        %mul3A_741 = arith.constant 32 : i32
        %mul3A_742 = arith.muli %scan3A_367, %mul3A_741 : i32
        %add3A_743 = arith.constant 16 : i32
        %add3A_744 = arith.addi %mul3A_742, %add3A_743 : i32
        %get3A_745 = arith.constant 1 : i32
        %get3A_746 = arith.index_cast %get3A_745 : i32 to index
        %get3A_747 = arith.index_cast %add3A_744 : i32 to index
        %get3A_748 = arith.constant 0 : index
        %get3A_749 = tpu.vector_load %arg7[%get3A_746, %get3A_747, %get3A_748] {strides = array<i32>} : memref<2x1024x32xbf16, #tpu.memory_space<vmem>>, vector<32xbf16>,
        %get3A_750 = arith.constant 1 : i32
        %get3A_751 = arith.index_cast %get3A_750 : i32 to index
        %get3A_752 = arith.index_cast %add3A_744 : i32 to index
        %get3A_753 = arith.constant 0 : index
        %get3A_754 = tpu.vector_load %arg8[%get3A_751, %get3A_752, %get3A_753] {strides = array<i32>} : memref<2x1024x32xbf16, #tpu.memory_space<vmem>>, vector<32xbf16>,
        %mul3A_755 = arith.mulf %get3A_749, %get3A_754 : vector<32xbf16>
        %bitcast3A_756 = vector.bitcast %mul3A_755 : vector<32xbf16> to vector<16xi32>
        %shift_left3A_757 = arith.constant 16 : i32
        %shift_left3A_758 = vector.broadcast %shift_left3A_757 : i32 to vector<16xi32>
        %shift_left3A_759 = arith.shli %bitcast3A_756, %shift_left3A_758 : vector<16xi32>
        %bitcast3A_760 = vector.bitcast %shift_left3A_759 : vector<16xi32> to vector<16xf32>
        %bitcast3A_761 = vector.bitcast %bitcast3A_756 : vector<16xi32> to vector<16xf32>
        %add3A_762 = arith.addf %add3A_716, %bitcast3A_760 : vector<16xf32>
        %add3A_763 = arith.addf %add3A_717, %bitcast3A_761 : vector<16xf32>
        %mul3A_764 = arith.constant 32 : i32
        %mul3A_765 = arith.muli %scan3A_367, %mul3A_764 : i32
        %add3A_766 = arith.constant 17 : i32
        %add3A_767 = arith.addi %mul3A_765, %add3A_766 : i32
        %get3A_768 = arith.constant 1 : i32
        %get3A_769 = arith.index_cast %get3A_768 : i32 to index
        %get3A_770 = arith.index_cast %add3A_767 : i32 to index
        %get3A_771 = arith.constant 0 : index
        %get3A_772 = tpu.vector_load %arg7[%get3A_769, %get3A_770, %get3A_771] {strides = array<i32>} : memref<2x1024x32xbf16, #tpu.memory_space<vmem>>, vector<32xbf16>,
        %get3A_773 = arith.constant 1 : i32
        %get3A_774 = arith.index_cast %get3A_773 : i32 to index
        %get3A_775 = arith.index_cast %add3A_767 : i32 to index
        %get3A_776 = arith.constant 0 : index
        %get3A_777 = tpu.vector_load %arg8[%get3A_774, %get3A_775, %get3A_776] {strides = array<i32>} : memref<2x1024x32xbf16, #tpu.memory_space<vmem>>, vector<32xbf16>,
        %mul3A_778 = arith.mulf %get3A_772, %get3A_777 : vector<32xbf16>
        %bitcast3A_779 = vector.bitcast %mul3A_778 : vector<32xbf16> to vector<16xi32>
        %shift_left3A_780 = arith.constant 16 : i32
        %shift_left3A_781 = vector.broadcast %shift_left3A_780 : i32 to vector<16xi32>
        %shift_left3A_782 = arith.shli %bitcast3A_779, %shift_left3A_781 : vector<16xi32>
        %bitcast3A_783 = vector.bitcast %shift_left3A_782 : vector<16xi32> to vector<16xf32>
        %bitcast3A_784 = vector.bitcast %bitcast3A_779 : vector<16xi32> to vector<16xf32>
        %add3A_785 = arith.addf %add3A_739, %bitcast3A_783 : vector<16xf32>
        %add3A_786 = arith.addf %add3A_740, %bitcast3A_784 : vector<16xf32>
        %mul3A_787 = arith.constant 32 : i32
        %mul3A_788 = arith.muli %scan3A_367, %mul3A_787 : i32
        %add3A_789 = arith.constant 18 : i32
        %add3A_790 = arith.addi %mul3A_788, %add3A_789 : i32
        %get3A_791 = arith.constant 1 : i32
        %get3A_792 = arith.index_cast %get3A_791 : i32 to index
        %get3A_793 = arith.index_cast %add3A_790 : i32 to index
        %get3A_794 = arith.constant 0 : index
        %get3A_795 = tpu.vector_load %arg7[%get3A_792, %get3A_793, %get3A_794] {strides = array<i32>} : memref<2x1024x32xbf16, #tpu.memory_space<vmem>>, vector<32xbf16>,
        %get3A_796 = arith.constant 1 : i32
        %get3A_797 = arith.index_cast %get3A_796 : i32 to index
        %get3A_798 = arith.index_cast %add3A_790 : i32 to index
        %get3A_799 = arith.constant 0 : index
        %get3A_800 = tpu.vector_load %arg8[%get3A_797, %get3A_798, %get3A_799] {strides = array<i32>} : memref<2x1024x32xbf16, #tpu.memory_space<vmem>>, vector<32xbf16>,
        %mul3A_801 = arith.mulf %get3A_795, %get3A_800 : vector<32xbf16>
        %bitcast3A_802 = vector.bitcast %mul3A_801 : vector<32xbf16> to vector<16xi32>
        %shift_left3A_803 = arith.constant 16 : i32
        %shift_left3A_804 = vector.broadcast %shift_left3A_803 : i32 to vector<16xi32>
        %shift_left3A_805 = arith.shli %bitcast3A_802, %shift_left3A_804 : vector<16xi32>
        %bitcast3A_806 = vector.bitcast %shift_left3A_805 : vector<16xi32> to vector<16xf32>
        %bitcast3A_807 = vector.bitcast %bitcast3A_802 : vector<16xi32> to vector<16xf32>
        %add3A_808 = arith.addf %add3A_762, %bitcast3A_806 : vector<16xf32>
        %add3A_809 = arith.addf %add3A_763, %bitcast3A_807 : vector<16xf32>
        %mul3A_810 = arith.constant 32 : i32
        %mul3A_811 = arith.muli %scan3A_367, %mul3A_810 : i32
        %add3A_812 = arith.constant 19 : i32
        %add3A_813 = arith.addi %mul3A_811, %add3A_812 : i32
        %get3A_814 = arith.constant 1 : i32
        %get3A_815 = arith.index_cast %get3A_814 : i32 to index
        %get3A_816 = arith.index_cast %add3A_813 : i32 to index
        %get3A_817 = arith.constant 0 : index
        %get3A_818 = tpu.vector_load %arg7[%get3A_815, %get3A_816, %get3A_817] {strides = array<i32>} : memref<2x1024x32xbf16, #tpu.memory_space<vmem>>, vector<32xbf16>,
        %get3A_819 = arith.constant 1 : i32
        %get3A_820 = arith.index_cast %get3A_819 : i32 to index
        %get3A_821 = arith.index_cast %add3A_813 : i32 to index
        %get3A_822 = arith.constant 0 : index
        %get3A_823 = tpu.vector_load %arg8[%get3A_820, %get3A_821, %get3A_822] {strides = array<i32>} : memref<2x1024x32xbf16, #tpu.memory_space<vmem>>, vector<32xbf16>,
        %mul3A_824 = arith.mulf %get3A_818, %get3A_823 : vector<32xbf16>
        %bitcast3A_825 = vector.bitcast %mul3A_824 : vector<32xbf16> to vector<16xi32>
        %shift_left3A_826 = arith.constant 16 : i32
        %shift_left3A_827 = vector.broadcast %shift_left3A_826 : i32 to vector<16xi32>
        %shift_left3A_828 = arith.shli %bitcast3A_825, %shift_left3A_827 : vector<16xi32>
        %bitcast3A_829 = vector.bitcast %shift_left3A_828 : vector<16xi32> to vector<16xf32>
        %bitcast3A_830 = vector.bitcast %bitcast3A_825 : vector<16xi32> to vector<16xf32>
        %add3A_831 = arith.addf %add3A_785, %bitcast3A_829 : vector<16xf32>
        %add3A_832 = arith.addf %add3A_786, %bitcast3A_830 : vector<16xf32>
        %mul3A_833 = arith.constant 32 : i32
        %mul3A_834 = arith.muli %scan3A_367, %mul3A_833 : i32
        %add3A_835 = arith.constant 20 : i32
        %add3A_836 = arith.addi %mul3A_834, %add3A_835 : i32
        %get3A_837 = arith.constant 1 : i32
        %get3A_838 = arith.index_cast %get3A_837 : i32 to index
        %get3A_839 = arith.index_cast %add3A_836 : i32 to index
        %get3A_840 = arith.constant 0 : index
        %get3A_841 = tpu.vector_load %arg7[%get3A_838, %get3A_839, %get3A_840] {strides = array<i32>} : memref<2x1024x32xbf16, #tpu.memory_space<vmem>>, vector<32xbf16>,
        %get3A_842 = arith.constant 1 : i32
        %get3A_843 = arith.index_cast %get3A_842 : i32 to index
        %get3A_844 = arith.index_cast %add3A_836 : i32 to index
        %get3A_845 = arith.constant 0 : index
        %get3A_846 = tpu.vector_load %arg8[%get3A_843, %get3A_844, %get3A_845] {strides = array<i32>} : memref<2x1024x32xbf16, #tpu.memory_space<vmem>>, vector<32xbf16>,
        %mul3A_847 = arith.mulf %get3A_841, %get3A_846 : vector<32xbf16>
        %bitcast3A_848 = vector.bitcast %mul3A_847 : vector<32xbf16> to vector<16xi32>
        %shift_left3A_849 = arith.constant 16 : i32
        %shift_left3A_850 = vector.broadcast %shift_left3A_849 : i32 to vector<16xi32>
        %shift_left3A_851 = arith.shli %bitcast3A_848, %shift_left3A_850 : vector<16xi32>
        %bitcast3A_852 = vector.bitcast %shift_left3A_851 : vector<16xi32> to vector<16xf32>
        %bitcast3A_853 = vector.bitcast %bitcast3A_848 : vector<16xi32> to vector<16xf32>
        %add3A_854 = arith.addf %add3A_808, %bitcast3A_852 : vector<16xf32>
        %add3A_855 = arith.addf %add3A_809, %bitcast3A_853 : vector<16xf32>
        %mul3A_856 = arith.constant 32 : i32
        %mul3A_857 = arith.muli %scan3A_367, %mul3A_856 : i32
        %add3A_858 = arith.constant 21 : i32
        %add3A_859 = arith.addi %mul3A_857, %add3A_858 : i32
        %get3A_860 = arith.constant 1 : i32
        %get3A_861 = arith.index_cast %get3A_860 : i32 to index
        %get3A_862 = arith.index_cast %add3A_859 : i32 to index
        %get3A_863 = arith.constant 0 : index
        %get3A_864 = tpu.vector_load %arg7[%get3A_861, %get3A_862, %get3A_863] {strides = array<i32>} : memref<2x1024x32xbf16, #tpu.memory_space<vmem>>, vector<32xbf16>,
        %get3A_865 = arith.constant 1 : i32
        %get3A_866 = arith.index_cast %get3A_865 : i32 to index
        %get3A_867 = arith.index_cast %add3A_859 : i32 to index
        %get3A_868 = arith.constant 0 : index
        %get3A_869 = tpu.vector_load %arg8[%get3A_866, %get3A_867, %get3A_868] {strides = array<i32>} : memref<2x1024x32xbf16, #tpu.memory_space<vmem>>, vector<32xbf16>,
        %mul3A_870 = arith.mulf %get3A_864, %get3A_869 : vector<32xbf16>
        %bitcast3A_871 = vector.bitcast %mul3A_870 : vector<32xbf16> to vector<16xi32>
        %shift_left3A_872 = arith.constant 16 : i32
        %shift_left3A_873 = vector.broadcast %shift_left3A_872 : i32 to vector<16xi32>
        %shift_left3A_874 = arith.shli %bitcast3A_871, %shift_left3A_873 : vector<16xi32>
        %bitcast3A_875 = vector.bitcast %shift_left3A_874 : vector<16xi32> to vector<16xf32>
        %bitcast3A_876 = vector.bitcast %bitcast3A_871 : vector<16xi32> to vector<16xf32>
        %add3A_877 = arith.addf %add3A_831, %bitcast3A_875 : vector<16xf32>
        %add3A_878 = arith.addf %add3A_832, %bitcast3A_876 : vector<16xf32>
        %mul3A_879 = arith.constant 32 : i32
        %mul3A_880 = arith.muli %scan3A_367, %mul3A_879 : i32
        %add3A_881 = arith.constant 22 : i32
        %add3A_882 = arith.addi %mul3A_880, %add3A_881 : i32
        %get3A_883 = arith.constant 1 : i32
        %get3A_884 = arith.index_cast %get3A_883 : i32 to index
        %get3A_885 = arith.index_cast %add3A_882 : i32 to index
        %get3A_886 = arith.constant 0 : index
        %get3A_887 = tpu.vector_load %arg7[%get3A_884, %get3A_885, %get3A_886] {strides = array<i32>} : memref<2x1024x32xbf16, #tpu.memory_space<vmem>>, vector<32xbf16>,
        %get3A_888 = arith.constant 1 : i32
        %get3A_889 = arith.index_cast %get3A_888 : i32 to index
        %get3A_890 = arith.index_cast %add3A_882 : i32 to index
        %get3A_891 = arith.constant 0 : index
        %get3A_892 = tpu.vector_load %arg8[%get3A_889, %get3A_890, %get3A_891] {strides = array<i32>} : memref<2x1024x32xbf16, #tpu.memory_space<vmem>>, vector<32xbf16>,
        %mul3A_893 = arith.mulf %get3A_887, %get3A_892 : vector<32xbf16>
        %bitcast3A_894 = vector.bitcast %mul3A_893 : vector<32xbf16> to vector<16xi32>
        %shift_left3A_895 = arith.constant 16 : i32
        %shift_left3A_896 = vector.broadcast %shift_left3A_895 : i32 to vector<16xi32>
        %shift_left3A_897 = arith.shli %bitcast3A_894, %shift_left3A_896 : vector<16xi32>
        %bitcast3A_898 = vector.bitcast %shift_left3A_897 : vector<16xi32> to vector<16xf32>
        %bitcast3A_899 = vector.bitcast %bitcast3A_894 : vector<16xi32> to vector<16xf32>
        %add3A_900 = arith.addf %add3A_854, %bitcast3A_898 : vector<16xf32>
        %add3A_901 = arith.addf %add3A_855, %bitcast3A_899 : vector<16xf32>
        %mul3A_902 = arith.constant 32 : i32
        %mul3A_903 = arith.muli %scan3A_367, %mul3A_902 : i32
        %add3A_904 = arith.constant 23 : i32
        %add3A_905 = arith.addi %mul3A_903, %add3A_904 : i32
        %get3A_906 = arith.constant 1 : i32
        %get3A_907 = arith.index_cast %get3A_906 : i32 to index
        %get3A_908 = arith.index_cast %add3A_905 : i32 to index
        %get3A_909 = arith.constant 0 : index
        %get3A_910 = tpu.vector_load %arg7[%get3A_907, %get3A_908, %get3A_909] {strides = array<i32>} : memref<2x1024x32xbf16, #tpu.memory_space<vmem>>, vector<32xbf16>,
        %get3A_911 = arith.constant 1 : i32
        %get3A_912 = arith.index_cast %get3A_911 : i32 to index
        %get3A_913 = arith.index_cast %add3A_905 : i32 to index
        %get3A_914 = arith.constant 0 : index
        %get3A_915 = tpu.vector_load %arg8[%get3A_912, %get3A_913, %get3A_914] {strides = array<i32>} : memref<2x1024x32xbf16, #tpu.memory_space<vmem>>, vector<32xbf16>,
        %mul3A_916 = arith.mulf %get3A_910, %get3A_915 : vector<32xbf16>
        %bitcast3A_917 = vector.bitcast %mul3A_916 : vector<32xbf16> to vector<16xi32>
        %shift_left3A_918 = arith.constant 16 : i32
        %shift_left3A_919 = vector.broadcast %shift_left3A_918 : i32 to vector<16xi32>
        %shift_left3A_920 = arith.shli %bitcast3A_917, %shift_left3A_919 : vector<16xi32>
        %bitcast3A_921 = vector.bitcast %shift_left3A_920 : vector<16xi32> to vector<16xf32>
        %bitcast3A_922 = vector.bitcast %bitcast3A_917 : vector<16xi32> to vector<16xf32>
        %add3A_923 = arith.addf %add3A_877, %bitcast3A_921 : vector<16xf32>
        %add3A_924 = arith.addf %add3A_878, %bitcast3A_922 : vector<16xf32>
        %mul3A_925 = arith.constant 32 : i32
        %mul3A_926 = arith.muli %scan3A_367, %mul3A_925 : i32
        %add3A_927 = arith.constant 24 : i32
        %add3A_928 = arith.addi %mul3A_926, %add3A_927 : i32
        %get3A_929 = arith.constant 1 : i32
        %get3A_930 = arith.index_cast %get3A_929 : i32 to index
        %get3A_931 = arith.index_cast %add3A_928 : i32 to index
        %get3A_932 = arith.constant 0 : index
        %get3A_933 = tpu.vector_load %arg7[%get3A_930, %get3A_931, %get3A_932] {strides = array<i32>} : memref<2x1024x32xbf16, #tpu.memory_space<vmem>>, vector<32xbf16>,
        %get3A_934 = arith.constant 1 : i32
        %get3A_935 = arith.index_cast %get3A_934 : i32 to index
        %get3A_936 = arith.index_cast %add3A_928 : i32 to index
        %get3A_937 = arith.constant 0 : index
        %get3A_938 = tpu.vector_load %arg8[%get3A_935, %get3A_936, %get3A_937] {strides = array<i32>} : memref<2x1024x32xbf16, #tpu.memory_space<vmem>>, vector<32xbf16>,
        %mul3A_939 = arith.mulf %get3A_933, %get3A_938 : vector<32xbf16>
        %bitcast3A_940 = vector.bitcast %mul3A_939 : vector<32xbf16> to vector<16xi32>
        %shift_left3A_941 = arith.constant 16 : i32
        %shift_left3A_942 = vector.broadcast %shift_left3A_941 : i32 to vector<16xi32>
        %shift_left3A_943 = arith.shli %bitcast3A_940, %shift_left3A_942 : vector<16xi32>
        %bitcast3A_944 = vector.bitcast %shift_left3A_943 : vector<16xi32> to vector<16xf32>
        %bitcast3A_945 = vector.bitcast %bitcast3A_940 : vector<16xi32> to vector<16xf32>
        %add3A_946 = arith.addf %add3A_900, %bitcast3A_944 : vector<16xf32>
        %add3A_947 = arith.addf %add3A_901, %bitcast3A_945 : vector<16xf32>
        %mul3A_948 = arith.constant 32 : i32
        %mul3A_949 = arith.muli %scan3A_367, %mul3A_948 : i32
        %add3A_950 = arith.constant 25 : i32
        %add3A_951 = arith.addi %mul3A_949, %add3A_950 : i32
        %get3A_952 = arith.constant 1 : i32
        %get3A_953 = arith.index_cast %get3A_952 : i32 to index
        %get3A_954 = arith.index_cast %add3A_951 : i32 to index
        %get3A_955 = arith.constant 0 : index
        %get3A_956 = tpu.vector_load %arg7[%get3A_953, %get3A_954, %get3A_955] {strides = array<i32>} : memref<2x1024x32xbf16, #tpu.memory_space<vmem>>, vector<32xbf16>,
        %get3A_957 = arith.constant 1 : i32
        %get3A_958 = arith.index_cast %get3A_957 : i32 to index
        %get3A_959 = arith.index_cast %add3A_951 : i32 to index
        %get3A_960 = arith.constant 0 : index
        %get3A_961 = tpu.vector_load %arg8[%get3A_958, %get3A_959, %get3A_960] {strides = array<i32>} : memref<2x1024x32xbf16, #tpu.memory_space<vmem>>, vector<32xbf16>,
        %mul3A_962 = arith.mulf %get3A_956, %get3A_961 : vector<32xbf16>
        %bitcast3A_963 = vector.bitcast %mul3A_962 : vector<32xbf16> to vector<16xi32>
        %shift_left3A_964 = arith.constant 16 : i32
        %shift_left3A_965 = vector.broadcast %shift_left3A_964 : i32 to vector<16xi32>
        %shift_left3A_966 = arith.shli %bitcast3A_963, %shift_left3A_965 : vector<16xi32>
        %bitcast3A_967 = vector.bitcast %shift_left3A_966 : vector<16xi32> to vector<16xf32>
        %bitcast3A_968 = vector.bitcast %bitcast3A_963 : vector<16xi32> to vector<16xf32>
        %add3A_969 = arith.addf %add3A_923, %bitcast3A_967 : vector<16xf32>
        %add3A_970 = arith.addf %add3A_924, %bitcast3A_968 : vector<16xf32>
        %mul3A_971 = arith.constant 32 : i32
        %mul3A_972 = arith.muli %scan3A_367, %mul3A_971 : i32
        %add3A_973 = arith.constant 26 : i32
        %add3A_974 = arith.addi %mul3A_972, %add3A_973 : i32
        %get3A_975 = arith.constant 1 : i32
        %get3A_976 = arith.index_cast %get3A_975 : i32 to index
        %get3A_977 = arith.index_cast %add3A_974 : i32 to index
        %get3A_978 = arith.constant 0 : index
        %get3A_979 = tpu.vector_load %arg7[%get3A_976, %get3A_977, %get3A_978] {strides = array<i32>} : memref<2x1024x32xbf16, #tpu.memory_space<vmem>>, vector<32xbf16>,
        %get3A_980 = arith.constant 1 : i32
        %get3A_981 = arith.index_cast %get3A_980 : i32 to index
        %get3A_982 = arith.index_cast %add3A_974 : i32 to index
        %get3A_983 = arith.constant 0 : index
        %get3A_984 = tpu.vector_load %arg8[%get3A_981, %get3A_982, %get3A_983] {strides = array<i32>} : memref<2x1024x32xbf16, #tpu.memory_space<vmem>>, vector<32xbf16>,
        %mul3A_985 = arith.mulf %get3A_979, %get3A_984 : vector<32xbf16>
        %bitcast3A_986 = vector.bitcast %mul3A_985 : vector<32xbf16> to vector<16xi32>
        %shift_left3A_987 = arith.constant 16 : i32
        %shift_left3A_988 = vector.broadcast %shift_left3A_987 : i32 to vector<16xi32>
        %shift_left3A_989 = arith.shli %bitcast3A_986, %shift_left3A_988 : vector<16xi32>
        %bitcast3A_990 = vector.bitcast %shift_left3A_989 : vector<16xi32> to vector<16xf32>
        %bitcast3A_991 = vector.bitcast %bitcast3A_986 : vector<16xi32> to vector<16xf32>
        %add3A_992 = arith.addf %add3A_946, %bitcast3A_990 : vector<16xf32>
        %add3A_993 = arith.addf %add3A_947, %bitcast3A_991 : vector<16xf32>
        %mul3A_994 = arith.constant 32 : i32
        %mul3A_995 = arith.muli %scan3A_367, %mul3A_994 : i32
        %add3A_996 = arith.constant 27 : i32
        %add3A_997 = arith.addi %mul3A_995, %add3A_996 : i32
        %get3A_998 = arith.constant 1 : i32
        %get3A_999 = arith.index_cast %get3A_998 : i32 to index
        %get3A_1000 = arith.index_cast %add3A_997 : i32 to index
        %get3A_1001 = arith.constant 0 : index
        %get3A_1002 = tpu.vector_load %arg7[%get3A_999, %get3A_1000, %get3A_1001] {strides = array<i32>} : memref<2x1024x32xbf16, #tpu.memory_space<vmem>>, vector<32xbf16>,
        %get3A_1003 = arith.constant 1 : i32
        %get3A_1004 = arith.index_cast %get3A_1003 : i32 to index
        %get3A_1005 = arith.index_cast %add3A_997 : i32 to index
        %get3A_1006 = arith.constant 0 : index
        %get3A_1007 = tpu.vector_load %arg8[%get3A_1004, %get3A_1005, %get3A_1006] {strides = array<i32>} : memref<2x1024x32xbf16, #tpu.memory_space<vmem>>, vector<32xbf16>,
        %mul3A_1008 = arith.mulf %get3A_1002, %get3A_1007 : vector<32xbf16>
        %bitcast3A_1009 = vector.bitcast %mul3A_1008 : vector<32xbf16> to vector<16xi32>
        %shift_left3A_1010 = arith.constant 16 : i32
        %shift_left3A_1011 = vector.broadcast %shift_left3A_1010 : i32 to vector<16xi32>
        %shift_left3A_1012 = arith.shli %bitcast3A_1009, %shift_left3A_1011 : vector<16xi32>
        %bitcast3A_1013 = vector.bitcast %shift_left3A_1012 : vector<16xi32> to vector<16xf32>
        %bitcast3A_1014 = vector.bitcast %bitcast3A_1009 : vector<16xi32> to vector<16xf32>
        %add3A_1015 = arith.addf %add3A_969, %bitcast3A_1013 : vector<16xf32>
        %add3A_1016 = arith.addf %add3A_970, %bitcast3A_1014 : vector<16xf32>
        %mul3A_1017 = arith.constant 32 : i32
        %mul3A_1018 = arith.muli %scan3A_367, %mul3A_1017 : i32
        %add3A_1019 = arith.constant 28 : i32
        %add3A_1020 = arith.addi %mul3A_1018, %add3A_1019 : i32
        %get3A_1021 = arith.constant 1 : i32
        %get3A_1022 = arith.index_cast %get3A_1021 : i32 to index
        %get3A_1023 = arith.index_cast %add3A_1020 : i32 to index
        %get3A_1024 = arith.constant 0 : index
        %get3A_1025 = tpu.vector_load %arg7[%get3A_1022, %get3A_1023, %get3A_1024] {strides = array<i32>} : memref<2x1024x32xbf16, #tpu.memory_space<vmem>>, vector<32xbf16>,
        %get3A_1026 = arith.constant 1 : i32
        %get3A_1027 = arith.index_cast %get3A_1026 : i32 to index
        %get3A_1028 = arith.index_cast %add3A_1020 : i32 to index
        %get3A_1029 = arith.constant 0 : index
        %get3A_1030 = tpu.vector_load %arg8[%get3A_1027, %get3A_1028, %get3A_1029] {strides = array<i32>} : memref<2x1024x32xbf16, #tpu.memory_space<vmem>>, vector<32xbf16>,
        %mul3A_1031 = arith.mulf %get3A_1025, %get3A_1030 : vector<32xbf16>
        %bitcast3A_1032 = vector.bitcast %mul3A_1031 : vector<32xbf16> to vector<16xi32>
        %shift_left3A_1033 = arith.constant 16 : i32
        %shift_left3A_1034 = vector.broadcast %shift_left3A_1033 : i32 to vector<16xi32>
        %shift_left3A_1035 = arith.shli %bitcast3A_1032, %shift_left3A_1034 : vector<16xi32>
        %bitcast3A_1036 = vector.bitcast %shift_left3A_1035 : vector<16xi32> to vector<16xf32>
        %bitcast3A_1037 = vector.bitcast %bitcast3A_1032 : vector<16xi32> to vector<16xf32>
        %add3A_1038 = arith.addf %add3A_992, %bitcast3A_1036 : vector<16xf32>
        %add3A_1039 = arith.addf %add3A_993, %bitcast3A_1037 : vector<16xf32>
        %mul3A_1040 = arith.constant 32 : i32
        %mul3A_1041 = arith.muli %scan3A_367, %mul3A_1040 : i32
        %add3A_1042 = arith.constant 29 : i32
        %add3A_1043 = arith.addi %mul3A_1041, %add3A_1042 : i32
        %get3A_1044 = arith.constant 1 : i32
        %get3A_1045 = arith.index_cast %get3A_1044 : i32 to index
        %get3A_1046 = arith.index_cast %add3A_1043 : i32 to index
        %get3A_1047 = arith.constant 0 : index
        %get3A_1048 = tpu.vector_load %arg7[%get3A_1045, %get3A_1046, %get3A_1047] {strides = array<i32>} : memref<2x1024x32xbf16, #tpu.memory_space<vmem>>, vector<32xbf16>,
        %get3A_1049 = arith.constant 1 : i32
        %get3A_1050 = arith.index_cast %get3A_1049 : i32 to index
        %get3A_1051 = arith.index_cast %add3A_1043 : i32 to index
        %get3A_1052 = arith.constant 0 : index
        %get3A_1053 = tpu.vector_load %arg8[%get3A_1050, %get3A_1051, %get3A_1052] {strides = array<i32>} : memref<2x1024x32xbf16, #tpu.memory_space<vmem>>, vector<32xbf16>,
        %mul3A_1054 = arith.mulf %get3A_1048, %get3A_1053 : vector<32xbf16>
        %bitcast3A_1055 = vector.bitcast %mul3A_1054 : vector<32xbf16> to vector<16xi32>
        %shift_left3A_1056 = arith.constant 16 : i32
        %shift_left3A_1057 = vector.broadcast %shift_left3A_1056 : i32 to vector<16xi32>
        %shift_left3A_1058 = arith.shli %bitcast3A_1055, %shift_left3A_1057 : vector<16xi32>
        %bitcast3A_1059 = vector.bitcast %shift_left3A_1058 : vector<16xi32> to vector<16xf32>
        %bitcast3A_1060 = vector.bitcast %bitcast3A_1055 : vector<16xi32> to vector<16xf32>
        %add3A_1061 = arith.addf %add3A_1015, %bitcast3A_1059 : vector<16xf32>
        %add3A_1062 = arith.addf %add3A_1016, %bitcast3A_1060 : vector<16xf32>
        %mul3A_1063 = arith.constant 32 : i32
        %mul3A_1064 = arith.muli %scan3A_367, %mul3A_1063 : i32
        %add3A_1065 = arith.constant 30 : i32
        %add3A_1066 = arith.addi %mul3A_1064, %add3A_1065 : i32
        %get3A_1067 = arith.constant 1 : i32
        %get3A_1068 = arith.index_cast %get3A_1067 : i32 to index
        %get3A_1069 = arith.index_cast %add3A_1066 : i32 to index
        %get3A_1070 = arith.constant 0 : index
        %get3A_1071 = tpu.vector_load %arg7[%get3A_1068, %get3A_1069, %get3A_1070] {strides = array<i32>} : memref<2x1024x32xbf16, #tpu.memory_space<vmem>>, vector<32xbf16>,
        %get3A_1072 = arith.constant 1 : i32
        %get3A_1073 = arith.index_cast %get3A_1072 : i32 to index
        %get3A_1074 = arith.index_cast %add3A_1066 : i32 to index
        %get3A_1075 = arith.constant 0 : index
        %get3A_1076 = tpu.vector_load %arg8[%get3A_1073, %get3A_1074, %get3A_1075] {strides = array<i32>} : memref<2x1024x32xbf16, #tpu.memory_space<vmem>>, vector<32xbf16>,
        %mul3A_1077 = arith.mulf %get3A_1071, %get3A_1076 : vector<32xbf16>
        %bitcast3A_1078 = vector.bitcast %mul3A_1077 : vector<32xbf16> to vector<16xi32>
        %shift_left3A_1079 = arith.constant 16 : i32
        %shift_left3A_1080 = vector.broadcast %shift_left3A_1079 : i32 to vector<16xi32>
        %shift_left3A_1081 = arith.shli %bitcast3A_1078, %shift_left3A_1080 : vector<16xi32>
        %bitcast3A_1082 = vector.bitcast %shift_left3A_1081 : vector<16xi32> to vector<16xf32>
        %bitcast3A_1083 = vector.bitcast %bitcast3A_1078 : vector<16xi32> to vector<16xf32>
        %add3A_1084 = arith.addf %add3A_1038, %bitcast3A_1082 : vector<16xf32>
        %add3A_1085 = arith.addf %add3A_1039, %bitcast3A_1083 : vector<16xf32>
        %mul3A_1086 = arith.constant 32 : i32
        %mul3A_1087 = arith.muli %scan3A_367, %mul3A_1086 : i32
        %add3A_1088 = arith.constant 31 : i32
        %add3A_1089 = arith.addi %mul3A_1087, %add3A_1088 : i32
        %get3A_1090 = arith.constant 1 : i32
        %get3A_1091 = arith.index_cast %get3A_1090 : i32 to index
        %get3A_1092 = arith.index_cast %add3A_1089 : i32 to index
        %get3A_1093 = arith.constant 0 : index
        %get3A_1094 = tpu.vector_load %arg7[%get3A_1091, %get3A_1092, %get3A_1093] {strides = array<i32>} : memref<2x1024x32xbf16, #tpu.memory_space<vmem>>, vector<32xbf16>,
        %get3A_1095 = arith.constant 1 : i32
        %get3A_1096 = arith.index_cast %get3A_1095 : i32 to index
        %get3A_1097 = arith.index_cast %add3A_1089 : i32 to index
        %get3A_1098 = arith.constant 0 : index
        %get3A_1099 = tpu.vector_load %arg8[%get3A_1096, %get3A_1097, %get3A_1098] {strides = array<i32>} : memref<2x1024x32xbf16, #tpu.memory_space<vmem>>, vector<32xbf16>,
        %mul3A_1100 = arith.mulf %get3A_1094, %get3A_1099 : vector<32xbf16>
        %bitcast3A_1101 = vector.bitcast %mul3A_1100 : vector<32xbf16> to vector<16xi32>
        %shift_left3A_1102 = arith.constant 16 : i32
        %shift_left3A_1103 = vector.broadcast %shift_left3A_1102 : i32 to vector<16xi32>
        %shift_left3A_1104 = arith.shli %bitcast3A_1101, %shift_left3A_1103 : vector<16xi32>
        %bitcast3A_1105 = vector.bitcast %shift_left3A_1104 : vector<16xi32> to vector<16xf32>
        %bitcast3A_1106 = vector.bitcast %bitcast3A_1101 : vector<16xi32> to vector<16xf32>
        %add3A_1107 = arith.addf %add3A_1061, %bitcast3A_1105 : vector<16xf32>
        %add3A_1108 = arith.addf %add3A_1062, %bitcast3A_1106 : vector<16xf32>
        %add3A_1109 = arith.addf %add3A_1084, %add3A_1107 : vector<16xf32>
        %swap3A = arith.constant 1 : i32
        %swap3A_1110 = arith.index_cast %swap3A : i32 to index
        %swap3A_1111 = arith.index_cast %scan3A_367 : i32 to index
        %swap3A_1112 = arith.constant 0 : index
        %swap3A_1113 = tpu.vector_load %arg9[%swap3A_1110, %swap3A_1111, %swap3A_1112] {strides = array<i32>} : memref<2x32x32xf32, #tpu.memory_space<vmem>>, vector<16xf32>,
        tpu.vector_store %arg9[%swap3A_1110, %swap3A_1111, %swap3A_1112], %add3A_1109 {strides = array<i32>} : memref<2x32x32xf32, #tpu.memory_space<vmem>>, vector<16xf32>,
        %add3A_1114 = arith.addf %add3A_1085, %add3A_1108 : vector<16xf32>
        %swap3A_1115 = arith.constant 1 : i32
        %swap3A_1116 = arith.index_cast %swap3A_1115 : i32 to index
        %swap3A_1117 = arith.index_cast %scan3A_367 : i32 to index
        %swap3A_1118 = arith.constant 16 : index
        %swap3A_1119 = tpu.vector_load %arg9[%swap3A_1116, %swap3A_1117, %swap3A_1118] {strides = array<i32>} : memref<2x32x32xf32, #tpu.memory_space<vmem>>, vector<16xf32>,
        tpu.vector_store %arg9[%swap3A_1116, %swap3A_1117, %swap3A_1118], %add3A_1114 {strides = array<i32>} : memref<2x32x32xf32, #tpu.memory_space<vmem>>, vector<16xf32>,
        %scan3A_1120 = arith.constant 0 : i32
        scf.yield %scan3A_1120 : i32
      }
      %scan3A_350 = arith.constant 32 : i32
      %dma_start3A_351 = arith.constant 1 : i32
      %dma_start3A_352 = arith.constant 1 : i32
      %dma_start3A_353 = arith.constant 0 : i32
      %dma_start3A_354 = arith.constant 0 : i32
      %dma_start3A_355 = tpu.memref_slice %arg9[%dma_start3A_351, %dma_start3A_353, %dma_start3A_354] : memref<2x32x32xf32, #tpu.memory_space<vmem>> -> memref<1x32x32xf32, #tpu.memory_space<vmem>>
      %dma_start3A_356 = tpu.memref_squeeze %dma_start3A_355 : memref<1x32x32xf32, #tpu.memory_space<vmem>> -> memref<32x32xf32, #tpu.memory_space<vmem>>
      %dma_start3A_357 = arith.constant 0 : i32
      %dma_start3A_358 = tpu.memref_slice %arg4[%multiple_of3A_343, %dma_start3A_357] : memref<10000x32xf32, #tpu.memory_space<hbm>> -> memref<32x32xf32, #tpu.memory_space<hbm>>
      %dma_start3A_359 = tpu.memref_slice %arg13[%dma_start3A_352] : memref<2x!tpu.dma_semaphore, #tpu.memory_space<semaphore_mem>> -> memref<1x!tpu.dma_semaphore, #tpu.memory_space<semaphore_mem>>
      %dma_start3A_360 = tpu.memref_squeeze %dma_start3A_359 : memref<1x!tpu.dma_semaphore, #tpu.memory_space<semaphore_mem>> -> memref<!tpu.dma_semaphore, #tpu.memory_space<semaphore_mem>>
      %dma_start3A_361 = arith.constant 0 : i32
      %dma_start3A_362 = tpu.memref_slice %arg4[%multiple_of3A_343, %dma_start3A_361] : memref<10000x32xf32, #tpu.memory_space<hbm>> -> memref<32x32xf32, #tpu.memory_space<hbm>>
      %dma_start3A_363 = arith.constant 0 : i32
      %dma_start3A_364 = arith.constant 0 : i32
      %dma_start3A_365 = tpu.memref_slice %arg9[%dma_start3A_351, %dma_start3A_363, %dma_start3A_364] : memref<2x32x32xf32, #tpu.memory_space<vmem>> -> memref<1x32x32xf32, #tpu.memory_space<vmem>>
      %dma_start3A_366 = tpu.memref_squeeze %dma_start3A_365 : memref<1x32x32xf32, #tpu.memory_space<vmem>> -> memref<32x32xf32, #tpu.memory_space<vmem>>
      tpu.enqueue_dma source(%dma_start3A_366 : memref<32x32xf32, #tpu.memory_space<vmem>>) target(%dma_start3A_362 : memref<32x32xf32, #tpu.memory_space<hbm>>) target_semaphore(%dma_start3A_360 : memref<!tpu.dma_semaphore, #tpu.memory_space<semaphore_mem>>)
    }
    %scan3A_83 = arith.constant 5 : i32
    %dma_wait3A = arith.constant 0 : i32
    %dma_wait3A_84 = arith.constant 0 : i32
    %dma_wait3A_85 = arith.constant 0 : i32
    %dma_wait3A_86 = arith.constant 0 : i32
    %dma_wait3A_87 = tpu.memref_slice %arg9[%dma_wait3A, %dma_wait3A_85, %dma_wait3A_86] : memref<2x32x32xf32, #tpu.memory_space<vmem>> -> memref<1x32x32xf32, #tpu.memory_space<vmem>>
    %dma_wait3A_88 = tpu.memref_squeeze %dma_wait3A_87 : memref<1x32x32xf32, #tpu.memory_space<vmem>> -> memref<32x32xf32, #tpu.memory_space<vmem>>
    %dma_wait3A_89 = arith.constant 0 : i32
    %dma_wait3A_90 = arith.constant 0 : i32
    %dma_wait3A_91 = tpu.memref_slice %arg4[%dma_wait3A_89, %dma_wait3A_90] : memref<10000x32xf32, #tpu.memory_space<hbm>> -> memref<32x32xf32, #tpu.memory_space<hbm>>
    %dma_wait3A_92 = tpu.memref_slice %arg13[%dma_wait3A_84] : memref<2x!tpu.dma_semaphore, #tpu.memory_space<semaphore_mem>> -> memref<1x!tpu.dma_semaphore, #tpu.memory_space<semaphore_mem>>
    %dma_wait3A_93 = tpu.memref_squeeze %dma_wait3A_92 : memref<1x!tpu.dma_semaphore, #tpu.memory_space<semaphore_mem>> -> memref<!tpu.dma_semaphore, #tpu.memory_space<semaphore_mem>>
    %dma_wait3A_94 = arith.constant 0 : i32
    %dma_wait3A_95 = arith.constant 0 : i32
    %dma_wait3A_96 = tpu.memref_slice %arg4[%dma_wait3A_94, %dma_wait3A_95] : memref<10000x32xf32, #tpu.memory_space<hbm>> -> memref<32x32xf32, #tpu.memory_space<hbm>>
    %dma_wait3A_97 = arith.constant 0 : i32
    %dma_wait3A_98 = arith.constant 0 : i32
    %dma_wait3A_99 = tpu.memref_slice %arg9[%dma_wait3A, %dma_wait3A_97, %dma_wait3A_98] : memref<2x32x32xf32, #tpu.memory_space<vmem>> -> memref<1x32x32xf32, #tpu.memory_space<vmem>>
    %dma_wait3A_100 = tpu.memref_squeeze %dma_wait3A_99 : memref<1x32x32xf32, #tpu.memory_space<vmem>> -> memref<32x32xf32, #tpu.memory_space<vmem>>
    tpu.wait_dma2 semaphore(%dma_wait3A_93 : memref<!tpu.dma_semaphore, #tpu.memory_space<semaphore_mem>>) src(%dma_wait3A_100 : memref<32x32xf32, #tpu.memory_space<vmem>>) dst(%dma_wait3A_96 : memref<32x32xf32, #tpu.memory_space<hbm>>)
    %dma_wait3A_101 = arith.constant 1 : i32
    %dma_wait3A_102 = arith.constant 1 : i32
    %dma_wait3A_103 = arith.constant 0 : i32
    %dma_wait3A_104 = arith.constant 0 : i32
    %dma_wait3A_105 = tpu.memref_slice %arg9[%dma_wait3A_101, %dma_wait3A_103, %dma_wait3A_104] : memref<2x32x32xf32, #tpu.memory_space<vmem>> -> memref<1x32x32xf32, #tpu.memory_space<vmem>>
    %dma_wait3A_106 = tpu.memref_squeeze %dma_wait3A_105 : memref<1x32x32xf32, #tpu.memory_space<vmem>> -> memref<32x32xf32, #tpu.memory_space<vmem>>
    %dma_wait3A_107 = arith.constant 0 : i32
    %dma_wait3A_108 = arith.constant 0 : i32
    %dma_wait3A_109 = tpu.memref_slice %arg4[%dma_wait3A_107, %dma_wait3A_108] : memref<10000x32xf32, #tpu.memory_space<hbm>> -> memref<32x32xf32, #tpu.memory_space<hbm>>
    %dma_wait3A_110 = tpu.memref_slice %arg13[%dma_wait3A_102] : memref<2x!tpu.dma_semaphore, #tpu.memory_space<semaphore_mem>> -> memref<1x!tpu.dma_semaphore, #tpu.memory_space<semaphore_mem>>
    %dma_wait3A_111 = tpu.memref_squeeze %dma_wait3A_110 : memref<1x!tpu.dma_semaphore, #tpu.memory_space<semaphore_mem>> -> memref<!tpu.dma_semaphore, #tpu.memory_space<semaphore_mem>>
    %dma_wait3A_112 = arith.constant 0 : i32
    %dma_wait3A_113 = arith.constant 0 : i32
    %dma_wait3A_114 = tpu.memref_slice %arg4[%dma_wait3A_112, %dma_wait3A_113] : memref<10000x32xf32, #tpu.memory_space<hbm>> -> memref<32x32xf32, #tpu.memory_space<hbm>>
    %dma_wait3A_115 = arith.constant 0 : i32
    %dma_wait3A_116 = arith.constant 0 : i32
    %dma_wait3A_117 = tpu.memref_slice %arg9[%dma_wait3A_101, %dma_wait3A_115, %dma_wait3A_116] : memref<2x32x32xf32, #tpu.memory_space<vmem>> -> memref<1x32x32xf32, #tpu.memory_space<vmem>>
    %dma_wait3A_118 = tpu.memref_squeeze %dma_wait3A_117 : memref<1x32x32xf32, #tpu.memory_space<vmem>> -> memref<32x32xf32, #tpu.memory_space<vmem>>
    tpu.wait_dma2 semaphore(%dma_wait3A_111 : memref<!tpu.dma_semaphore, #tpu.memory_space<semaphore_mem>>) src(%dma_wait3A_118 : memref<32x32xf32, #tpu.memory_space<vmem>>) dst(%dma_wait3A_114 : memref<32x32xf32, #tpu.memory_space<hbm>>)
    return
  }
}

module attributes {stable_mosaic.version = 14 : i64} {
  func.func @_tables_body(%arg0: i32, %arg1: memref<2000x128xf32, #tpu.memory_space<vmem>>, %arg2: memref<32x128xf32, #tpu.memory_space<vmem>>, %arg3: memref<32x128xf32, #tpu.memory_space<vmem>>, %arg4: memref<2x2000x32xbf16, #tpu.memory_space<vmem>>, %arg5: memref<1x128xf32, #tpu.memory_space<vmem>>) attributes {dimension_semantics = [#tpu.dimension_semantics<arbitrary>], iteration_bounds = array<i64: 5>, scalar_prefetch = 0 : i64, scratch_operands = 0 : i64, tpu.core_type = #tpu.core_type<tc>, window_params = [{transform_indices = @transform_0, window_bounds = array<i64: 2000, 128>}, {pipeline_mode = #tpu.pipeline_mode<synchronous>, transform_indices = @transform_1, window_bounds = array<i64: 32, 128>}, {pipeline_mode = #tpu.pipeline_mode<synchronous>, transform_indices = @transform_2, window_bounds = array<i64: 32, 128>}, {transform_indices = @transform_3, window_bounds = array<i64: 2, 2000, 32>}, {pipeline_mode = #tpu.pipeline_mode<synchronous>, transform_indices = @transform_4, window_bounds = array<i64: 1, 128>}]} {
    %get3A = arith.constant 0 : index
    %get3A_0 = arith.constant 0 : index
    %get3A_1 = vector.load %arg1[%get3A, %get3A_0] : memref<2000x128xf32, #tpu.memory_space<vmem>>, vector<2000x128xf32>
    %get3A_2 = arith.constant 0 : index
    %get3A_3 = arith.constant 0 : index
    %get3A_4 = vector.load %arg2[%get3A_2, %get3A_3] : memref<32x128xf32, #tpu.memory_space<vmem>>, vector<32x128xf32>
    %neg3A = arith.constant 0.000000e+00 : f32
    %neg3A_5 = vector.broadcast %neg3A : f32 to vector<32x128xf32>
    %neg3A_6 = arith.subf %neg3A_5, %get3A_4 : vector<32x128xf32>
    %exp3A = math.exp %neg3A_6 : vector<32x128xf32>
    %add3A = arith.constant 1.000000e+00 : f32
    %add3A_7 = vector.broadcast %add3A : f32 to vector<32x128xf32>
    %add3A_8 = arith.addf %add3A_7, %exp3A : vector<32x128xf32>
    %div3A = arith.constant 1.000000e+00 : f32
    %div3A_9 = vector.broadcast %div3A : f32 to vector<32x128xf32>
    %div3A_10 = arith.divf %div3A_9, %add3A_8 : vector<32x128xf32>
    %reduce_sum3A = vector.shape_cast %div3A_10 : vector<32x128xf32> to vector<1x32x128xf32>
    %reduce_sum3A_11 = arith.constant dense<0.000000e+00> : vector<1xf32>
    %reduce_sum3A_12 = vector.multi_reduction <add>, %reduce_sum3A, %reduce_sum3A_11 [1, 2] : vector<1x32x128xf32> to vector<1xf32>
    %reduce_sum3A_13 = vector.shape_cast %reduce_sum3A_12 : vector<1xf32> to vector<1x1x1xf32>
    %reduce_sum3A_14 = vector.extract %reduce_sum3A_13[0, 0, 0] : f32 from vector<1x1x1xf32>
    %div3A_15 = vector.broadcast %reduce_sum3A_14 : f32 to vector<32x128xf32>
    %div3A_16 = arith.divf %div3A_10, %div3A_15 : vector<32x128xf32>
    %transpose3A = tpu.transpose %div3A_16, [1, 0] : vector<32x128xf32> -> vector<128x32xf32>
    %dot_general3A = arith.constant dense<0.000000e+00> : vector<2000x32xf32>
    %dot_general3A_17 = tpu.matmul %get3A_1, %transpose3A, %dot_general3A {dimension_numbers = #tpu.dot_dimension_numbers<[1], [0], [0], [1], [0, 0, 1, 1], [], []>, transpose_lhs_hint = false} : vector<2000x128xf32>, vector<128x32xf32>, vector<2000x32xf32> -> vector<2000x32xf32>
    %mul3A = arith.constant 7.812500e-03 : f32
    %mul3A_18 = vector.broadcast %mul3A : f32 to vector<2000x32xf32>
    %mul3A_19 = arith.mulf %dot_general3A_17, %mul3A_18 : vector<2000x32xf32>
    %convert_element_type3A = arith.truncf %mul3A_19 : vector<2000x32xf32> to vector<2000x32xbf16>
    %swap3A = arith.constant 0 : index
    %swap3A_20 = arith.constant 0 : index
    %swap3A_21 = arith.constant 0 : index
    %swap3A_22 = vector.load %arg4[%swap3A, %swap3A_20, %swap3A_21] : memref<2x2000x32xbf16, #tpu.memory_space<vmem>>, vector<1x2000x32xbf16>
    %swap3A_23 = vector.shape_cast %swap3A_22 : vector<1x2000x32xbf16> to vector<2000x32xbf16>
    %swap3A_24 = vector.shape_cast %convert_element_type3A : vector<2000x32xbf16> to vector<1x2000x32xbf16>
    tpu.vector_store %arg4[%swap3A, %swap3A_20, %swap3A_21], %swap3A_24 {strides = array<i32>} : memref<2x2000x32xbf16, #tpu.memory_space<vmem>>, vector<1x2000x32xbf16>,
    %get3A_25 = arith.constant 0 : index
    %get3A_26 = arith.constant 0 : index
    %get3A_27 = vector.load %arg3[%get3A_25, %get3A_26] : memref<32x128xf32, #tpu.memory_space<vmem>>, vector<32x128xf32>
    %gt3A = arith.constant 0.000000e+00 : f32
    %gt3A_28 = vector.broadcast %gt3A : f32 to vector<32x128xf32>
    %gt3A_29 = arith.cmpf ogt, %get3A_27, %gt3A_28 : vector<32x128xf32>
    %add3A_30 = arith.constant 1.000000e+00 : f32
    %add3A_31 = vector.broadcast %add3A_30 : f32 to vector<32x128xf32>
    %add3A_32 = arith.addf %get3A_27, %add3A_31 : vector<32x128xf32>
    %exp3A_33 = math.exp %get3A_27 : vector<32x128xf32>
    %select_n3A = arith.select %gt3A_29, %add3A_32, %exp3A_33 : vector<32x128xi1>, vector<32x128xf32>
    %transpose3A_34 = tpu.transpose %select_n3A, [1, 0] : vector<32x128xf32> -> vector<128x32xf32>
    %dot_general3A_35 = arith.constant dense<0.000000e+00> : vector<2000x32xf32>
    %dot_general3A_36 = tpu.matmul %get3A_1, %transpose3A_34, %dot_general3A_35 {dimension_numbers = #tpu.dot_dimension_numbers<[1], [0], [0], [1], [0, 0, 1, 1], [], []>, transpose_lhs_hint = false} : vector<2000x128xf32>, vector<128x32xf32>, vector<2000x32xf32> -> vector<2000x32xf32>
    %mul3A_37 = arith.constant 7.812500e-03 : f32
    %mul3A_38 = vector.broadcast %mul3A_37 : f32 to vector<2000x32xf32>
    %mul3A_39 = arith.mulf %dot_general3A_36, %mul3A_38 : vector<2000x32xf32>
    %convert_element_type3A_40 = arith.truncf %mul3A_39 : vector<2000x32xf32> to vector<2000x32xbf16>
    %swap3A_41 = arith.constant 1 : index
    %swap3A_42 = arith.constant 0 : index
    %swap3A_43 = arith.constant 0 : index
    %swap3A_44 = vector.load %arg4[%swap3A_41, %swap3A_42, %swap3A_43] : memref<2x2000x32xbf16, #tpu.memory_space<vmem>>, vector<1x2000x32xbf16>
    %swap3A_45 = vector.shape_cast %swap3A_44 : vector<1x2000x32xbf16> to vector<2000x32xbf16>
    %swap3A_46 = vector.shape_cast %convert_element_type3A_40 : vector<2000x32xbf16> to vector<1x2000x32xbf16>
    tpu.vector_store %arg4[%swap3A_41, %swap3A_42, %swap3A_43], %swap3A_46 {strides = array<i32>} : memref<2x2000x32xbf16, #tpu.memory_space<vmem>>, vector<1x2000x32xbf16>,
    %eq3A = arith.constant 0 : i32
    %eq3A_47 = arith.cmpi eq, %arg0, %eq3A : i32
    %convert_element_type3A_48 = arith.extui %eq3A_47 : i1 to i32
    %cond3A = arith.constant 0 : i32
    %cond3A_49 = arith.cmpi ne, %convert_element_type3A_48, %cond3A : i32
    scf.if %cond3A_49 {
      %broadcast_in_dim3A_59 = arith.constant 0.000000e+00 : f32
      %broadcast_in_dim3A_60 = vector.broadcast %broadcast_in_dim3A_59 : f32 to vector<1x128xf32>
      %swap3A_61 = arith.constant 0 : index
      %swap3A_62 = arith.constant 0 : index
      %swap3A_63 = vector.load %arg5[%swap3A_61, %swap3A_62] : memref<1x128xf32, #tpu.memory_space<vmem>>, vector<1x128xf32>
      tpu.vector_store %arg5[%swap3A_61, %swap3A_62], %broadcast_in_dim3A_60 {strides = array<i32>} : memref<1x128xf32, #tpu.memory_space<vmem>>, vector<1x128xf32>,
    } else {
    }
    %get3A_50 = arith.constant 0 : index
    %get3A_51 = arith.constant 0 : index
    %get3A_52 = vector.load %arg5[%get3A_50, %get3A_51] : memref<1x128xf32, #tpu.memory_space<vmem>>, vector<1x128xf32>
    %reduce_sum3A_53 = arith.constant dense<0.000000e+00> : vector<128xf32>
    %reduce_sum3A_54 = vector.multi_reduction <add>, %get3A_1, %reduce_sum3A_53 [0] : vector<2000x128xf32> to vector<128xf32>
    %broadcast_in_dim3A = vector.shape_cast %reduce_sum3A_54 : vector<128xf32> to vector<1x128xf32>
    %add3A_55 = arith.addf %get3A_52, %broadcast_in_dim3A : vector<1x128xf32>
    %swap3A_56 = arith.constant 0 : index
    %swap3A_57 = arith.constant 0 : index
    %swap3A_58 = vector.load %arg5[%swap3A_56, %swap3A_57] : memref<1x128xf32, #tpu.memory_space<vmem>>, vector<1x128xf32>
    tpu.vector_store %arg5[%swap3A_56, %swap3A_57], %add3A_55 {strides = array<i32>} : memref<1x128xf32, #tpu.memory_space<vmem>>, vector<1x128xf32>,
    return
  }
  func.func @transform_0(%arg0: i32) -> (i32, i32) {
    %c0_i32 = arith.constant 0 : i32
    %c0_i32_0 = arith.constant 0 : i32
    return %arg0, %c0_i32 : i32, i32
  }
  func.func @transform_1(%arg0: i32) -> (i32, i32) {
    %c0_i32 = arith.constant 0 : i32
    %c0_i32_0 = arith.constant 0 : i32
    %c0_i32_1 = arith.constant 0 : i32
    return %c0_i32, %c0_i32_0 : i32, i32
  }
  func.func @transform_2(%arg0: i32) -> (i32, i32) {
    %c0_i32 = arith.constant 0 : i32
    %c0_i32_0 = arith.constant 0 : i32
    %c0_i32_1 = arith.constant 0 : i32
    return %c0_i32, %c0_i32_0 : i32, i32
  }
  func.func @transform_3(%arg0: i32) -> (i32, i32, i32) {
    %c0_i32 = arith.constant 0 : i32
    %c0_i32_0 = arith.constant 0 : i32
    %c0_i32_1 = arith.constant 0 : i32
    return %c0_i32, %arg0, %c0_i32_0 : i32, i32, i32
  }
  func.func @transform_4(%arg0: i32) -> (i32, i32) {
    %c0_i32 = arith.constant 0 : i32
    %c0_i32_0 = arith.constant 0 : i32
    %c0_i32_1 = arith.constant 0 : i32
    return %c0_i32, %c0_i32_0 : i32, i32
  }
}

module attributes {stable_mosaic.version = 14 : i64} {
  func.func @_egoglobal_body(%arg0: i32, %arg1: memref<2000x128xf32, #tpu.memory_space<vmem>>, %arg2: memref<16x128xf32, #tpu.memory_space<vmem>>, %arg3: memref<16x128xf32, #tpu.memory_space<vmem>>, %arg4: memref<16x128xf32, #tpu.memory_space<vmem>>, %arg5: memref<1x128xf32, #tpu.memory_space<vmem>>, %arg6: memref<128x16xf32, #tpu.memory_space<vmem>>, %arg7: memref<128x16xf32, #tpu.memory_space<vmem>>, %arg8: memref<2000x128xf32, #tpu.memory_space<vmem>>, %arg9: memref<2000x1xf32, #tpu.memory_space<vmem>>) attributes {dimension_semantics = [#tpu.dimension_semantics<arbitrary>], iteration_bounds = array<i64: 5>, scalar_prefetch = 0 : i64, scratch_operands = 0 : i64, tpu.core_type = #tpu.core_type<tc>, window_params = [{transform_indices = @transform_0, window_bounds = array<i64: 2000, 128>}, {pipeline_mode = #tpu.pipeline_mode<synchronous>, transform_indices = @transform_1, window_bounds = array<i64: 16, 128>}, {pipeline_mode = #tpu.pipeline_mode<synchronous>, transform_indices = @transform_2, window_bounds = array<i64: 16, 128>}, {pipeline_mode = #tpu.pipeline_mode<synchronous>, transform_indices = @transform_3, window_bounds = array<i64: 16, 128>}, {pipeline_mode = #tpu.pipeline_mode<synchronous>, transform_indices = @transform_4, window_bounds = array<i64: 1, 128>}, {pipeline_mode = #tpu.pipeline_mode<synchronous>, transform_indices = @transform_5, window_bounds = array<i64: 128, 16>}, {pipeline_mode = #tpu.pipeline_mode<synchronous>, transform_indices = @transform_6, window_bounds = array<i64: 128, 16>}, {transform_indices = @transform_7, window_bounds = array<i64: 2000, 128>}, {transform_indices = @transform_8, window_bounds = array<i64: 2000, 1>}]} {
    %get3A = arith.constant 0 : index
    %get3A_0 = arith.constant 0 : index
    %get3A_1 = vector.load %arg1[%get3A, %get3A_0] : memref<2000x128xf32, #tpu.memory_space<vmem>>, vector<2000x128xf32>
    %get3A_2 = arith.constant 0 : index
    %get3A_3 = arith.constant 0 : index
    %get3A_4 = vector.load %arg2[%get3A_2, %get3A_3] : memref<16x128xf32, #tpu.memory_space<vmem>>, vector<16x128xf32>
    %transpose3A = tpu.transpose %get3A_4, [1, 0] : vector<16x128xf32> -> vector<128x16xf32>
    %dot_general3A = arith.constant dense<0.000000e+00> : vector<2000x16xf32>
    %dot_general3A_5 = tpu.matmul %get3A_1, %transpose3A, %dot_general3A {dimension_numbers = #tpu.dot_dimension_numbers<[1], [0], [0], [1], [0, 0, 1, 1], [], []>, transpose_lhs_hint = false} : vector<2000x128xf32>, vector<128x16xf32>, vector<2000x16xf32> -> vector<2000x16xf32>
    %mul3A = arith.constant 7.812500e-03 : f32
    %mul3A_6 = vector.broadcast %mul3A : f32 to vector<2000x16xf32>
    %mul3A_7 = arith.mulf %dot_general3A_5, %mul3A_6 : vector<2000x16xf32>
    %mul3A_8 = arith.mulf %mul3A_7, %mul3A_7 : vector<2000x16xf32>
    %get3A_9 = arith.constant 0 : index
    %get3A_10 = arith.constant 0 : index
    %get3A_11 = vector.load %arg3[%get3A_9, %get3A_10] : memref<16x128xf32, #tpu.memory_space<vmem>>, vector<16x128xf32>
    %neg3A = arith.constant 0.000000e+00 : f32
    %neg3A_12 = vector.broadcast %neg3A : f32 to vector<16x128xf32>
    %neg3A_13 = arith.subf %neg3A_12, %get3A_11 : vector<16x128xf32>
    %exp3A = math.exp %neg3A_13 : vector<16x128xf32>
    %add3A = arith.constant 1.000000e+00 : f32
    %add3A_14 = vector.broadcast %add3A : f32 to vector<16x128xf32>
    %add3A_15 = arith.addf %add3A_14, %exp3A : vector<16x128xf32>
    %div3A = arith.constant 1.000000e+00 : f32
    %div3A_16 = vector.broadcast %div3A : f32 to vector<16x128xf32>
    %div3A_17 = arith.divf %div3A_16, %add3A_15 : vector<16x128xf32>
    %reduce_sum3A = vector.shape_cast %div3A_17 : vector<16x128xf32> to vector<1x16x128xf32>
    %reduce_sum3A_18 = arith.constant dense<0.000000e+00> : vector<1xf32>
    %reduce_sum3A_19 = vector.multi_reduction <add>, %reduce_sum3A, %reduce_sum3A_18 [1, 2] : vector<1x16x128xf32> to vector<1xf32>
    %reduce_sum3A_20 = vector.shape_cast %reduce_sum3A_19 : vector<1xf32> to vector<1x1x1xf32>
    %reduce_sum3A_21 = vector.extract %reduce_sum3A_20[0, 0, 0] : f32 from vector<1x1x1xf32>
    %div3A_22 = vector.broadcast %reduce_sum3A_21 : f32 to vector<16x128xf32>
    %div3A_23 = arith.divf %div3A_17, %div3A_22 : vector<16x128xf32>
    %transpose3A_24 = tpu.transpose %div3A_23, [1, 0] : vector<16x128xf32> -> vector<128x16xf32>
    %dot_general3A_25 = arith.constant dense<0.000000e+00> : vector<2000x16xf32>
    %dot_general3A_26 = tpu.matmul %get3A_1, %transpose3A_24, %dot_general3A_25 {dimension_numbers = #tpu.dot_dimension_numbers<[1], [0], [0], [1], [0, 0, 1, 1], [], []>, transpose_lhs_hint = false} : vector<2000x128xf32>, vector<128x16xf32>, vector<2000x16xf32> -> vector<2000x16xf32>
    %mul3A_27 = arith.constant 7.812500e-03 : f32
    %mul3A_28 = vector.broadcast %mul3A_27 : f32 to vector<2000x16xf32>
    %mul3A_29 = arith.mulf %dot_general3A_26, %mul3A_28 : vector<2000x16xf32>
    %get3A_30 = arith.constant 0 : index
    %get3A_31 = arith.constant 0 : index
    %get3A_32 = vector.load %arg5[%get3A_30, %get3A_31] : memref<1x128xf32, #tpu.memory_space<vmem>>, vector<1x128xf32>
    %mul3A_33 = arith.constant 9.99999974E-5 : f32
    %mul3A_34 = vector.broadcast %mul3A_33 : f32 to vector<1x128xf32>
    %mul3A_35 = arith.mulf %get3A_32, %mul3A_34 : vector<1x128xf32>
    %get3A_36 = arith.constant 0 : index
    %get3A_37 = arith.constant 0 : index
    %get3A_38 = vector.load %arg4[%get3A_36, %get3A_37] : memref<16x128xf32, #tpu.memory_space<vmem>>, vector<16x128xf32>
    %gt3A = arith.constant 0.000000e+00 : f32
    %gt3A_39 = vector.broadcast %gt3A : f32 to vector<16x128xf32>
    %gt3A_40 = arith.cmpf ogt, %get3A_38, %gt3A_39 : vector<16x128xf32>
    %add3A_41 = arith.constant 1.000000e+00 : f32
    %add3A_42 = vector.broadcast %add3A_41 : f32 to vector<16x128xf32>
    %add3A_43 = arith.addf %get3A_38, %add3A_42 : vector<16x128xf32>
    %exp3A_44 = math.exp %get3A_38 : vector<16x128xf32>
    %select_n3A = arith.select %gt3A_40, %add3A_43, %exp3A_44 : vector<16x128xi1>, vector<16x128xf32>
    %transpose3A_45 = tpu.transpose %select_n3A, [1, 0] : vector<16x128xf32> -> vector<128x16xf32>
    %dot_general3A_46 = arith.constant dense<0.000000e+00> : vector<1x16xf32>
    %dot_general3A_47 = tpu.matmul %mul3A_35, %transpose3A_45, %dot_general3A_46 {dimension_numbers = #tpu.dot_dimension_numbers<[1], [0], [0], [1], [0, 0, 1, 1], [], []>, transpose_lhs_hint = false} : vector<1x128xf32>, vector<128x16xf32>, vector<1x16xf32> -> vector<1x16xf32>
    %mul3A_48 = arith.constant 7.812500e-03 : f32
    %mul3A_49 = vector.broadcast %mul3A_48 : f32 to vector<1x16xf32>
    %mul3A_50 = arith.mulf %dot_general3A_47, %mul3A_49 : vector<1x16xf32>
    %mul3A_51 = vector.broadcast %mul3A_50 : vector<1x16xf32> to vector<2000x16xf32>
    %mul3A_52 = arith.mulf %mul3A_29, %mul3A_51 : vector<2000x16xf32>
    %get3A_53 = arith.constant 0 : index
    %get3A_54 = arith.constant 0 : index
    %get3A_55 = vector.load %arg6[%get3A_53, %get3A_54] : memref<128x16xf32, #tpu.memory_space<vmem>>, vector<128x16xf32>
    %gt3A_56 = arith.constant 0.000000e+00 : f32
    %gt3A_57 = vector.broadcast %gt3A_56 : f32 to vector<128x16xf32>
    %gt3A_58 = arith.cmpf ogt, %get3A_55, %gt3A_57 : vector<128x16xf32>
    %add3A_59 = arith.constant 1.000000e+00 : f32
    %add3A_60 = vector.broadcast %add3A_59 : f32 to vector<128x16xf32>
    %add3A_61 = arith.addf %get3A_55, %add3A_60 : vector<128x16xf32>
    %exp3A_62 = math.exp %get3A_55 : vector<128x16xf32>
    %select_n3A_63 = arith.select %gt3A_58, %add3A_61, %exp3A_62 : vector<128x16xi1>, vector<128x16xf32>
    %transpose3A_64 = tpu.transpose %select_n3A_63, [1, 0] : vector<128x16xf32> -> vector<16x128xf32>
    %dot_general3A_65 = arith.constant dense<0.000000e+00> : vector<2000x128xf32>
    %dot_general3A_66 = tpu.matmul %mul3A_8, %transpose3A_64, %dot_general3A_65 {dimension_numbers = #tpu.dot_dimension_numbers<[1], [0], [0], [1], [0, 0, 1, 1], [], []>, transpose_lhs_hint = false} : vector<2000x16xf32>, vector<16x128xf32>, vector<2000x128xf32> -> vector<2000x128xf32>
    %get3A_67 = arith.constant 0 : index
    %get3A_68 = arith.constant 0 : index
    %get3A_69 = vector.load %arg7[%get3A_67, %get3A_68] : memref<128x16xf32, #tpu.memory_space<vmem>>, vector<128x16xf32>
    %gt3A_70 = arith.constant 0.000000e+00 : f32
    %gt3A_71 = vector.broadcast %gt3A_70 : f32 to vector<128x16xf32>
    %gt3A_72 = arith.cmpf ogt, %get3A_69, %gt3A_71 : vector<128x16xf32>
    %add3A_73 = arith.constant 1.000000e+00 : f32
    %add3A_74 = vector.broadcast %add3A_73 : f32 to vector<128x16xf32>
    %add3A_75 = arith.addf %get3A_69, %add3A_74 : vector<128x16xf32>
    %exp3A_76 = math.exp %get3A_69 : vector<128x16xf32>
    %select_n3A_77 = arith.select %gt3A_72, %add3A_75, %exp3A_76 : vector<128x16xi1>, vector<128x16xf32>
    %transpose3A_78 = tpu.transpose %select_n3A_77, [1, 0] : vector<128x16xf32> -> vector<16x128xf32>
    %dot_general3A_79 = arith.constant dense<0.000000e+00> : vector<2000x128xf32>
    %dot_general3A_80 = tpu.matmul %mul3A_52, %transpose3A_78, %dot_general3A_79 {dimension_numbers = #tpu.dot_dimension_numbers<[1], [0], [0], [1], [0, 0, 1, 1], [], []>, transpose_lhs_hint = false} : vector<2000x16xf32>, vector<16x128xf32>, vector<2000x128xf32> -> vector<2000x128xf32>
    %add3A_81 = arith.addf %dot_general3A_66, %dot_general3A_80 : vector<2000x128xf32>
    %swap3A = arith.constant 0 : index
    %swap3A_82 = arith.constant 0 : index
    %swap3A_83 = vector.load %arg8[%swap3A, %swap3A_82] : memref<2000x128xf32, #tpu.memory_space<vmem>>, vector<2000x128xf32>
    tpu.vector_store %arg8[%swap3A, %swap3A_82], %add3A_81 {strides = array<i32>} : memref<2000x128xf32, #tpu.memory_space<vmem>>, vector<2000x128xf32>,
    %reduce_sum3A_84 = arith.constant dense<0.000000e+00> : vector<2000xf32>
    %reduce_sum3A_85 = vector.multi_reduction <add>, %mul3A_8, %reduce_sum3A_84 [1] : vector<2000x16xf32> to vector<2000xf32>
    %broadcast_in_dim3A = vector.shape_cast %reduce_sum3A_85 : vector<2000xf32> to vector<2000x1xf32>
    %add3A_86 = arith.constant 1.000000e-03 : f32
    %add3A_87 = vector.broadcast %add3A_86 : f32 to vector<2000x1xf32>
    %add3A_88 = arith.addf %add3A_87, %broadcast_in_dim3A : vector<2000x1xf32>
    %reduce_sum3A_89 = arith.constant dense<0.000000e+00> : vector<2000xf32>
    %reduce_sum3A_90 = vector.multi_reduction <add>, %mul3A_52, %reduce_sum3A_89 [1] : vector<2000x16xf32> to vector<2000xf32>
    %broadcast_in_dim3A_91 = vector.shape_cast %reduce_sum3A_90 : vector<2000xf32> to vector<2000x1xf32>
    %add3A_92 = arith.addf %add3A_88, %broadcast_in_dim3A_91 : vector<2000x1xf32>
    %swap3A_93 = arith.constant 0 : index
    %swap3A_94 = arith.constant 0 : index
    %swap3A_95 = vector.load %arg9[%swap3A_93, %swap3A_94] : memref<2000x1xf32, #tpu.memory_space<vmem>>, vector<2000x1xf32>
    tpu.vector_store %arg9[%swap3A_93, %swap3A_94], %add3A_92 {strides = array<i32>} : memref<2000x1xf32, #tpu.memory_space<vmem>>, vector<2000x1xf32>,
    return
  }
  func.func @transform_0(%arg0: i32) -> (i32, i32) {
    %c0_i32 = arith.constant 0 : i32
    %c0_i32_0 = arith.constant 0 : i32
    return %arg0, %c0_i32 : i32, i32
  }
  func.func @transform_1(%arg0: i32) -> (i32, i32) {
    %c0_i32 = arith.constant 0 : i32
    %c0_i32_0 = arith.constant 0 : i32
    %c0_i32_1 = arith.constant 0 : i32
    return %c0_i32, %c0_i32_0 : i32, i32
  }
  func.func @transform_2(%arg0: i32) -> (i32, i32) {
    %c0_i32 = arith.constant 0 : i32
    %c0_i32_0 = arith.constant 0 : i32
    %c0_i32_1 = arith.constant 0 : i32
    return %c0_i32, %c0_i32_0 : i32, i32
  }
  func.func @transform_3(%arg0: i32) -> (i32, i32) {
    %c0_i32 = arith.constant 0 : i32
    %c0_i32_0 = arith.constant 0 : i32
    %c0_i32_1 = arith.constant 0 : i32
    return %c0_i32, %c0_i32_0 : i32, i32
  }
  func.func @transform_4(%arg0: i32) -> (i32, i32) {
    %c0_i32 = arith.constant 0 : i32
    %c0_i32_0 = arith.constant 0 : i32
    %c0_i32_1 = arith.constant 0 : i32
    return %c0_i32, %c0_i32_0 : i32, i32
  }
  func.func @transform_5(%arg0: i32) -> (i32, i32) {
    %c0_i32 = arith.constant 0 : i32
    %c0_i32_0 = arith.constant 0 : i32
    %c0_i32_1 = arith.constant 0 : i32
    return %c0_i32, %c0_i32_0 : i32, i32
  }
  func.func @transform_6(%arg0: i32) -> (i32, i32) {
    %c0_i32 = arith.constant 0 : i32
    %c0_i32_0 = arith.constant 0 : i32
    %c0_i32_1 = arith.constant 0 : i32
    return %c0_i32, %c0_i32_0 : i32, i32
  }
  func.func @transform_7(%arg0: i32) -> (i32, i32) {
    %c0_i32 = arith.constant 0 : i32
    %c0_i32_0 = arith.constant 0 : i32
    return %arg0, %c0_i32 : i32, i32
  }
  func.func @transform_8(%arg0: i32) -> (i32, i32) {
    %c0_i32 = arith.constant 0 : i32
    %c0_i32_0 = arith.constant 0 : i32
    return %arg0, %c0_i32 : i32, i32
  }
}

module attributes {stable_mosaic.version = 14 : i64} {
  func.func @_combine_body(%arg0: i32, %arg1: memref<2000x32xf32, #tpu.memory_space<vmem>>, %arg2: memref<2000x128xf32, #tpu.memory_space<vmem>>, %arg3: memref<2000x1xf32, #tpu.memory_space<vmem>>, %arg4: memref<128x32xf32, #tpu.memory_space<vmem>>, %arg5: memref<1x128xf32, #tpu.memory_space<vmem>>, %arg6: memref<2000x128xf32, #tpu.memory_space<vmem>>) attributes {dimension_semantics = [#tpu.dimension_semantics<arbitrary>], iteration_bounds = array<i64: 5>, scalar_prefetch = 0 : i64, scratch_operands = 0 : i64, tpu.core_type = #tpu.core_type<tc>, window_params = [{transform_indices = @transform_0, window_bounds = array<i64: 2000, 32>}, {transform_indices = @transform_1, window_bounds = array<i64: 2000, 128>}, {transform_indices = @transform_2, window_bounds = array<i64: 2000, 1>}, {pipeline_mode = #tpu.pipeline_mode<synchronous>, transform_indices = @transform_3, window_bounds = array<i64: 128, 32>}, {pipeline_mode = #tpu.pipeline_mode<synchronous>, transform_indices = @transform_4, window_bounds = array<i64: 1, 128>}, {transform_indices = @transform_5, window_bounds = array<i64: 2000, 128>}]} {
    %get3A = arith.constant 0 : index
    %get3A_0 = arith.constant 0 : index
    %get3A_1 = vector.load %arg1[%get3A, %get3A_0] : memref<2000x32xf32, #tpu.memory_space<vmem>>, vector<2000x32xf32>
    %get3A_2 = arith.constant 0 : index
    %get3A_3 = arith.constant 0 : index
    %get3A_4 = vector.load %arg3[%get3A_2, %get3A_3] : memref<2000x1xf32, #tpu.memory_space<vmem>>, vector<2000x1xf32>
    %reduce_sum3A = arith.constant dense<0.000000e+00> : vector<2000xf32>
    %reduce_sum3A_5 = vector.multi_reduction <add>, %get3A_1, %reduce_sum3A [1] : vector<2000x32xf32> to vector<2000xf32>
    %broadcast_in_dim3A = vector.shape_cast %reduce_sum3A_5 : vector<2000xf32> to vector<2000x1xf32>
    %add3A = arith.addf %get3A_4, %broadcast_in_dim3A : vector<2000x1xf32>
    %div3A = arith.constant 1.000000e+00 : f32
    %div3A_6 = vector.broadcast %div3A : f32 to vector<2000x1xf32>
    %div3A_7 = arith.divf %div3A_6, %add3A : vector<2000x1xf32>
    %get3A_8 = arith.constant 0 : index
    %get3A_9 = arith.constant 0 : index
    %get3A_10 = vector.load %arg2[%get3A_8, %get3A_9] : memref<2000x128xf32, #tpu.memory_space<vmem>>, vector<2000x128xf32>
    %get3A_11 = arith.constant 0 : index
    %get3A_12 = arith.constant 0 : index
    %get3A_13 = vector.load %arg4[%get3A_11, %get3A_12] : memref<128x32xf32, #tpu.memory_space<vmem>>, vector<128x32xf32>
    %gt3A = arith.constant 0.000000e+00 : f32
    %gt3A_14 = vector.broadcast %gt3A : f32 to vector<128x32xf32>
    %gt3A_15 = arith.cmpf ogt, %get3A_13, %gt3A_14 : vector<128x32xf32>
    %add3A_16 = arith.constant 1.000000e+00 : f32
    %add3A_17 = vector.broadcast %add3A_16 : f32 to vector<128x32xf32>
    %add3A_18 = arith.addf %get3A_13, %add3A_17 : vector<128x32xf32>
    %exp3A = math.exp %get3A_13 : vector<128x32xf32>
    %select_n3A = arith.select %gt3A_15, %add3A_18, %exp3A : vector<128x32xi1>, vector<128x32xf32>
    %transpose3A = tpu.transpose %select_n3A, [1, 0] : vector<128x32xf32> -> vector<32x128xf32>
    %dot_general3A = arith.constant dense<0.000000e+00> : vector<2000x128xf32>
    %dot_general3A_19 = tpu.matmul %get3A_1, %transpose3A, %dot_general3A {dimension_numbers = #tpu.dot_dimension_numbers<[1], [0], [0], [1], [0, 0, 1, 1], [], []>, transpose_lhs_hint = false} : vector<2000x32xf32>, vector<32x128xf32>, vector<2000x128xf32> -> vector<2000x128xf32>
    %add3A_20 = arith.addf %get3A_10, %dot_general3A_19 : vector<2000x128xf32>
    %mul3A = vector.broadcast %div3A_7 : vector<2000x1xf32> to vector<2000x128xf32>
    %mul3A_21 = arith.mulf %add3A_20, %mul3A : vector<2000x128xf32>
    %get3A_22 = arith.constant 0 : index
    %get3A_23 = arith.constant 0 : index
    %get3A_24 = vector.load %arg5[%get3A_22, %get3A_23] : memref<1x128xf32, #tpu.memory_space<vmem>>, vector<1x128xf32>
    %gt3A_25 = arith.constant 0.000000e+00 : f32
    %gt3A_26 = vector.broadcast %gt3A_25 : f32 to vector<1x128xf32>
    %gt3A_27 = arith.cmpf ogt, %get3A_24, %gt3A_26 : vector<1x128xf32>
    %add3A_28 = arith.constant 1.000000e+00 : f32
    %add3A_29 = vector.broadcast %add3A_28 : f32 to vector<1x128xf32>
    %add3A_30 = arith.addf %get3A_24, %add3A_29 : vector<1x128xf32>
    %exp3A_31 = math.exp %get3A_24 : vector<1x128xf32>
    %select_n3A_32 = arith.select %gt3A_27, %add3A_30, %exp3A_31 : vector<1x128xi1>, vector<1x128xf32>
    %add3A_33 = vector.broadcast %select_n3A_32 : vector<1x128xf32> to vector<2000x128xf32>
    %add3A_34 = arith.addf %mul3A_21, %add3A_33 : vector<2000x128xf32>
    %swap3A = arith.constant 0 : index
    %swap3A_35 = arith.constant 0 : index
    %swap3A_36 = vector.load %arg6[%swap3A, %swap3A_35] : memref<2000x128xf32, #tpu.memory_space<vmem>>, vector<2000x128xf32>
    tpu.vector_store %arg6[%swap3A, %swap3A_35], %add3A_34 {strides = array<i32>} : memref<2000x128xf32, #tpu.memory_space<vmem>>, vector<2000x128xf32>,
    return
  }
  func.func @transform_0(%arg0: i32) -> (i32, i32) {
    %c0_i32 = arith.constant 0 : i32
    %c0_i32_0 = arith.constant 0 : i32
    return %arg0, %c0_i32 : i32, i32
  }
  func.func @transform_1(%arg0: i32) -> (i32, i32) {
    %c0_i32 = arith.constant 0 : i32
    %c0_i32_0 = arith.constant 0 : i32
    return %arg0, %c0_i32 : i32, i32
  }
  func.func @transform_2(%arg0: i32) -> (i32, i32) {
    %c0_i32 = arith.constant 0 : i32
    %c0_i32_0 = arith.constant 0 : i32
    return %arg0, %c0_i32 : i32, i32
  }
  func.func @transform_3(%arg0: i32) -> (i32, i32) {
    %c0_i32 = arith.constant 0 : i32
    %c0_i32_0 = arith.constant 0 : i32
    %c0_i32_1 = arith.constant 0 : i32
    return %c0_i32, %c0_i32_0 : i32, i32
  }
  func.func @transform_4(%arg0: i32) -> (i32, i32) {
    %c0_i32 = arith.constant 0 : i32
    %c0_i32_0 = arith.constant 0 : i32
    %c0_i32_1 = arith.constant 0 : i32
    return %c0_i32, %c0_i32_0 : i32, i32
  }
  func.func @transform_5(%arg0: i32) -> (i32, i32) {
    %c0_i32 = arith.constant 0 : i32
    %c0_i32_0 = arith.constant 0 : i32
    return %arg0, %c0_i32 : i32, i32
  }
}

</mosaic_0001>

<sc_bundles>
// kernel: kernel.6.cloned.1.call-start
scs
__scs_entry_jumppad:
0x0: {  	(pc) =	sbr.rel $0x88, $3  }
0x1: {  	(tag) =	ssettag $0x0;
	lr =	simm.s32 $0x1  }
0x2: {  	[smem:$0x3F96] =	sst lr;
	_ =	strace $0xD0000000  }
0x3: {  	_ = 	snop  }
0x4: {  	_ = 	snop  }
0x5: {  	_ = 	snop  }
0x6: {  	_ = 	snop  }
0x7: {  	_ = 	snop  }
__scs_overlays_trampoline_lowered:
0x8: {  	[smem:$0x3FA5] =	sst s0  }
0x9: {  	[smem:$0x3FA6] =	sst s1  }
0xa: {  	[smem:$0x3FA7] =	sst s2  }
0xb: {  	[smem:$0x3FA8] =	sst s3  }
0xc: {  	[smem:$0x3FA9] =	sst s4  }
0xd: {  	[smem:$0x3FAA] =	sst s5  }
0xe: {  	[smem:$0x3FAB] =	sst s6  }
0xf: {  	[smem:$0x3FAC] =	sst s7  }
0x10: {  	[smem:$0x3FAD] =	sst s8  }
0x11: {  	[smem:$0x3FAE] =	sst s9;
	s0 =	simm.s32 @!p0 $0x0  }
0x12: {  	s1 =	sld [smem:$0x3F94];
	s0 =	simm.s32 @p0 $0x1  }
0x13: {  	[smem:$0x3FAF] =	sst s0;
	s0 =	simm.s32 @!p1 $0x0  }
0x14: {  	s2 =	sld [smem:$0x3F93];
	s0 =	simm.s32 @p1 $0x1  }
0x15: {  	[smem:$0x3FB0] =	sst s0;
	s0 =	simm.s32 @!p2 $0x0  }
0x16: {  	s3 =	sld [smem:$0x3FDB];
	s0 =	simm.s32 @p2 $0x1  }
0x17: {  	s4 =	simm.s32 $0x1BF5;
	[smem:$0x3FB2] =	sst s0  }
0x18: {  	s0 =	sld [smem:$0x3F95];
	_ =	swait.ge [sflag:s4], $0x0  }
0x19: {  	s7 =	sld [smem:$0x3F96]  }
0x1a: {  	s8 =	sadd.s32 $0xFFFFE003, lr  }
0x1b: {  	s9 =	sadd.s32 $0xFFFFFEF7, lr;
	s5 =	simm.s32 $0xFFFFFFFF;
	p2 =	slt.u32 s8, $0xFFFFF086  }
0x1c: {  	p1 =	slt.u32 s9, $0xF7A;
	s5 =	simm.s32 @!p2 $0x0  }
0x1d: {  	s5 =	simm.s32 @p1 $0x1;
	p0 =	seq.s32 s7, s2  }
0x1e: {  	s7 =	smul.u32 @!p0 $0xF7A, s2;
	p2 =	seq.s32 @!p0 s5, $0x0  }
0x1f: {  	s9 =	smul.u32 $0xF7A, s1;
	s8 =	simm.s32 @!p0 $0x1BF5;
	p2 =	por !p2, p0  }
0x20: {  	[sflag:s8] =	ssyncset.s32 @!p0 $0xFFFFF086;
	s6 =	sadd.s32 @!p0 s3, s7;
	s7 =	simm.s32 @!p0 $0x108  }
0x21: {  	s3 =	sadd.s32 s3, s9;
	s6 =	sadd.s32 @!p0 $0x88, s6;
	s7 =	simm.s32 @p2 $0x1082  }
0x22: {  	[simem:s7], [sflag:s8] =	dma.local @!p0 [hbm:s6], $0xF7A  }
0x23: {  	s9 =	sor.u32 $0xD0000000, s2;
	s6 =	simm.s32 $0x108;
	_ =	swait.ge @!p0 [sflag:s8], $0x0  }
0x24: {  	s3 =	sadd.s32 $0x88, s3;
	s6 =	simm.s32 @!p1 $0x1082;
	[sflag:s4] =	ssyncset.s32 $0xFFFFF086  }
0x25: {  	[simem:s6], [sflag:s4] =	dma.local [hbm:s3], $0xF7A  }
0x26: {  	[smem:$0x3F96] =	sst s1;
	(tag) =	ssettag s2;
	_ =	strace s9  }
0x27: {  	s1 =	sld [smem:$0x3FA6]  }
0x28: {  	s2 =	sld [smem:$0x3FA7]  }
0x29: {  	s4 =	sld [smem:$0x3FA9]  }
0x2a: {  	p0 =	seq.s32 s5, $0x0;
	s5 =	sld [smem:$0x3FAA]  }
0x2b: {  	s6 =	sld [smem:$0x3FAB]  }
0x2c: {  	s7 =	sld [smem:$0x3FAC]  }
0x2d: {  	s3 =	simm.s32 $0x108;
	s8 =	sld [smem:$0x3FAD]  }
0x2e: {  	s3 =	simm.s32 @!p0 $0x1082;
	s9 =	sld [smem:$0x3FAE]  }
0x2f: {  	lr =	sadd.s32 s0, s3;
	s0 =	sld [smem:$0x3FA5]  }
0x30: {  	s3 =	sld [smem:$0x3FA8]  }
0x31: {  	[smem:$0x3FB1] =	sst s10  }
0x32: {  	s10 =	sld [smem:$0x3FAF];
	_ =	sdelay $0x3  }
0x33: {  	p0 =	seq.s32 s10, $0x1;
	s10 =	sld [smem:$0x3FB1];
	_ =	sdelay $0x3  }
0x34: {  	[smem:$0x3FB1] =	sst s10  }
0x35: {  	s10 =	sld [smem:$0x3FB0];
	_ =	sdelay $0x3  }
0x36: {  	p1 =	seq.s32 s10, $0x1;
	s10 =	sld [smem:$0x3FB1];
	_ =	sdelay $0x3  }
0x37: {  	[smem:$0x3FB1] =	sst s10  }
0x38: {  	s10 =	sld [smem:$0x3FB2]  }
0x39: {  	_ = 	snop;
	(pc) =	sbr.ind lr, $3  }
0x3a: {  	_ = 	snop  }
0x3b: {  	_ = 	snop  }
0x3c: {  	p2 =	seq.s32 s10, $0x1;
	s10 =	sld [smem:$0x3FB1]  }
0x3d: {  	_ =	shalt  }
0x3e: {  	_ =	shalt  }
0x3f: {  	_ =	shalt  }
0x40: {  	_ =	shalt  }
0x41: {  	_ =	shalt  }
0x42: {  	_ =	shalt  }
0x43: {  	_ =	shalt  }
0x44: {  	_ =	shalt  }
0x45: {  	_ =	shalt  }
0x46: {  	_ =	shalt  }
0x47: {  	_ =	shalt  }
0x48: {  	_ =	shalt  }
0x49: {  	_ =	shalt  }
0x4a: {  	_ =	shalt  }
0x4b: {  	_ =	shalt  }
0x4c: {  	_ =	shalt  }
0x4d: {  	_ =	shalt  }
0x4e: {  	_ =	shalt  }
0x4f: {  	_ =	shalt  }
0x50: {  	_ =	shalt  }
0x51: {  	_ =	shalt  }
0x52: {  	_ =	shalt  }
0x53: {  	_ =	shalt  }
0x54: {  	_ =	shalt  }
0x55: {  	_ =	shalt  }
0x56: {  	_ =	shalt  }
0x57: {  	_ =	shalt  }
0x58: {  	_ =	shalt  }
0x59: {  	_ =	shalt  }
0x5a: {  	_ =	shalt  }
0x5b: {  	_ =	shalt  }
0x5c: {  	_ =	shalt  }
0x5d: {  	_ =	shalt  }
0x5e: {  	_ =	shalt  }
0x5f: {  	_ =	shalt  }
0x60: {  	_ =	shalt  }
0x61: {  	_ =	shalt  }
0x62: {  	_ =	shalt  }
0x63: {  	_ =	shalt  }
0x64: {  	_ =	shalt  }
0x65: {  	_ =	shalt  }
0x66: {  	_ =	shalt  }
0x67: {  	_ =	shalt  }
0x68: {  	_ =	shalt  }
0x69: {  	_ =	shalt  }
0x6a: {  	_ =	shalt  }
0x6b: {  	_ =	shalt  }
0x6c: {  	_ =	shalt  }
0x6d: {  	_ =	shalt  }
0x6e: {  	_ =	shalt  }
0x6f: {  	_ =	shalt  }
0x70: {  	_ =	shalt  }
0x71: {  	_ =	shalt  }
0x72: {  	_ =	shalt  }
0x73: {  	_ =	shalt  }
0x74: {  	_ =	shalt  }
0x75: {  	_ =	shalt  }
0x76: {  	_ =	shalt  }
0x77: {  	_ =	shalt  }
0x78: {  	_ =	shalt  }
0x79: {  	_ =	shalt  }
0x7a: {  	_ =	shalt  }
0x7b: {  	_ =	shalt  }
0x7c: {  	_ =	shalt  }
0x7d: {  	_ =	shalt  }
0x7e: {  	_ =	shalt  }
0x7f: {  	_ =	shalt  }
0x80: {  	_ =	shalt  }
0x81: {  	_ =	shalt  }
0x82: {  	_ =	shalt  }
0x83: {  	_ =	shalt  }
0x84: {  	_ =	shalt  }
0x85: {  	_ =	shalt  }
0x86: {  	_ =	shalt  }
0x87: {  	_ =	shalt  }
.Lfunc_end0:
.L_simem_size_0:
called_computation_lowered:
.L_overlay_start_0:
0x88: {  	s2 =	sld [smem:$0x3FD9]  }
0x89: {  	s3 =	sld [smem:$0x3FFE];
	_ =	sdelay $0x1  }
0x8a: {  	s1 =	srdreg.scid  }
0x8b: {  	s0 =	sand.u32 $0x1, s1  }
0x8c: {  	s17 =	sshll.u32 s0, $0xA;
	s2 =	sadd.s32 s3, s2  }
0x8d: {  	s2 =	sadd.s32 s2, s17  }
0x8e: {  	[smem:$0x3FBD] =	sst s2  }
0x8f: {  	_ = 	snop  }
0x90: {  	s2 =	sld [smem:$0x3FD0];
	(tm) =	ssettm $0x1  }
0x91: {  	s18 =	sld [smem:$0x3FFB];
	_ =	sdelay $0x3  }
0x92: {  	_ =	strace s18  }
0x93: {  	s3 =	sld [smem:$0x3FFC];
	_ =	sdelay $0x3  }
0x94: {  	_ =	strace s3  }
0x95: {  	s3 =	sld [smem:$0x3FFD];
	_ =	sdelay $0x3  }
0x96: {  	_ =	strace s3  }
0x97: {  	_ =	strace $0x8FFFFFFF  }
0x98: {  	s19 =	sld [smem:$0x3FDB];
	_ =	sdelay $0x1  }
0x99: {  	s4 =	simm.s32 $_scs_section_size  }
0x9a: {  	s5 =	simm.s32 $_size__tile_overlayer_lowered;
	s6 =	simm.s32 $_tile_overlayer_lowered  }
0x9b: {  	s22 =	simm.s32 $0x1BFF;
	s21 =	sshll.u32 s6, $0x1;
	s3 =	sadd.s32 s4, s19  }
0x9c: {  	s7 =	simm.s32 $0x0;
	s20 =	sshll.u32 s5, $0x1;
	s5 =	sadd.s32 s21, s3  }
0x9d: {  	[timem:s7], [sflag:s22] =	dma.local [hbm:s5], s20  }
0x9e: {  	_ =	swait.ge [sflag:s22], s20  }
0x9f: {  	s4 =	ssub.s32 $0x0, s20;
	[sflag:s22] =	ssyncset.done $0x0  }
0xa0: {  	[sflag:s22] =	ssyncadd.s32 s4;
	_ =	sdelay $0x1  }
0xa1: {  	s23 =	simm.s32 $0x1B8B  }
0xa2: {  	_ =	swait.ge [sflag:s23], $0x1  }
0xa3: {  	[sflag:s23] =	ssyncset.done $0x0  }
0xa4: {  	s25 =	simm.s32 $0x1B8E;
	s24 =	sld [smem:$0x3FFE];
	[sflag:s23] =	ssyncadd.s32 $0xFFFFFFFF  }
0xa5: {  	s26 =	simm.s32 $execute0_lowered;
	[smem:$0x3FD2] =	sst s25  }
0xa6: {  	s5 =	sshll.u32 s26, $0x1;
	_ =	strace $0x80000046;
	[dreg:$0x1] =	wrdreg $0xFFFFFFFF  }
0xa7: {  	s28 =	simm.s32 $_size_execute0_lowered;
	s3 =	sadd.s32 s3, s5;
	[dreg:$0x0] =	wrdreg $0x0  }
0xa8: {  	s5 =	sshll.u32 s28, $0x1;
	[dreg:$0x2] =	wrdreg s3  }
0xa9: {  	[dreg:$0x3] =	wrdreg s5  }
0xaa: {  	[dreg:$0x4] =	wrdreg $0xC0  }
0xab: {  	_ =	task [dreg:s7], $0x5FFFF  }
0xac: {  	[dreg:$0x1] =	wrdreg $0xFFFFFFFF  }
0xad: {  	[dreg:$0x0] =	wrdreg $0x60  }
0xae: {  	[dreg:$0x2] =	wrdreg s2  }
0xaf: {  	[dreg:$0x3] =	wrdreg s24  }
0xb0: {  	[dreg:$0x4] =	wrdreg $0x158000  }
0xb1: {  	[dreg:$0x5] =	wrdreg $0x17F100  }
0xb2: {  	[dreg:$0x6] =	wrdreg $0x9  }
0xb3: {  	_ =	task.clear_ibuf [dreg:s7], $0x7FFFF;
	_ =	strace $0x90000046  }
0xb4: {  	s29 =	simm.s32 $0x9;
	_ =	strace $0x80000048  }
0xb5: {  	_ =	swait.ge [sflag:s29], $0x1  }
0xb6: {  	[sflag:s29] =	ssyncadd.s32 $0xFFFFFFFF  }
0xb7: {  	_ =	strace $0x90000048  }
0xb8: {  	_ =	sfence  }
0xb9: {  	s30 =	sld [smem:$0x0];
	_ =	sdelay $0x2  }
0xba: {  	s31 =	sshll.u32 s1, $0xD;
	s1 =	sshrl.u32 s1, $0x2  }
0xbb: {  	s3 =	sand.u32 $0x4000, s31;
	s1 =	sadd.s32 s1, s30  }
0xbc: {  	s0 =	sor.u32 s3, s0;
	s1 =	sshll.u32 s1, $0x11  }
0xbd: {  	s0 =	sor.u32 s1, s0  }
0xbe: {  	s0 =	sadd.s32 $0x8F2B, s0  }
0xbf: {  	[sflag:s0] =	ssyncadd.remote.s32 $0x1  }
0xc0: {  	_ =	sfence.sel $0xFFFF  }
0xc1: {  	[dreg:$0x0] =	wrdreg $0xFFFFFFFF;
	(pc) =	sbr.abs _section_cstart, $3  }
0xc2: {  	[dreg:$0x1] =	wrdreg $0xFFFFFFFF  }
0xc3: {  	_ =	task.clear_ibuf [dreg:s7], $0x2FFFF;
	_ =	strace $0x9FFFFFFF  }
0xc4: {  	(tm) =	ssettm $0x7FFFFFFF  }
0xc5: {  	_ =	shalt  }
tec
execute0_lowered:
.L_overlay_start_1:
0x0: {  	(tag) =	ssettag $0x1  }
0x1: {  	s0 =	rddreg [dreg:$0x0]  }
0x2: {  	s1 =	rddreg [dreg:$0x1]  }
0x3: {  	s2 =	rddreg [dreg:$0x2]  }
0x4: {  	s3 =	rddreg [dreg:$0x3]  }
0x5: {  	s13 =	stileid.u32;
	s4 =	simm.s32 $0x0;
	s5 =	srdreg.scid  }
0x6: {  	s31 =	simm.s32 $0x9000;
	s28 =	simm.s32 $0x15000;
	s29 =	simm.s32 $0x2  }
0x7: {  	s30 =	simm.s32 $0x15400;
	s6 =	smul.u32 $0x4E20, s13;
	[smem:$0x7FF] =	sst s4  }
0x8: {  	s8 =	sand.u32 $0x1, s5;
	s5 =	sadd.s32 $0xBC00, s1;
	s10 =	sshll.u32 s13, $0x1  }
0x9: {  	s16 =	sshll.u32 s13, $0x6;
	p0 =	seq.s32 s13, $0x0;
	_ =	strace $0x80000047  }
0xa: {  	s11 =	ssub.s32 $0x2, s8;
	s14 =	sor.u32 s8, s10;
	s8 =	simm.s32 $0x4  }
0xb: {  	s7 =	sshrl.u32 s6, $0x4;
	s12 =	sshrl.u32 s11, $0x1;
	s6 =	sshrl.u32 s6, $0x1  }
0xc: {  	s9 =	sadd.s32 s7, s1;
	s1 =	ssub.s32 s11, s12;
	s15 =	sadd.s32 s6, s2  }
0xd: {  	s11 =	smul.u32 $0x138, s14;
	s12 =	smin.u32 s14, $0x2;
	s7 =	sor.u32 $0x1C05, s16  }
0xe: {  	s6 =	sadd.s32 s6, s3;
	s14 =	simm.s32 $0x0;
	s17 =	sadd.s32 $0x1E00, s9  }
0xf: {  	s18 =	sshll.u32 s12, $0x3;
	s9 =	sadd.s32 $0x6C20, s9;
	[dreg:$0x5] =	wrdreg s17  }
0x10: {  	s24 =	smax.u32 s1, $0x1;
	s25 =	sshrl.u32 s15, $0x3;
	[dreg:$0x6] =	wrdreg s9  }
0x11: {  	s26 =	sshrl.u32 s6, $0x3;
	s1 =	simm.s32 $0xB000;
	[dreg:$0xb] =	wrdreg s24  }
0x12: {  	s6 =	simm.s32 $0x3;
	s9 =	sadd.s32 s11, s18;
	[dreg:$0xc] =	wrdreg s25  }
0x13: {  	s11 =	simm.s32 $0x120;
	[dreg:$0xd] =	wrdreg s26;
	s10 =	smin.u32 s9, $0x25D0  }
0x14: {  	s25 =	simm.s32 $0x200;
	s24 =	simm.s32 $0x13000;
	s19 =	sshll.u32 s10, $0x2  }
0x15: {  	s26 =	simm.s32 $0x1;
	s20 =	ssub.s32 s9, s10;
	s12 =	sadd.s32 s0, s19  }
0x16: {  	s11 =	simm.s32 @!p0 $0x118;
	s13 =	sshll.u32 s20, $0x5;
	s0 =	sadd.s32 $0x9C40, s12  }
0x17: {  	s18 =	sadd.s32 $0x20, s9;
	s21 =	sadd.s32 $0x2800, s13;
	[dreg:$0x7] =	wrdreg s0  }
0x18: {  	s11 =	sadd.s32 s9, s11;
	s22 =	sadd.s32 $0x200, s13;
	[dreg:$0x8] =	wrdreg s21  }
0x19: {  	s19 =	sadd.s32 $0x40, s9;
	s23 =	sadd.s32 $0x2A00, s13;
	[dreg:$0x9] =	wrdreg s22  }
0x1a: {  	[dreg:$0xa] =	wrdreg s23;
	s22 =	simm.s32 $0x5;
	s0 =	simm.s32 $0x11000  }
.LBB2_1:
0x1b: {  	s15 =	rddreg [dreg:$0x5]  }
0x1c: {  	s16 =	rddreg [dreg:$0xc]  }
0x1d: {  	[spmem:s16], [sflag:s7] =	dma.local [hbm:s15], $0x4E2  }
0x1e: {  	_ =	swait.ge [sflag:s22], $0x4E2  }
0x1f: {  	[sflag:s22] =	ssyncset.done $0x0;
	s21 =	rddreg [dreg:$0x6]  }
0x20: {  	s23 =	rddreg [dreg:$0xd];
	[sflag:s22] =	ssyncadd.s32 $0xFFFFFB1E  }
0x21: {  	[spmem:s23], [sflag:s7] =	dma.local [hbm:s21], $0x4E2  }
0x22: {  	_ =	swait.ge [sflag:s22], $0x4E2  }
0x23: {  	[sflag:s22] =	ssyncset.done $0x0  }
0x24: {  	[sflag:s22] =	ssyncadd.s32 $0xFFFFFB1E  }
0x25: {  	[bflag:$0x0] =	sbarrier.arrive $0xFFFF  }
0x26: {  	[tilespmem:s4], [sflag:$0x5] =	stream.linear.gather [hbm4b:s12+s4], $0x2800, $0x38;
	[tilespmem:$0x1A620] =	vst v63  }
0x27: {  	_ =	swait.ge [sflag:s22], $0x2800  }
0x28: {  	[sflag:s22] =	ssyncset.done $0x0  }
0x29: {  	s20 =	simm.s32 $0x2800;
	s17 =	rddreg [dreg:$0x7];
	[sflag:s22] =	ssyncadd.s32 $0xFFFFD800  }
0x2a: {  	[tilespmem:s20], [sflag:$0x5] =	stream.linear.gather [hbm4b:s17+s4], $0x2800, $0x38;
	[tilespmem:$0x1A620] =	vst v63  }
0x2b: {  	_ =	swait.ge [sflag:s22], $0x2800  }
0x2c: {  	[sflag:s22] =	ssyncset.done $0x0  }
0x2d: {  	s23 =	simm.s32 $0x5000;
	s21 =	rddreg [dreg:$0x8];
	[sflag:s22] =	ssyncadd.s32 $0xFFFFD800  }
0x2e: {  	[tilespmem:s23], [sflag:$0x1] =	stream.indirect.gather [spmem:s2], $0x10, s21, s25, $0xb8;
	[tilespmem:$0x1A620] =	vst v63  }
0x2f: {  	s16 =	simm.s32 $0xD000  }
0x30: {  	[tilespmem:s16], [sflag:$0x1] =	stream.indirect.gather [spmem:s3], $0x10, s13, s25, $0xb8;
	[tilespmem:$0x1A620] =	vst v63  }
0x31: {  	s20 =	simm.s32 $0x7000;
	s17 =	rddreg [dreg:$0xa]  }
0x32: {  	[tilespmem:s20], [sflag:$0x1] =	stream.indirect.gather [spmem:s2], $0x10, s17, s25, $0xb8;
	[tilespmem:$0x1A620] =	vst v63  }
0x33: {  	s15 =	simm.s32 $0x0;
	s21 =	rddreg [dreg:$0x9];
	s23 =	simm.s32 $0xF000  }
0x34: {  	[tilespmem:s23], [sflag:$0x1] =	stream.indirect.gather [spmem:s3], $0x10, s21, s25, $0xb8;
	[tilespmem:$0x1A620] =	vst v63  }
.LBB2_2:
0x35: {  	s16 =	sshll.u32 s15, $0x6  }
0x36: {  	s17 =	sadd.s32 s16, s18  }
0x37: {  	s17 =	smin.u32 s17, s11  }
0x38: {  	s17 =	ssub.s32 s17, s10  }
0x39: {  	s17 =	sshll.u32 s17, $0x5  }
0x3a: {  	s20 =	sadd.s32 $0x2800, s17  }
0x3b: {  	[tilespmem:s31], [sflag:$0x2] =	stream.indirect.gather [spmem:s2], $0x10, s20, s25, $0xb8;
	[tilespmem:$0x1A620] =	vst v63  }
0x3c: {  	_ = 	snop  }
0x3d: {  	[tilespmem:s0], [sflag:$0x2] =	stream.indirect.gather [spmem:s3], $0x10, s17, s25, $0xb8;
	[tilespmem:$0x1A620] =	vst v63  }
0x3e: {  	s23 =	sadd.s32 $0x2A00, s17  }
0x3f: {  	[tilespmem:s1], [sflag:$0x2] =	stream.indirect.gather [spmem:s2], $0x10, s23, s25, $0xb8;
	[tilespmem:$0x1A620] =	vst v63  }
0x40: {  	s17 =	sadd.s32 $0x200, s17  }
0x41: {  	[tilespmem:s24], [sflag:$0x2] =	stream.indirect.gather [spmem:s3], $0x10, s17, s25, $0xb8;
	[tilespmem:$0x1A620] =	vst v63  }
0x42: {  	_ =	swait.ge [sflag:s26], $0x2000  }
0x43: {  	[sflag:s26] =	ssyncset.done $0x0  }
0x44: {  	[sflag:s26] =	ssyncadd.s32 $0xFFFFE000  }
0x45: {  	_ =	swait.ge [sflag:s26], $0x2000  }
0x46: {  	[sflag:s26] =	ssyncset.done $0x0  }
0x47: {  	[sflag:s26] =	ssyncadd.s32 $0xFFFFE000  }
0x48: {  	_ =	swait.ge [sflag:s26], $0x2000  }
0x49: {  	[sflag:s26] =	ssyncset.done $0x0  }
0x4a: {  	[sflag:s26] =	ssyncadd.s32 $0xFFFFE000  }
0x4b: {  	_ =	swait.ge [sflag:s26], $0x2000  }
0x4c: {  	p0 =	seq.s32 s15, $0x0;
	[sflag:s26] =	ssyncset.done $0x0  }
0x4d: {  	s20 =	simm.s32 @!p0 $0x3;
	[sflag:s26] =	ssyncadd.s32 $0xFFFFE000  }
0x4e: {  	_ =	swait.ge @!p0 [sflag:s20], $0x400  }
0x4f: {  	s21 =	simm.s32 $0x15010;
	[sflag:s20] =	ssyncset.done @!p0 $0x0  }
0x50: {  	s17 =	sshll.u32 s15, $0x1;
	[sflag:s20] =	ssyncadd.s32 @!p0 $0xFFFFFC00;
	s20 =	simm.s32 $0x0  }
.LBB2_3:
0x51: {  	s23 =	sshra.s32 s20, $0x2  }
0x52: {  	v0 =	vld [tilespmem:s23+$0x5000]  }
0x53: {  	v1 =	vld [tilespmem:s23+$0xD000]  }
0x54: {  	v2 =	vld [tilespmem:s23+$0x5010]  }
0x55: {  	v3 =	vld [tilespmem:s23+$0xD010]  }
0x56: {  	v4 =	vld [tilespmem:s23+$0x5020]  }
0x57: {  	v5 =	vld [tilespmem:s23+$0xD020]  }
0x58: {  	v6 =	vld [tilespmem:s23+$0x5030]  }
0x59: {  	v7 =	vld [tilespmem:s23+$0xD030]  }
0x5a: {  	v8 =	vld [tilespmem:s23+$0x5040]  }
0x5b: {  	v9 =	vld [tilespmem:s23+$0xD040]  }
0x5c: {  	v10 =	vld [tilespmem:s23+$0x5050]  }
0x5d: {  	v11 =	vld [tilespmem:s23+$0xD050]  }
0x5e: {  	v12 =	vld [tilespmem:s23+$0x5060]  }
0x5f: {  	v13 =	vld [tilespmem:s23+$0xD060]  }
0x60: {  	v14 =	vld [tilespmem:s23+$0x5070]  }
0x61: {  	v15 =	vld [tilespmem:s23+$0xD070]  }
0x62: {  	v16 =	vld [tilespmem:s23+$0x5080]  }
0x63: {  	v17 =	vld [tilespmem:s23+$0xD080]  }
0x64: {  	v18 =	vld [tilespmem:s23+$0x5090]  }
0x65: {  	v19 =	vld [tilespmem:s23+$0xD090]  }
0x66: {  	v20 =	vld [tilespmem:s23+$0x50A0]  }
0x67: {  	v21 =	vld [tilespmem:s23+$0xD0A0]  }
0x68: {  	v22 =	vld [tilespmem:s23+$0x50B0]  }
0x69: {  	v23 =	vld [tilespmem:s23+$0xD0B0]  }
0x6a: {  	v24 =	vld [tilespmem:s23+$0x50C0]  }
0x6b: {  	v25 =	vld [tilespmem:s23+$0xD0C0]  }
0x6c: {  	v26 =	vld [tilespmem:s23+$0x50D0]  }
0x6d: {  	v58 =	vld [tilespmem:s23+$0xD0D0]  }
0x6e: {  	v59 =	vld [tilespmem:s23+$0x50E0]  }
0x6f: {  	v28 =	vld [tilespmem:s23+$0xD0E0]  }
0x70: {  	v60 =	vld [tilespmem:s23+$0x50F0]  }
0x71: {  	v61 =	vld [tilespmem:s23+$0xD0F0]  }
0x72: {  	v33 =	vld [tilespmem:s23+$0x5110];
	v0 =	vmul.bf16 v1, v0;
	v2 =	vmul.bf16 v3, v2  }
0x73: {  	v35 =	vld [tilespmem:s23+$0xD110];
	v4 =	vmul.bf16 v5, v4;
	v6 =	vmul.bf16 v7, v6  }
0x74: {  	v46 =	vld [tilespmem:s23+$0x5140];
	v8 =	vmul.bf16 v9, v8;
	v10 =	vmul.bf16 v11, v10  }
0x75: {  	v48 =	vld [tilespmem:s23+$0xD140];
	v12 =	vmul.bf16 v13, v12;
	v14 =	vmul.bf16 v15, v14  }
0x76: {  	v16 =	vmul.bf16 v17, v16;
	v42 =	vmul.bf16 v19, v18  }
0x77: {  	v45 =	vmul.bf16 v21, v20;
	v50 =	vmul.bf16 v23, v22  }
0x78: {  	v52 =	vmul.bf16 v25, v24;
	v1 =	vmul.bf16 v58, v26  }
0x79: {  	v63 =	vld [tilespmem:s23+$0xD100];
	v3 =	vmul.bf16 v28, v59;
	v5 =	vmul.bf16 v61, v60  }
0x7a: {  	v37 =	vld [tilespmem:s23+$0x5120];
	v11 =	vmul.bf16 v35, v33;
	v35 =	vmul.bf16 v48, v46  }
0x7b: {  	v41 =	vld [tilespmem:s23+$0x5130];
	v27 =	vshll.u32 v0, $0x10;
	v29 =	vshll.u32 v2, $0x10;
	v0 =	vadd.f32 $0.0e+00, v0  }
0x7c: {  	v43 =	vld [tilespmem:s23+$0xD130];
	v2 =	vadd.f32 $0.0e+00, v2;
	v30 =	vshll.u32 v4, $0x10;
	v62 =	vshll.u32 v6, $0x10  }
0x7d: {  	v9 =	vld [tilespmem:s23+$0x5100];
	v32 =	vshll.u32 v8, $0x10;
	v36 =	vshll.u32 v10, $0x10;
	v38 =	vshll.u32 v12, $0x10  }
0x7e: {  	v59 =	vld [tilespmem:s23+$0x5170];
	v40 =	vshll.u32 v14, $0x10;
	v44 =	vshll.u32 v16, $0x10;
	v47 =	vshll.u32 v42, $0x10  }
0x7f: {  	v60 =	vld [tilespmem:s23+$0xD170];
	v49 =	vshll.u32 v45, $0x10;
	v54 =	vshll.u32 v50, $0x10;
	v56 =	vshll.u32 v52, $0x10  }
0x80: {  	v39 =	vld [tilespmem:s23+$0xD120];
	v58 =	vshll.u32 v1, $0x10;
	v27 =	vadd.f32 $0.0e+00, v27;
	v29 =	vadd.f32 $0.0e+00, v29  }
0x81: {  	v51 =	vld [tilespmem:s23+$0x5150];
	v61 =	vshll.u32 v3, $0x10;
	v0 =	vadd.f32 v4, v0;
	v2 =	vadd.f32 v6, v2  }
0x82: {  	v53 =	vld [tilespmem:s23+$0xD150];
	v18 =	vshll.u32 v5, $0x10;
	v27 =	vadd.f32 v30, v27;
	v4 =	vadd.f32 v62, v29  }
0x83: {  	v62 =	vmul.bf16 v63, v9;
	v29 =	vshll.u32 v11, $0x10;
	v30 =	vmul.bf16 v43, v41  }
0x84: {  	v7 =	vmul.bf16 v60, v59;
	v0 =	vadd.f32 v8, v0;
	v2 =	vadd.f32 v10, v2  }
0x85: {  	v55 =	vld [tilespmem:s23+$0x5160];
	v34 =	vadd.f32 v32, v27;
	v4 =	vadd.f32 v36, v4;
	v25 =	vshll.u32 v62, $0x10  }
0x86: {  	v57 =	vld [tilespmem:s23+$0xD160];
	v27 =	vmul.bf16 v39, v37;
	v0 =	vadd.f32 v12, v0;
	v2 =	vadd.f32 v14, v2  }
0x87: {  	v24 =	vld [tilespmem:s23+$0xD180];
	v37 =	vmul.bf16 v53, v51;
	v6 =	vadd.f32 v38, v34;
	v4 =	vadd.f32 v40, v4  }
0x88: {  	v26 =	vld [tilespmem:s23+$0x5190];
	v39 =	vshll.u32 v35, $0x10;
	v0 =	vadd.f32 v16, v0;
	v2 =	vadd.f32 v42, v2  }
0x89: {  	v63 =	vld [tilespmem:s23+$0x5180];
	v48 =	vshll.u32 v7, $0x10;
	v6 =	vadd.f32 v44, v6;
	v4 =	vadd.f32 v47, v4  }
0x8a: {  	v41 =	vld [tilespmem:s23+$0x51C0];
	v32 =	vshll.u32 v27, $0x10;
	v0 =	vadd.f32 v45, v0;
	v2 =	vadd.f32 v50, v2  }
0x8b: {  	v36 =	vld [tilespmem:s23+$0x51B0];
	v34 =	vshll.u32 v30, $0x10;
	v6 =	vadd.f32 v49, v6;
	v4 =	vadd.f32 v54, v4  }
0x8c: {  	v38 =	vld [tilespmem:s23+$0xD1B0];
	v40 =	vmul.bf16 v57, v55;
	v0 =	vadd.f32 v52, v0;
	v1 =	vadd.f32 v1, v2  }
0x8d: {  	v43 =	vld [tilespmem:s23+$0xD1C0];
	v42 =	vshll.u32 v37, $0x10;
	v6 =	vadd.f32 v56, v6;
	v4 =	vadd.f32 v58, v4  }
0x8e: {  	v28 =	vld [tilespmem:s23+$0xD190];
	v46 =	vmul.bf16 v24, v63;
	v0 =	vadd.f32 v3, v0;
	v1 =	vadd.f32 v5, v1  }
0x8f: {  	v44 =	vshll.u32 v40, $0x10;
	v47 =	vld [tilespmem:s23+$0xD1D0];
	v2 =	vadd.f32 v61, v6;
	v3 =	vadd.f32 v18, v4  }
0x90: {  	v45 =	vld [tilespmem:s23+$0x51D0];
	v50 =	vshll.u32 v46, $0x10;
	v0 =	vadd.f32 v62, v0;
	v1 =	vadd.f32 v11, v1  }
0x91: {  	v31 =	vld [tilespmem:s23+$0x51A0];
	v54 =	vmul.bf16 v38, v36;
	v2 =	vadd.f32 v25, v2;
	v3 =	vadd.f32 v29, v3  }
0x92: {  	v33 =	vld [tilespmem:s23+$0xD1A0];
	v56 =	vmul.bf16 v43, v41;
	v0 =	vadd.f32 v27, v0;
	v1 =	vadd.f32 v30, v1  }
0x93: {  	v51 =	vld [tilespmem:s23+$0xD1E0];
	v5 =	vmul.bf16 v28, v26;
	v2 =	vadd.f32 v32, v2;
	v3 =	vadd.f32 v34, v3  }
0x94: {  	v49 =	vld [tilespmem:s23+$0x51E0];
	v58 =	vshll.u32 v54, $0x10;
	v0 =	vadd.f32 v35, v0;
	v1 =	vadd.f32 v37, v1  }
0x95: {  	v6 =	vmul.bf16 v47, v45;
	v2 =	vadd.f32 v39, v2;
	v3 =	vadd.f32 v42, v3  }
0x96: {  	v53 =	vld [tilespmem:s23+$0x51F0];
	v59 =	vshll.u32 v56, $0x10;
	v0 =	vadd.f32 v40, v0;
	v1 =	vadd.f32 v7, v1  }
0x97: {  	v55 =	vld [tilespmem:s23+$0xD1F0];
	v52 =	vshll.u32 v5, $0x10;
	v2 =	vadd.f32 v44, v2;
	v3 =	vadd.f32 v48, v3  }
0x98: {  	v11 =	vmul.bf16 v33, v31;
	v0 =	vadd.f32 v46, v0;
	v1 =	vadd.f32 v5, v1  }
0x99: {  	v60 =	vmul.bf16 v51, v49;
	v2 =	vadd.f32 v50, v2;
	v3 =	vadd.f32 v52, v3  }
0x9a: {  	v57 =	vshll.u32 v11, $0x10;
	v0 =	vadd.f32 v11, v0;
	v1 =	vadd.f32 v54, v1  }
0x9b: {  	v61 =	vshll.u32 v6, $0x10;
	v2 =	vadd.f32 v57, v2;
	v3 =	vadd.f32 v58, v3  }
0x9c: {  	v7 =	vmul.bf16 v55, v53;
	v0 =	vadd.f32 v56, v0;
	v1 =	vadd.f32 v6, v1  }
0x9d: {  	v62 =	vshll.u32 v60, $0x10;
	v2 =	vadd.f32 v59, v2;
	v3 =	vadd.f32 v61, v3  }
0x9e: {  	p1 =	sne.s32 s20, $0xF800;
	v63 =	vshll.u32 v7, $0x10;
	v0 =	vadd.f32 v60, v0;
	v1 =	vadd.f32 v7, v1  }
.Ltmp0:
0x9f: {  	v2 =	vadd.f32 v62, v2;
	v3 =	vadd.f32 v63, v3;
	(pc) =	sbr.rel @p1 .LBB2_3-.Ltmp0, $4  }
0xa0: {  	v0 =	vadd.f32 v1, v0  }
0xa1: {  	v2 =	vadd.f32 v3, v2  }
0xa2: {  	[tilespmem:s21+$0x0] =	vst v0  }
0xa3: {  	s20 =	sadd.s32 $0x800, s20;
	[tilespmem:s21+$0xFFFFFFF0] =	vst v2;
	s21 =	sadd.s32 $0x20, s21  }
0xa4: {  	s20 =	sadd.s32 s9, s16;
	s17 =	sor.u32 $0x1, s17  }
0xa5: {  	s20 =	smin.u32 s20, s11;
	p1 =	sgt.u32 s17, $0x8  }
0xa6: {  	s20 =	sshll.u32 s20, $0x2;
	s16 =	sadd.s32 @!p1 s16, s19  }
0xa7: {  	s20 =	sand.u32 $0x3FFE0, s20;
	s16 =	smin.u32 @!p1 s16, s11  }
0xa8: {  	s20 =	sadd.s32 s5, s20;
	s16 =	ssub.s32 @!p1 s16, s10  }
0xa9: {  	[hbm4b:s20+s4] =	stream.linear.scatter [tilespmem:s28], [sflag:$0x3], $0x400, $0x38;
	[tilespmem:$0x1A620] =	vst v63  }
0xaa: {  	s16 =	sshll.u32 @!p1 s16, $0x5  }
0xab: {  	s21 =	simm.s32 @!p1 $0x200;
	s23 =	simm.s32 @!p1 $0x5000;
	s20 =	sadd.s32 @!p1 $0x2800, s16  }
0xac: {  	[tilespmem:s23], [sflag:$0x1] =	stream.indirect.gather @!p1 [spmem:s2], $0x10, s20, s21, $0xb8;
	[tilespmem:$0x1A620] =	vst v63  }
0xad: {  	s20 =	simm.s32 @!p1 $0xD000  }
0xae: {  	[tilespmem:s20], [sflag:$0x1] =	stream.indirect.gather @!p1 [spmem:s3], $0x10, s16, s21, $0xb8;
	[tilespmem:$0x1A620] =	vst v63  }
0xaf: {  	s23 =	simm.s32 @!p1 $0x7000;
	s20 =	sadd.s32 @!p1 $0x2A00, s16  }
0xb0: {  	[tilespmem:s23], [sflag:$0x1] =	stream.indirect.gather @!p1 [spmem:s2], $0x10, s20, s21, $0xb8;
	[tilespmem:$0x1A620] =	vst v63  }
0xb1: {  	s16 =	sadd.s32 @!p1 $0x200, s16;
	s20 =	simm.s32 @!p1 $0xF000  }
0xb2: {  	[tilespmem:s20], [sflag:$0x1] =	stream.indirect.gather @!p1 [spmem:s3], $0x10, s16, s21, $0xb8;
	[tilespmem:$0x1A620] =	vst v63  }
0xb3: {  	_ =	swait.ge [sflag:s29], $0x2000  }
0xb4: {  	[sflag:s29] =	ssyncset.done $0x0  }
0xb5: {  	[sflag:s29] =	ssyncadd.s32 $0xFFFFE000  }
0xb6: {  	_ =	swait.ge [sflag:s29], $0x2000  }
0xb7: {  	[sflag:s29] =	ssyncset.done $0x0  }
0xb8: {  	[sflag:s29] =	ssyncadd.s32 $0xFFFFE000  }
0xb9: {  	_ =	swait.ge [sflag:s29], $0x2000  }
0xba: {  	[sflag:s29] =	ssyncset.done $0x0  }
0xbb: {  	[sflag:s29] =	ssyncadd.s32 $0xFFFFE000  }
0xbc: {  	_ =	swait.ge [sflag:s29], $0x2000  }
0xbd: {  	[sflag:s29] =	ssyncset.done $0x0  }
0xbe: {  	s16 =	simm.s32 @!p0 $0x4;
	[sflag:s29] =	ssyncadd.s32 $0xFFFFE000  }
0xbf: {  	_ =	swait.ge @!p0 [sflag:s16], $0x400  }
0xc0: {  	[sflag:s16] =	ssyncset.done @!p0 $0x0  }
0xc1: {  	s20 =	simm.s32 $0x15410;
	[sflag:s16] =	ssyncadd.s32 @!p0 $0xFFFFFC00;
	s16 =	simm.s32 $0x0  }
.LBB2_5:
0xc2: {  	s21 =	sshra.s32 s16, $0x2  }
0xc3: {  	v0 =	vld [tilespmem:s21+$0x9000]  }
0xc4: {  	v1 =	vld [tilespmem:s21+$0x11000]  }
0xc5: {  	v2 =	vld [tilespmem:s21+$0x9010]  }
0xc6: {  	v3 =	vld [tilespmem:s21+$0x11010]  }
0xc7: {  	v4 =	vld [tilespmem:s21+$0x9020]  }
0xc8: {  	v5 =	vld [tilespmem:s21+$0x11020]  }
0xc9: {  	v6 =	vld [tilespmem:s21+$0x9030]  }
0xca: {  	v7 =	vld [tilespmem:s21+$0x11030]  }
0xcb: {  	v8 =	vld [tilespmem:s21+$0x9040]  }
0xcc: {  	v9 =	vld [tilespmem:s21+$0x11040]  }
0xcd: {  	v10 =	vld [tilespmem:s21+$0x9050]  }
0xce: {  	v11 =	vld [tilespmem:s21+$0x11050]  }
0xcf: {  	v12 =	vld [tilespmem:s21+$0x9060]  }
0xd0: {  	v13 =	vld [tilespmem:s21+$0x11060]  }
0xd1: {  	v14 =	vld [tilespmem:s21+$0x9070]  }
0xd2: {  	v15 =	vld [tilespmem:s21+$0x11070]  }
0xd3: {  	v16 =	vld [tilespmem:s21+$0x9080]  }
0xd4: {  	v17 =	vld [tilespmem:s21+$0x11080]  }
0xd5: {  	v18 =	vld [tilespmem:s21+$0x9090]  }
0xd6: {  	v19 =	vld [tilespmem:s21+$0x11090]  }
0xd7: {  	v20 =	vld [tilespmem:s21+$0x90A0]  }
0xd8: {  	v21 =	vld [tilespmem:s21+$0x110A0]  }
0xd9: {  	v22 =	vld [tilespmem:s21+$0x90B0]  }
0xda: {  	v23 =	vld [tilespmem:s21+$0x110B0]  }
0xdb: {  	v24 =	vld [tilespmem:s21+$0x90C0]  }
0xdc: {  	v25 =	vld [tilespmem:s21+$0x110C0]  }
0xdd: {  	v26 =	vld [tilespmem:s21+$0x90D0]  }
0xde: {  	v58 =	vld [tilespmem:s21+$0x110D0]  }
0xdf: {  	v59 =	vld [tilespmem:s21+$0x90E0]  }
0xe0: {  	v28 =	vld [tilespmem:s21+$0x110E0]  }
0xe1: {  	v60 =	vld [tilespmem:s21+$0x90F0]  }
0xe2: {  	v61 =	vld [tilespmem:s21+$0x110F0]  }
0xe3: {  	v33 =	vld [tilespmem:s21+$0x9110];
	v0 =	vmul.bf16 v1, v0;
	v2 =	vmul.bf16 v3, v2  }
0xe4: {  	v35 =	vld [tilespmem:s21+$0x11110];
	v4 =	vmul.bf16 v5, v4;
	v6 =	vmul.bf16 v7, v6  }
0xe5: {  	v46 =	vld [tilespmem:s21+$0x9140];
	v8 =	vmul.bf16 v9, v8;
	v10 =	vmul.bf16 v11, v10  }
0xe6: {  	v48 =	vld [tilespmem:s21+$0x11140];
	v12 =	vmul.bf16 v13, v12;
	v14 =	vmul.bf16 v15, v14  }
0xe7: {  	v16 =	vmul.bf16 v17, v16;
	v42 =	vmul.bf16 v19, v18  }
0xe8: {  	v45 =	vmul.bf16 v21, v20;
	v50 =	vmul.bf16 v23, v22  }
0xe9: {  	v52 =	vmul.bf16 v25, v24;
	v1 =	vmul.bf16 v58, v26  }
0xea: {  	v63 =	vld [tilespmem:s21+$0x11100];
	v3 =	vmul.bf16 v28, v59;
	v5 =	vmul.bf16 v61, v60  }
0xeb: {  	v37 =	vld [tilespmem:s21+$0x9120];
	v11 =	vmul.bf16 v35, v33;
	v35 =	vmul.bf16 v48, v46  }
0xec: {  	v41 =	vld [tilespmem:s21+$0x9130];
	v27 =	vshll.u32 v0, $0x10;
	v29 =	vshll.u32 v2, $0x10;
	v0 =	vadd.f32 $0.0e+00, v0  }
0xed: {  	v43 =	vld [tilespmem:s21+$0x11130];
	v2 =	vadd.f32 $0.0e+00, v2;
	v30 =	vshll.u32 v4, $0x10;
	v62 =	vshll.u32 v6, $0x10  }
0xee: {  	v9 =	vld [tilespmem:s21+$0x9100];
	v32 =	vshll.u32 v8, $0x10;
	v36 =	vshll.u32 v10, $0x10;
	v38 =	vshll.u32 v12, $0x10  }
0xef: {  	v59 =	vld [tilespmem:s21+$0x9170];
	v40 =	vshll.u32 v14, $0x10;
	v44 =	vshll.u32 v16, $0x10;
	v47 =	vshll.u32 v42, $0x10  }
0xf0: {  	v60 =	vld [tilespmem:s21+$0x11170];
	v49 =	vshll.u32 v45, $0x10;
	v54 =	vshll.u32 v50, $0x10;
	v56 =	vshll.u32 v52, $0x10  }
0xf1: {  	v39 =	vld [tilespmem:s21+$0x11120];
	v58 =	vshll.u32 v1, $0x10;
	v27 =	vadd.f32 $0.0e+00, v27;
	v29 =	vadd.f32 $0.0e+00, v29  }
0xf2: {  	v51 =	vld [tilespmem:s21+$0x9150];
	v61 =	vshll.u32 v3, $0x10;
	v0 =	vadd.f32 v4, v0;
	v2 =	vadd.f32 v6, v2  }
0xf3: {  	v53 =	vld [tilespmem:s21+$0x11150];
	v18 =	vshll.u32 v5, $0x10;
	v27 =	vadd.f32 v30, v27;
	v4 =	vadd.f32 v62, v29  }
0xf4: {  	v62 =	vmul.bf16 v63, v9;
	v29 =	vshll.u32 v11, $0x10;
	v30 =	vmul.bf16 v43, v41  }
0xf5: {  	v7 =	vmul.bf16 v60, v59;
	v0 =	vadd.f32 v8, v0;
	v2 =	vadd.f32 v10, v2  }
0xf6: {  	v55 =	vld [tilespmem:s21+$0x9160];
	v34 =	vadd.f32 v32, v27;
	v4 =	vadd.f32 v36, v4;
	v25 =	vshll.u32 v62, $0x10  }
0xf7: {  	v57 =	vld [tilespmem:s21+$0x11160];
	v27 =	vmul.bf16 v39, v37;
	v0 =	vadd.f32 v12, v0;
	v2 =	vadd.f32 v14, v2  }
0xf8: {  	v24 =	vld [tilespmem:s21+$0x11180];
	v37 =	vmul.bf16 v53, v51;
	v6 =	vadd.f32 v38, v34;
	v4 =	vadd.f32 v40, v4  }
0xf9: {  	v26 =	vld [tilespmem:s21+$0x9190];
	v39 =	vshll.u32 v35, $0x10;
	v0 =	vadd.f32 v16, v0;
	v2 =	vadd.f32 v42, v2  }
0xfa: {  	v63 =	vld [tilespmem:s21+$0x9180];
	v48 =	vshll.u32 v7, $0x10;
	v6 =	vadd.f32 v44, v6;
	v4 =	vadd.f32 v47, v4  }
0xfb: {  	v41 =	vld [tilespmem:s21+$0x91C0];
	v32 =	vshll.u32 v27, $0x10;
	v0 =	vadd.f32 v45, v0;
	v2 =	vadd.f32 v50, v2  }
0xfc: {  	v36 =	vld [tilespmem:s21+$0x91B0];
	v34 =	vshll.u32 v30, $0x10;
	v6 =	vadd.f32 v49, v6;
	v4 =	vadd.f32 v54, v4  }
0xfd: {  	v38 =	vld [tilespmem:s21+$0x111B0];
	v40 =	vmul.bf16 v57, v55;
	v0 =	vadd.f32 v52, v0;
	v1 =	vadd.f32 v1, v2  }
0xfe: {  	v43 =	vld [tilespmem:s21+$0x111C0];
	v42 =	vshll.u32 v37, $0x10;
	v6 =	vadd.f32 v56, v6;
	v4 =	vadd.f32 v58, v4  }
0xff: {  	v28 =	vld [tilespmem:s21+$0x11190];
	v46 =	vmul.bf16 v24, v63;
	v0 =	vadd.f32 v3, v0;
	v1 =	vadd.f32 v5, v1  }
0x100: {  	v44 =	vshll.u32 v40, $0x10;
	v47 =	vld [tilespmem:s21+$0x111D0];
	v2 =	vadd.f32 v61, v6;
	v3 =	vadd.f32 v18, v4  }
0x101: {  	v45 =	vld [tilespmem:s21+$0x91D0];
	v50 =	vshll.u32 v46, $0x10;
	v0 =	vadd.f32 v62, v0;
	v1 =	vadd.f32 v11, v1  }
0x102: {  	v31 =	vld [tilespmem:s21+$0x91A0];
	v54 =	vmul.bf16 v38, v36;
	v2 =	vadd.f32 v25, v2;
	v3 =	vadd.f32 v29, v3  }
0x103: {  	v33 =	vld [tilespmem:s21+$0x111A0];
	v56 =	vmul.bf16 v43, v41;
	v0 =	vadd.f32 v27, v0;
	v1 =	vadd.f32 v30, v1  }
0x104: {  	v51 =	vld [tilespmem:s21+$0x111E0];
	v5 =	vmul.bf16 v28, v26;
	v2 =	vadd.f32 v32, v2;
	v3 =	vadd.f32 v34, v3  }
0x105: {  	v49 =	vld [tilespmem:s21+$0x91E0];
	v58 =	vshll.u32 v54, $0x10;
	v0 =	vadd.f32 v35, v0;
	v1 =	vadd.f32 v37, v1  }
0x106: {  	v6 =	vmul.bf16 v47, v45;
	v2 =	vadd.f32 v39, v2;
	v3 =	vadd.f32 v42, v3  }
0x107: {  	v53 =	vld [tilespmem:s21+$0x91F0];
	v59 =	vshll.u32 v56, $0x10;
	v0 =	vadd.f32 v40, v0;
	v1 =	vadd.f32 v7, v1  }
0x108: {  	v55 =	vld [tilespmem:s21+$0x111F0];
	v52 =	vshll.u32 v5, $0x10;
	v2 =	vadd.f32 v44, v2;
	v3 =	vadd.f32 v48, v3  }
0x109: {  	v11 =	vmul.bf16 v33, v31;
	v0 =	vadd.f32 v46, v0;
	v1 =	vadd.f32 v5, v1  }
0x10a: {  	v60 =	vmul.bf16 v51, v49;
	v2 =	vadd.f32 v50, v2;
	v3 =	vadd.f32 v52, v3  }
0x10b: {  	v57 =	vshll.u32 v11, $0x10;
	v0 =	vadd.f32 v11, v0;
	v1 =	vadd.f32 v54, v1  }
0x10c: {  	v61 =	vshll.u32 v6, $0x10;
	v2 =	vadd.f32 v57, v2;
	v3 =	vadd.f32 v58, v3  }
0x10d: {  	v7 =	vmul.bf16 v55, v53;
	v0 =	vadd.f32 v56, v0;
	v1 =	vadd.f32 v6, v1  }
0x10e: {  	v62 =	vshll.u32 v60, $0x10;
	v2 =	vadd.f32 v59, v2;
	v3 =	vadd.f32 v61, v3  }
0x10f: {  	p0 =	sne.s32 s16, $0xF800;
	v63 =	vshll.u32 v7, $0x10;
	v0 =	vadd.f32 v60, v0;
	v1 =	vadd.f32 v7, v1  }
.Ltmp1:
0x110: {  	v2 =	vadd.f32 v62, v2;
	v3 =	vadd.f32 v63, v3;
	(pc) =	sbr.rel @p0 .LBB2_5-.Ltmp1, $4  }
0x111: {  	v0 =	vadd.f32 v1, v0  }
0x112: {  	v2 =	vadd.f32 v3, v2  }
0x113: {  	[tilespmem:s20+$0x0] =	vst v0  }
0x114: {  	s16 =	sadd.s32 $0x800, s16;
	[tilespmem:s20+$0xFFFFFFF0] =	vst v2;
	s20 =	sadd.s32 $0x20, s20  }
0x115: {  	s16 =	sshll.u32 s17, $0x5;
	s15 =	sadd.s32 $0x1, s15  }
0x116: {  	s16 =	sadd.s32 s9, s16;
	p0 =	sne.s32 s15, $0x5  }
.Ltmp2:
0x117: {  	s16 =	smin.u32 s16, s11;
	(pc) =	sbr.rel @p0 .LBB2_2-.Ltmp2, $4  }
0x118: {  	s16 =	sshll.u32 s16, $0x2  }
0x119: {  	s16 =	sand.u32 $0x3FFE0, s16  }
0x11a: {  	s16 =	sadd.s32 s5, s16  }
0x11b: {  	[hbm4b:s16+s4] =	stream.linear.scatter [tilespmem:s30], [sflag:$0x4], $0x400, $0x38;
	[tilespmem:$0x1A620] =	vst v63  }
0x11c: {  	_ =	swait.ge [sflag:s6], $0x400  }
0x11d: {  	[sflag:s6] =	ssyncset.done $0x0  }
0x11e: {  	[sflag:s6] =	ssyncadd.s32 $0xFFFFFC00  }
0x11f: {  	_ =	swait.ge [sflag:s8], $0x400  }
0x120: {  	s14 =	sadd.s32 $0x1, s14;
	s15 =	rddreg [dreg:$0xb]  }
0x121: {  	p0 =	sne.s32 s14, s15  }
.Ltmp3:
0x122: {  	_ = 	snop;
	(pc) =	sbr.rel @p0 .LBB2_1-.Ltmp3, $3  }
0x123: {  	_ =	sdelay $0x1  }
0x124: {  	[sflag:s8] =	ssyncset.done $0x0  }
0x125: {  	[sflag:s8] =	ssyncadd.s32 $0xFFFFFC00  }
0x126: {  	_ =	sfence.sel $0x180000  }
0x127: {  	[bflag:$0x0] =	sbarrier.arrive $0xFFFF  }
0x128: {  	_ =	strace $0x90000047  }
0x129: {  	s0 =	stileid.u32;
	[bflag:$0x2] =	sbarrier.arrive $0xFFFF  }
0x12a: {  	p0 =	sne.s32 s0, $0x0;
	s0 =	rddreg [dreg:$0x4]  }
0x12b: {  	s0 =	sadd.s32 @!p0 $0x100000, s0  }
0x12c: {  	[sflag:s0] =	ssyncadd.tile.s32 @!p0 $0x1;
	_ =	shalt  }
.Lfunc_end2:
_tile_overlayer_lowered:
.L_overlay_start_2:
0x12d: {  	(tag) =	ssettag $0x2  }
0x12e: {  	s0 =	rddreg [dreg:$0x0];
	s2 =	stileid.u32  }
0x12f: {  	s1 =	rddreg [dreg:$0x1];
	p0 =	sne.s32 s2, $0x0  }
0x130: {  	s3 =	rddreg [dreg:$0x2];
	[bflag:$0x3] =	sbarrier.arrive $0xFFFF;
	s2 =	simm.s32 @!p0 $0x1C05  }
0x131: {  	[timem:s3], [sflag:s2] =	dma.local @!p0 [hbm:s0], s1  }
0x132: {  	s0 =	simm.s32 @!p0 $0x5  }
0x133: {  	_ =	swait.ge @!p0 [sflag:s0], s1  }
0x134: {  	s1 =	ssub.s32 @!p0 $0x0, s1;
	[sflag:s0] =	ssyncset.done @!p0 $0x0  }
0x135: {  	[sflag:s0] =	ssyncadd.s32 @!p0 s1  }
0x136: {  	[bflag:$0x3] =	sbarrier.arrive $0xFFFF  }
0x137: {  	_ =	shalt  }

</sc_bundles>
